<compile_context>
chip_gen: v7x
topology: tpu7x:2x2x1
jax: 0.10.2.dev20260603
libtpu: 0.0.44.dev20260713+nightly
codegen_flags: <defaults>
</compile_context>

<pallas_src>
import functools

import jax
import jax.numpy as jnp
from jax import lax
from jax.experimental import pallas as pl
from jax.experimental.pallas import tpu as pltpu
from jax.experimental.pallas import tpu_sc as plsc

_L = 16
_NSLOT = 3


@functools.lru_cache(maxsize=None)
def _build_sc_bel(B: int, W: int, H: int):
    NW = 32
    WC = 16
    units = (B * W) // WC
    assert units * WC == B * W and W % WC == 0
    upb = W // WC
    HG = H // _L
    assert HG * _L == H
    MAXK = (units + NW - 1) // NW
    full_k = units - (MAXK - 1) * NW

    mesh = plsc.VectorSubcoreMesh(core_axis_name="c", subcore_axis_name="s")

    data_bufs = [pltpu.VMEM((WC, H), jnp.float32) for _ in range(2 * _NSLOT)]
    const_bufs = [pltpu.VMEM((WC, H), jnp.float32) for _ in range(2)]
    sems = [pltpu.SemaphoreType.DMA for _ in range(2 * _NSLOT)]

    @functools.partial(
        pl.kernel,
        mesh=mesh,
        out_type=jax.ShapeDtypeStruct((B, W, 4, H), jnp.float32),
        scratch_types=data_bufs + const_bufs + sems,
        compiler_params=pltpu.CompilerParams(needs_layout_passes=False),
    )
    def body(in_hbm, bel_hbm, *sc):
        bufs = [sc[2 * s:2 * s + 2] for s in range(_NSLOT)]
        zb, ob = sc[2 * _NSLOT], sc[2 * _NSLOT + 1]
        sin = sc[2 * _NSLOT + 2:2 * _NSLOT + 2 + _NSLOT]
        sout = sc[2 * _NSLOT + 2 + _NSLOT:]
        wid = lax.axis_index("s") * 2 + lax.axis_index("c")
        zero_v = jnp.zeros((_L,), jnp.float32)
        one_v = jnp.ones((_L,), jnp.float32)

        def const_fill(w, c):
            def hbody(hg, c2):
                hs = pl.ds(hg * _L, _L)
                zb[w, hs] = zero_v
                ob[w, hs] = one_v
                return c2

            lax.fori_loop(0, HG, hbody, 0)
            return c

        lax.fori_loop(0, WC, const_fill, 0)

        def unit_pos(k):
            u = k * NW + wid
            return u // upb, pl.ds((u % upb) * WC, WC)

        def in_copies(k, s):
            b, ws = unit_pos(k)
            x0s, x1s = bufs[s]
            sem = sin[s]
            return [(in_hbm.at[b, 0, ws], x0s, sem),
                    (in_hbm.at[b, 1, ws], x1s, sem)]

        def out_copies(k, s):
            b, ws = unit_pos(k)
            x0s, x1s = bufs[s]
            sem = sout[s]
            return [(zb, bel_hbm.at[b, ws, 0], sem),
                    (x0s, bel_hbm.at[b, ws, 1], sem),
                    (x1s, bel_hbm.at[b, ws, 2], sem),
                    (ob, bel_hbm.at[b, ws, 3], sem)]

        def issue(copies):
            for src, dst, sem in copies:
                pltpu.async_copy(src, dst, sem)

        def drain(copies):
            for src, dst, sem in copies:
                pltpu.make_async_copy(src, dst, sem).wait()

        def stage_body(k, s):
            def body_fn():
                drain(in_copies(k, s))
                issue(out_copies(k, s))
            return body_fn

        def stage(k, s, first=False):
            if not first:
                drain(out_copies(k - 2, (s - 2) % _NSLOT))
            issue(in_copies(k + 1, (s + 1) % _NSLOT))
            stage_body(k, s)()

        issue(in_copies(0, 0))
        stage(0, 0, first=True)
        stage(1, 1, first=True)
        nbody = (MAXK - 4) // _NSLOT
        ktail = 2 + _NSLOT * nbody

        def group(g, c):
            k0 = _NSLOT * g + 2
            for j in range(_NSLOT):
                stage(k0 + j, (2 + j) % _NSLOT)
            return c

        lax.fori_loop(0, nbody, group, 0)
        for k in range(ktail, MAXK):
            s = k % _NSLOT
            if k == MAXK - 1 and full_k != NW:
                drain(out_copies(k - 2, (s - 2) % _NSLOT))
                pl.when(wid < full_k)(stage_body(k, s))
            else:
                nxt = k + 1
                if nxt < MAXK and (nxt < MAXK - 1 or full_k == NW):
                    stage(k, s)
                else:
                    drain(out_copies(k - 2, (s - 2) % _NSLOT))
                    if nxt < MAXK and nxt == MAXK - 1 and full_k != NW:
                        def issue_next(nxt=nxt, s=s):
                            issue(in_copies(nxt, (s + 1) % _NSLOT))
                        pl.when(wid < full_k)(issue_next)
                    stage_body(k, s)()
        drain(out_copies(MAXK - 2, (MAXK - 2) % _NSLOT))

        def drain_last():
            drain(out_copies(MAXK - 1, (MAXK - 1) % _NSLOT))

        if full_k == NW:
            drain_last()
        else:
            pl.when(wid < full_k)(drain_last)

    return body


@functools.lru_cache(maxsize=None)
def _build_tc_pl(B: int, W: int, H: int):
    TW = 624
    assert W % TW == 0

    def body(x_ref, o_ref):
        x0 = x_ref[0, 0]
        x1 = x_ref[0, 1]
        x2 = x_ref[0, 2]
        o_ref[0, :, 0, :] = jnp.zeros((TW, H), jnp.float32)
        o_ref[0, :, 1, :] = x0 + x2
        o_ref[0, :, 2, :] = x1 + x2
        o_ref[0, :, 3, :] = jnp.ones((TW, H), jnp.float32)

    return pl.pallas_call(
        body,
        grid=(B, W // TW),
        in_specs=[pl.BlockSpec((1, 3, TW, H), lambda b, w: (b, 0, w, 0))],
        out_specs=pl.BlockSpec((1, TW, 4, H), lambda b, w: (b, w, 0, 0)),
        out_shape=jax.ShapeDtypeStruct((B, W, 4, H), jnp.float32),
    )


def kernel(inputs):
    B, H, W, C = inputs.shape
    assert C == 3, "kernel specialized for a 2-class frame (3 input channels)"
    xt = jnp.transpose(inputs, (0, 3, 2, 1))
    bel_t = _build_sc_bel(B, W, H)(xt)
    pl_t = _build_tc_pl(B, W, H)(xt)
    bel = jnp.transpose(bel_t, (0, 3, 1, 2))
    pl_full = jnp.transpose(pl_t, (0, 3, 1, 2))
    return (bel, pl_full)

# --- scband reference (transcript-rebuilt; emitter-appended) ---
"""Pipeline reference for scband-belief-plausibility-35656818492190 (READ-ONLY COPY).

The authoritative reference and input builder live on the scoring server;
editing this copy changes nothing except your own understanding.
"""

import jax, jax.numpy as jnp
import numpy as np


def _subset_singleton_indices(card):
    # For each non-empty strict subset i+1 of the frame of discernment,
    # find which singleton classes (bit positions) are contained in it.
    singleton = 2 ** np.arange(card)
    idx_list = []
    for i in range(2 ** card - 2):
        bits = np.bitwise_and(i + 1, singleton)
        idx = [j for j in range(card) if bits[j] > 0]
        idx_list.append(np.asarray(idx, dtype=np.int32))
    return idx_list


def setup_inputs(seed: int = 0) -> dict:
    key = jax.random.key(seed)
    # [B, 384, 1248, cardinal_fod + 1]; last channel is the mass on omega
    inputs = jax.random.uniform(key, (4, 384, 1248, 3), dtype=jnp.float32)
    return {"inputs": inputs}


def reference(inputs):
    cardinal_fod = inputs.shape[-1] - 1
    zero_value = jnp.zeros_like(inputs[:, :, :, 1])[..., None]
    unity_value = jnp.ones_like(zero_value)

    idx_list = _subset_singleton_indices(cardinal_fod)
    bel_parts = []
    for idx in idx_list:
        bel_i = jnp.take(inputs, jnp.asarray(idx), axis=-1)
        bel_parts.append(jnp.sum(bel_i, axis=-1, keepdims=True))
    bel = jnp.concatenate(bel_parts, axis=-1)

    pl = bel
    bel_full = jnp.concatenate([zero_value, bel, unity_value], axis=-1)
    mass_omega = inputs[:, :, :, -1][..., None]
    pl = pl + mass_omega
    pl_full = jnp.concatenate([zero_value, pl, unity_value], axis=-1)
    return (bel_full, pl_full)

if __name__ == "__main__":
    import jax
    _d = setup_inputs()
    print(jax.jit(kernel)(*tuple(_d.values())))

</pallas_src>

<mosaic_0001>
#map = affine_map<(d0, d1) -> (0, 0, 0, 0)>
module attributes {stable_mosaic.version = 14 : i64} {
  func.func @body(%arg0: i32, %arg1: i32, %arg2: memref<4x3x1248x384xf32, #tpu.memory_space<hbm>>, %arg3: memref<4x1248x4x384xf32, #tpu.memory_space<hbm>>, %arg4: memref<16x384xf32, #tpu.memory_space<vmem>>, %arg5: memref<16x384xf32, #tpu.memory_space<vmem>>, %arg6: memref<16x384xf32, #tpu.memory_space<vmem>>, %arg7: memref<16x384xf32, #tpu.memory_space<vmem>>, %arg8: memref<16x384xf32, #tpu.memory_space<vmem>>, %arg9: memref<16x384xf32, #tpu.memory_space<vmem>>, %arg10: memref<16x384xf32, #tpu.memory_space<vmem>>, %arg11: memref<16x384xf32, #tpu.memory_space<vmem>>, %arg12: memref<!tpu.dma_semaphore, #tpu.memory_space<semaphore_mem>>, %arg13: memref<!tpu.dma_semaphore, #tpu.memory_space<semaphore_mem>>, %arg14: memref<!tpu.dma_semaphore, #tpu.memory_space<semaphore_mem>>, %arg15: memref<!tpu.dma_semaphore, #tpu.memory_space<semaphore_mem>>, %arg16: memref<!tpu.dma_semaphore, #tpu.memory_space<semaphore_mem>>, %arg17: memref<!tpu.dma_semaphore, #tpu.memory_space<semaphore_mem>>) attributes {dimension_semantics = [#tpu.dimension_semantics<core_parallel>, #tpu.dimension_semantics<subcore_parallel>], iteration_bounds = array<i64: 2, 16>, scalar_prefetch = 0 : i64, scratch_operands = 14 : i64, tpu.core_type = #tpu.core_type<sc_vector_subcore>, window_params = [{transform_indices = #map}, {transform_indices = #map}]} {
    %mul3A = arith.constant 2 : i32
    %mul3A_0 = arith.muli %arg1, %mul3A : i32
    %add3A = arith.addi %mul3A_0, %arg0 : i32
    %broadcast_in_dim3A = arith.constant 0.000000e+00 : f32
    %broadcast_in_dim3A_1 = vector.broadcast %broadcast_in_dim3A : f32 to vector<16xf32>
    %broadcast_in_dim3A_2 = arith.constant 1.000000e+00 : f32
    %broadcast_in_dim3A_3 = vector.broadcast %broadcast_in_dim3A_2 : f32 to vector<16xf32>
    %scan3A = arith.constant 0 : i32
    %scan3A_4 = arith.constant 0 : i32
    %scan3A_5 = arith.constant 16 : i32
    %scan3A_6 = arith.addi %scan3A_4, %scan3A_5 : i32
    %scan3A_7 = arith.constant 1 : i32
    scf.for %scan3A_796 = %scan3A_4 to %scan3A_6 step %scan3A_7  : i32 {
      %scan3A_797 = arith.constant 0 : i32
      %scan3A_798 = arith.constant 0 : i32
      %scan3A_799 = arith.constant 24 : i32
      %scan3A_800 = arith.addi %scan3A_798, %scan3A_799 : i32
      %scan3A_801 = arith.constant 1 : i32
      scf.for %scan3A_803 = %scan3A_798 to %scan3A_800 step %scan3A_801  : i32 {
        %mul3A_804 = arith.constant 16 : i32
        %mul3A_805 = arith.muli %scan3A_803, %mul3A_804 : i32
        %swap3A = arith.index_cast %scan3A_796 : i32 to index
        %swap3A_806 = arith.index_cast %mul3A_805 : i32 to index
        %swap3A_807 = tpu.vector_load %arg10[%swap3A, %swap3A_806] {strides = array<i32>} : memref<16x384xf32, #tpu.memory_space<vmem>>, vector<16xf32>,
        tpu.vector_store %arg10[%swap3A, %swap3A_806], %broadcast_in_dim3A_1 {strides = array<i32>} : memref<16x384xf32, #tpu.memory_space<vmem>>, vector<16xf32>,
        %swap3A_808 = arith.index_cast %scan3A_796 : i32 to index
        %swap3A_809 = arith.index_cast %mul3A_805 : i32 to index
        %swap3A_810 = tpu.vector_load %arg11[%swap3A_808, %swap3A_809] {strides = array<i32>} : memref<16x384xf32, #tpu.memory_space<vmem>>, vector<16xf32>,
        tpu.vector_store %arg11[%swap3A_808, %swap3A_809], %broadcast_in_dim3A_3 {strides = array<i32>} : memref<16x384xf32, #tpu.memory_space<vmem>>, vector<16xf32>,
      }
      %scan3A_802 = arith.constant 24 : i32
    }
    %scan3A_8 = arith.constant 16 : i32
    %add3A_9 = arith.constant 0 : i32
    %add3A_10 = arith.addi %add3A_9, %add3A : i32
    %jit3A = arith.constant 78 : i32
    %div3A = arith.divsi %add3A_10, %jit3A : i32
    %sign3A = arith.constant 0 : i32
    %sign3A_11 = arith.cmpi sgt, %add3A_10, %sign3A : i32
    %sign3A_12 = arith.extui %sign3A_11 : i1 to i32
    %sign3A_13 = arith.constant 0 : i32
    %sign3A_14 = arith.cmpi slt, %add3A_10, %sign3A_13 : i32
    %sign3A_15 = arith.extui %sign3A_14 : i1 to i32
    %sign3A_16 = arith.subi %sign3A_12, %sign3A_15 : i32
    %sign3A_17 = arith.constant 0 : i32
    %sign3A_18 = arith.cmpi sgt, %jit3A, %sign3A_17 : i32
    %sign3A_19 = arith.extui %sign3A_18 : i1 to i32
    %sign3A_20 = arith.constant 0 : i32
    %sign3A_21 = arith.cmpi slt, %jit3A, %sign3A_20 : i32
    %sign3A_22 = arith.extui %sign3A_21 : i1 to i32
    %sign3A_23 = arith.subi %sign3A_19, %sign3A_22 : i32
    %ne3A = arith.cmpi ne, %sign3A_16, %sign3A_23 : i32
    %rem3A = arith.remsi %add3A_10, %jit3A : i32
    %ne3A_24 = arith.constant 0 : i32
    %ne3A_25 = arith.cmpi ne, %rem3A, %ne3A_24 : i32
    %and3A = arith.andi %ne3A, %ne3A_25 : i1
    %sub3A = arith.constant 1 : i32
    %sub3A_26 = arith.subi %div3A, %sub3A : i32
    %select_n3A = arith.select %and3A, %sub3A_26, %div3A : i32
    %jit3A_27 = arith.constant 78 : i32
    %eq3A = arith.constant 0 : i32
    %eq3A_28 = arith.cmpi eq, %jit3A_27, %eq3A : i32
    %jit3A_29 = arith.constant 1 : i32
    %select_n3A_30 = arith.select %eq3A_28, %jit3A_29, %jit3A_27 : i32
    %rem3A_31 = arith.remsi %add3A_10, %select_n3A_30 : i32
    %ne3A_32 = arith.constant 0 : i32
    %ne3A_33 = arith.cmpi ne, %rem3A_31, %ne3A_32 : i32
    %lt3A = arith.constant 0 : i32
    %lt3A_34 = arith.cmpi slt, %rem3A_31, %lt3A : i32
    %lt3A_35 = arith.constant 0 : i32
    %lt3A_36 = arith.cmpi slt, %select_n3A_30, %lt3A_35 : i32
    %ne3A_37 = arith.xori %lt3A_34, %lt3A_36 : i1
    %and3A_38 = arith.andi %ne3A_37, %ne3A_33 : i1
    %add3A_39 = arith.addi %rem3A_31, %select_n3A_30 : i32
    %select_n3A_40 = arith.select %and3A_38, %add3A_39, %rem3A_31 : i32
    %mul3A_41 = arith.constant 16 : i32
    %mul3A_42 = arith.muli %select_n3A_40, %mul3A_41 : i32
    %dma_start3A = arith.constant 0 : i32
    %dma_start3A_43 = arith.constant 0 : i32
    %dma_start3A_44 = tpu.memref_slice %arg2[%select_n3A, %dma_start3A, %mul3A_42, %dma_start3A_43] : memref<4x3x1248x384xf32, #tpu.memory_space<hbm>> -> memref<1x1x16x384xf32, #tpu.memory_space<hbm>>
    %dma_start3A_45 = tpu.memref_squeeze %dma_start3A_44 : memref<1x1x16x384xf32, #tpu.memory_space<hbm>> -> memref<16x384xf32, #tpu.memory_space<hbm>>
    %dma_start3A_46 = arith.constant 0 : i32
    %dma_start3A_47 = tpu.memref_slice %arg2[%select_n3A, %dma_start3A, %mul3A_42, %dma_start3A_46] : memref<4x3x1248x384xf32, #tpu.memory_space<hbm>> -> memref<1x1x16x384xf32, #tpu.memory_space<hbm>>
    %dma_start3A_48 = tpu.memref_squeeze %dma_start3A_47 : memref<1x1x16x384xf32, #tpu.memory_space<hbm>> -> memref<16x384xf32, #tpu.memory_space<hbm>>
    tpu.enqueue_dma source(%dma_start3A_48 : memref<16x384xf32, #tpu.memory_space<hbm>>) target(%arg4 : memref<16x384xf32, #tpu.memory_space<vmem>>) target_semaphore(%arg12 : memref<!tpu.dma_semaphore, #tpu.memory_space<semaphore_mem>>)
    %dma_start3A_49 = arith.constant 1 : i32
    %dma_start3A_50 = arith.constant 0 : i32
    %dma_start3A_51 = tpu.memref_slice %arg2[%select_n3A, %dma_start3A_49, %mul3A_42, %dma_start3A_50] : memref<4x3x1248x384xf32, #tpu.memory_space<hbm>> -> memref<1x1x16x384xf32, #tpu.memory_space<hbm>>
    %dma_start3A_52 = tpu.memref_squeeze %dma_start3A_51 : memref<1x1x16x384xf32, #tpu.memory_space<hbm>> -> memref<16x384xf32, #tpu.memory_space<hbm>>
    %dma_start3A_53 = arith.constant 0 : i32
    %dma_start3A_54 = tpu.memref_slice %arg2[%select_n3A, %dma_start3A_49, %mul3A_42, %dma_start3A_53] : memref<4x3x1248x384xf32, #tpu.memory_space<hbm>> -> memref<1x1x16x384xf32, #tpu.memory_space<hbm>>
    %dma_start3A_55 = tpu.memref_squeeze %dma_start3A_54 : memref<1x1x16x384xf32, #tpu.memory_space<hbm>> -> memref<16x384xf32, #tpu.memory_space<hbm>>
    tpu.enqueue_dma source(%dma_start3A_55 : memref<16x384xf32, #tpu.memory_space<hbm>>) target(%arg5 : memref<16x384xf32, #tpu.memory_space<vmem>>) target_semaphore(%arg12 : memref<!tpu.dma_semaphore, #tpu.memory_space<semaphore_mem>>)
    %add3A_56 = arith.constant 32 : i32
    %add3A_57 = arith.addi %add3A_56, %add3A : i32
    %jit3A_58 = arith.constant 78 : i32
    %div3A_59 = arith.divsi %add3A_57, %jit3A_58 : i32
    %sign3A_60 = arith.constant 0 : i32
    %sign3A_61 = arith.cmpi sgt, %add3A_57, %sign3A_60 : i32
    %sign3A_62 = arith.extui %sign3A_61 : i1 to i32
    %sign3A_63 = arith.constant 0 : i32
    %sign3A_64 = arith.cmpi slt, %add3A_57, %sign3A_63 : i32
    %sign3A_65 = arith.extui %sign3A_64 : i1 to i32
    %sign3A_66 = arith.subi %sign3A_62, %sign3A_65 : i32
    %sign3A_67 = arith.constant 0 : i32
    %sign3A_68 = arith.cmpi sgt, %jit3A_58, %sign3A_67 : i32
    %sign3A_69 = arith.extui %sign3A_68 : i1 to i32
    %sign3A_70 = arith.constant 0 : i32
    %sign3A_71 = arith.cmpi slt, %jit3A_58, %sign3A_70 : i32
    %sign3A_72 = arith.extui %sign3A_71 : i1 to i32
    %sign3A_73 = arith.subi %sign3A_69, %sign3A_72 : i32
    %ne3A_74 = arith.cmpi ne, %sign3A_66, %sign3A_73 : i32
    %rem3A_75 = arith.remsi %add3A_57, %jit3A_58 : i32
    %ne3A_76 = arith.constant 0 : i32
    %ne3A_77 = arith.cmpi ne, %rem3A_75, %ne3A_76 : i32
    %and3A_78 = arith.andi %ne3A_74, %ne3A_77 : i1
    %sub3A_79 = arith.constant 1 : i32
    %sub3A_80 = arith.subi %div3A_59, %sub3A_79 : i32
    %select_n3A_81 = arith.select %and3A_78, %sub3A_80, %div3A_59 : i32
    %jit3A_82 = arith.constant 78 : i32
    %eq3A_83 = arith.constant 0 : i32
    %eq3A_84 = arith.cmpi eq, %jit3A_82, %eq3A_83 : i32
    %jit3A_85 = arith.constant 1 : i32
    %select_n3A_86 = arith.select %eq3A_84, %jit3A_85, %jit3A_82 : i32
    %rem3A_87 = arith.remsi %add3A_57, %select_n3A_86 : i32
    %ne3A_88 = arith.constant 0 : i32
    %ne3A_89 = arith.cmpi ne, %rem3A_87, %ne3A_88 : i32
    %lt3A_90 = arith.constant 0 : i32
    %lt3A_91 = arith.cmpi slt, %rem3A_87, %lt3A_90 : i32
    %lt3A_92 = arith.constant 0 : i32
    %lt3A_93 = arith.cmpi slt, %select_n3A_86, %lt3A_92 : i32
    %ne3A_94 = arith.xori %lt3A_91, %lt3A_93 : i1
    %and3A_95 = arith.andi %ne3A_94, %ne3A_89 : i1
    %add3A_96 = arith.addi %rem3A_87, %select_n3A_86 : i32
    %select_n3A_97 = arith.select %and3A_95, %add3A_96, %rem3A_87 : i32
    %mul3A_98 = arith.constant 16 : i32
    %mul3A_99 = arith.muli %select_n3A_97, %mul3A_98 : i32
    %dma_start3A_100 = arith.constant 0 : i32
    %dma_start3A_101 = arith.constant 0 : i32
    %dma_start3A_102 = tpu.memref_slice %arg2[%select_n3A_81, %dma_start3A_100, %mul3A_99, %dma_start3A_101] : memref<4x3x1248x384xf32, #tpu.memory_space<hbm>> -> memref<1x1x16x384xf32, #tpu.memory_space<hbm>>
    %dma_start3A_103 = tpu.memref_squeeze %dma_start3A_102 : memref<1x1x16x384xf32, #tpu.memory_space<hbm>> -> memref<16x384xf32, #tpu.memory_space<hbm>>
    %dma_start3A_104 = arith.constant 0 : i32
    %dma_start3A_105 = tpu.memref_slice %arg2[%select_n3A_81, %dma_start3A_100, %mul3A_99, %dma_start3A_104] : memref<4x3x1248x384xf32, #tpu.memory_space<hbm>> -> memref<1x1x16x384xf32, #tpu.memory_space<hbm>>
    %dma_start3A_106 = tpu.memref_squeeze %dma_start3A_105 : memref<1x1x16x384xf32, #tpu.memory_space<hbm>> -> memref<16x384xf32, #tpu.memory_space<hbm>>
    tpu.enqueue_dma source(%dma_start3A_106 : memref<16x384xf32, #tpu.memory_space<hbm>>) target(%arg6 : memref<16x384xf32, #tpu.memory_space<vmem>>) target_semaphore(%arg13 : memref<!tpu.dma_semaphore, #tpu.memory_space<semaphore_mem>>)
    %dma_start3A_107 = arith.constant 1 : i32
    %dma_start3A_108 = arith.constant 0 : i32
    %dma_start3A_109 = tpu.memref_slice %arg2[%select_n3A_81, %dma_start3A_107, %mul3A_99, %dma_start3A_108] : memref<4x3x1248x384xf32, #tpu.memory_space<hbm>> -> memref<1x1x16x384xf32, #tpu.memory_space<hbm>>
    %dma_start3A_110 = tpu.memref_squeeze %dma_start3A_109 : memref<1x1x16x384xf32, #tpu.memory_space<hbm>> -> memref<16x384xf32, #tpu.memory_space<hbm>>
    %dma_start3A_111 = arith.constant 0 : i32
    %dma_start3A_112 = tpu.memref_slice %arg2[%select_n3A_81, %dma_start3A_107, %mul3A_99, %dma_start3A_111] : memref<4x3x1248x384xf32, #tpu.memory_space<hbm>> -> memref<1x1x16x384xf32, #tpu.memory_space<hbm>>
    %dma_start3A_113 = tpu.memref_squeeze %dma_start3A_112 : memref<1x1x16x384xf32, #tpu.memory_space<hbm>> -> memref<16x384xf32, #tpu.memory_space<hbm>>
    tpu.enqueue_dma source(%dma_start3A_113 : memref<16x384xf32, #tpu.memory_space<hbm>>) target(%arg7 : memref<16x384xf32, #tpu.memory_space<vmem>>) target_semaphore(%arg13 : memref<!tpu.dma_semaphore, #tpu.memory_space<semaphore_mem>>)
    %add3A_114 = arith.constant 0 : i32
    %add3A_115 = arith.addi %add3A_114, %add3A : i32
    %jit3A_116 = arith.constant 78 : i32
    %div3A_117 = arith.divsi %add3A_115, %jit3A_116 : i32
    %sign3A_118 = arith.constant 0 : i32
    %sign3A_119 = arith.cmpi sgt, %add3A_115, %sign3A_118 : i32
    %sign3A_120 = arith.extui %sign3A_119 : i1 to i32
    %sign3A_121 = arith.constant 0 : i32
    %sign3A_122 = arith.cmpi slt, %add3A_115, %sign3A_121 : i32
    %sign3A_123 = arith.extui %sign3A_122 : i1 to i32
    %sign3A_124 = arith.subi %sign3A_120, %sign3A_123 : i32
    %sign3A_125 = arith.constant 0 : i32
    %sign3A_126 = arith.cmpi sgt, %jit3A_116, %sign3A_125 : i32
    %sign3A_127 = arith.extui %sign3A_126 : i1 to i32
    %sign3A_128 = arith.constant 0 : i32
    %sign3A_129 = arith.cmpi slt, %jit3A_116, %sign3A_128 : i32
    %sign3A_130 = arith.extui %sign3A_129 : i1 to i32
    %sign3A_131 = arith.subi %sign3A_127, %sign3A_130 : i32
    %ne3A_132 = arith.cmpi ne, %sign3A_124, %sign3A_131 : i32
    %rem3A_133 = arith.remsi %add3A_115, %jit3A_116 : i32
    %ne3A_134 = arith.constant 0 : i32
    %ne3A_135 = arith.cmpi ne, %rem3A_133, %ne3A_134 : i32
    %and3A_136 = arith.andi %ne3A_132, %ne3A_135 : i1
    %sub3A_137 = arith.constant 1 : i32
    %sub3A_138 = arith.subi %div3A_117, %sub3A_137 : i32
    %select_n3A_139 = arith.select %and3A_136, %sub3A_138, %div3A_117 : i32
    %jit3A_140 = arith.constant 78 : i32
    %eq3A_141 = arith.constant 0 : i32
    %eq3A_142 = arith.cmpi eq, %jit3A_140, %eq3A_141 : i32
    %jit3A_143 = arith.constant 1 : i32
    %select_n3A_144 = arith.select %eq3A_142, %jit3A_143, %jit3A_140 : i32
    %rem3A_145 = arith.remsi %add3A_115, %select_n3A_144 : i32
    %ne3A_146 = arith.constant 0 : i32
    %ne3A_147 = arith.cmpi ne, %rem3A_145, %ne3A_146 : i32
    %lt3A_148 = arith.constant 0 : i32
    %lt3A_149 = arith.cmpi slt, %rem3A_145, %lt3A_148 : i32
    %lt3A_150 = arith.constant 0 : i32
    %lt3A_151 = arith.cmpi slt, %select_n3A_144, %lt3A_150 : i32
    %ne3A_152 = arith.xori %lt3A_149, %lt3A_151 : i1
    %and3A_153 = arith.andi %ne3A_152, %ne3A_147 : i1
    %add3A_154 = arith.addi %rem3A_145, %select_n3A_144 : i32
    %select_n3A_155 = arith.select %and3A_153, %add3A_154, %rem3A_145 : i32
    %mul3A_156 = arith.constant 16 : i32
    %mul3A_157 = arith.muli %select_n3A_155, %mul3A_156 : i32
    %dma_wait3A = arith.constant 0 : i32
    %dma_wait3A_158 = arith.constant 0 : i32
    %dma_wait3A_159 = tpu.memref_slice %arg2[%select_n3A_139, %dma_wait3A, %mul3A_157, %dma_wait3A_158] : memref<4x3x1248x384xf32, #tpu.memory_space<hbm>> -> memref<1x1x16x384xf32, #tpu.memory_space<hbm>>
    %dma_wait3A_160 = tpu.memref_squeeze %dma_wait3A_159 : memref<1x1x16x384xf32, #tpu.memory_space<hbm>> -> memref<16x384xf32, #tpu.memory_space<hbm>>
    %dma_wait3A_161 = arith.constant 0 : i32
    %dma_wait3A_162 = tpu.memref_slice %arg2[%select_n3A_139, %dma_wait3A, %mul3A_157, %dma_wait3A_161] : memref<4x3x1248x384xf32, #tpu.memory_space<hbm>> -> memref<1x1x16x384xf32, #tpu.memory_space<hbm>>
    %dma_wait3A_163 = tpu.memref_squeeze %dma_wait3A_162 : memref<1x1x16x384xf32, #tpu.memory_space<hbm>> -> memref<16x384xf32, #tpu.memory_space<hbm>>
    tpu.wait_dma2 semaphore(%arg12 : memref<!tpu.dma_semaphore, #tpu.memory_space<semaphore_mem>>) src(%dma_wait3A_163 : memref<16x384xf32, #tpu.memory_space<hbm>>) dst(%arg4 : memref<16x384xf32, #tpu.memory_space<vmem>>)
    %dma_wait3A_164 = arith.constant 1 : i32
    %dma_wait3A_165 = arith.constant 0 : i32
    %dma_wait3A_166 = tpu.memref_slice %arg2[%select_n3A_139, %dma_wait3A_164, %mul3A_157, %dma_wait3A_165] : memref<4x3x1248x384xf32, #tpu.memory_space<hbm>> -> memref<1x1x16x384xf32, #tpu.memory_space<hbm>>
    %dma_wait3A_167 = tpu.memref_squeeze %dma_wait3A_166 : memref<1x1x16x384xf32, #tpu.memory_space<hbm>> -> memref<16x384xf32, #tpu.memory_space<hbm>>
    %dma_wait3A_168 = arith.constant 0 : i32
    %dma_wait3A_169 = tpu.memref_slice %arg2[%select_n3A_139, %dma_wait3A_164, %mul3A_157, %dma_wait3A_168] : memref<4x3x1248x384xf32, #tpu.memory_space<hbm>> -> memref<1x1x16x384xf32, #tpu.memory_space<hbm>>
    %dma_wait3A_170 = tpu.memref_squeeze %dma_wait3A_169 : memref<1x1x16x384xf32, #tpu.memory_space<hbm>> -> memref<16x384xf32, #tpu.memory_space<hbm>>
    tpu.wait_dma2 semaphore(%arg12 : memref<!tpu.dma_semaphore, #tpu.memory_space<semaphore_mem>>) src(%dma_wait3A_170 : memref<16x384xf32, #tpu.memory_space<hbm>>) dst(%arg5 : memref<16x384xf32, #tpu.memory_space<vmem>>)
    %add3A_171 = arith.constant 0 : i32
    %add3A_172 = arith.addi %add3A_171, %add3A : i32
    %jit3A_173 = arith.constant 78 : i32
    %div3A_174 = arith.divsi %add3A_172, %jit3A_173 : i32
    %sign3A_175 = arith.constant 0 : i32
    %sign3A_176 = arith.cmpi sgt, %add3A_172, %sign3A_175 : i32
    %sign3A_177 = arith.extui %sign3A_176 : i1 to i32
    %sign3A_178 = arith.constant 0 : i32
    %sign3A_179 = arith.cmpi slt, %add3A_172, %sign3A_178 : i32
    %sign3A_180 = arith.extui %sign3A_179 : i1 to i32
    %sign3A_181 = arith.subi %sign3A_177, %sign3A_180 : i32
    %sign3A_182 = arith.constant 0 : i32
    %sign3A_183 = arith.cmpi sgt, %jit3A_173, %sign3A_182 : i32
    %sign3A_184 = arith.extui %sign3A_183 : i1 to i32
    %sign3A_185 = arith.constant 0 : i32
    %sign3A_186 = arith.cmpi slt, %jit3A_173, %sign3A_185 : i32
    %sign3A_187 = arith.extui %sign3A_186 : i1 to i32
    %sign3A_188 = arith.subi %sign3A_184, %sign3A_187 : i32
    %ne3A_189 = arith.cmpi ne, %sign3A_181, %sign3A_188 : i32
    %rem3A_190 = arith.remsi %add3A_172, %jit3A_173 : i32
    %ne3A_191 = arith.constant 0 : i32
    %ne3A_192 = arith.cmpi ne, %rem3A_190, %ne3A_191 : i32
    %and3A_193 = arith.andi %ne3A_189, %ne3A_192 : i1
    %sub3A_194 = arith.constant 1 : i32
    %sub3A_195 = arith.subi %div3A_174, %sub3A_194 : i32
    %select_n3A_196 = arith.select %and3A_193, %sub3A_195, %div3A_174 : i32
    %jit3A_197 = arith.constant 78 : i32
    %eq3A_198 = arith.constant 0 : i32
    %eq3A_199 = arith.cmpi eq, %jit3A_197, %eq3A_198 : i32
    %jit3A_200 = arith.constant 1 : i32
    %select_n3A_201 = arith.select %eq3A_199, %jit3A_200, %jit3A_197 : i32
    %rem3A_202 = arith.remsi %add3A_172, %select_n3A_201 : i32
    %ne3A_203 = arith.constant 0 : i32
    %ne3A_204 = arith.cmpi ne, %rem3A_202, %ne3A_203 : i32
    %lt3A_205 = arith.constant 0 : i32
    %lt3A_206 = arith.cmpi slt, %rem3A_202, %lt3A_205 : i32
    %lt3A_207 = arith.constant 0 : i32
    %lt3A_208 = arith.cmpi slt, %select_n3A_201, %lt3A_207 : i32
    %ne3A_209 = arith.xori %lt3A_206, %lt3A_208 : i1
    %and3A_210 = arith.andi %ne3A_209, %ne3A_204 : i1
    %add3A_211 = arith.addi %rem3A_202, %select_n3A_201 : i32
    %select_n3A_212 = arith.select %and3A_210, %add3A_211, %rem3A_202 : i32
    %mul3A_213 = arith.constant 16 : i32
    %mul3A_214 = arith.muli %select_n3A_212, %mul3A_213 : i32
    %dma_start3A_215 = arith.constant 0 : i32
    %dma_start3A_216 = arith.constant 0 : i32
    %dma_start3A_217 = tpu.memref_slice %arg3[%select_n3A_196, %mul3A_214, %dma_start3A_215, %dma_start3A_216] : memref<4x1248x4x384xf32, #tpu.memory_space<hbm>> -> memref<1x16x1x384xf32, #tpu.memory_space<hbm>>
    %dma_start3A_218 = tpu.memref_squeeze %dma_start3A_217 : memref<1x16x1x384xf32, #tpu.memory_space<hbm>> -> memref<16x384xf32, #tpu.memory_space<hbm>>
    %dma_start3A_219 = arith.constant 0 : i32
    %dma_start3A_220 = tpu.memref_slice %arg3[%select_n3A_196, %mul3A_214, %dma_start3A_215, %dma_start3A_219] : memref<4x1248x4x384xf32, #tpu.memory_space<hbm>> -> memref<1x16x1x384xf32, #tpu.memory_space<hbm>>
    %dma_start3A_221 = tpu.memref_squeeze %dma_start3A_220 : memref<1x16x1x384xf32, #tpu.memory_space<hbm>> -> memref<16x384xf32, #tpu.memory_space<hbm>>
    tpu.enqueue_dma source(%arg10 : memref<16x384xf32, #tpu.memory_space<vmem>>) target(%dma_start3A_221 : memref<16x384xf32, #tpu.memory_space<hbm>>) target_semaphore(%arg15 : memref<!tpu.dma_semaphore, #tpu.memory_space<semaphore_mem>>)
    %dma_start3A_222 = arith.constant 1 : i32
    %dma_start3A_223 = arith.constant 0 : i32
    %dma_start3A_224 = tpu.memref_slice %arg3[%select_n3A_196, %mul3A_214, %dma_start3A_222, %dma_start3A_223] : memref<4x1248x4x384xf32, #tpu.memory_space<hbm>> -> memref<1x16x1x384xf32, #tpu.memory_space<hbm>>
    %dma_start3A_225 = tpu.memref_squeeze %dma_start3A_224 : memref<1x16x1x384xf32, #tpu.memory_space<hbm>> -> memref<16x384xf32, #tpu.memory_space<hbm>>
    %dma_start3A_226 = arith.constant 0 : i32
    %dma_start3A_227 = tpu.memref_slice %arg3[%select_n3A_196, %mul3A_214, %dma_start3A_222, %dma_start3A_226] : memref<4x1248x4x384xf32, #tpu.memory_space<hbm>> -> memref<1x16x1x384xf32, #tpu.memory_space<hbm>>
    %dma_start3A_228 = tpu.memref_squeeze %dma_start3A_227 : memref<1x16x1x384xf32, #tpu.memory_space<hbm>> -> memref<16x384xf32, #tpu.memory_space<hbm>>
    tpu.enqueue_dma source(%arg4 : memref<16x384xf32, #tpu.memory_space<vmem>>) target(%dma_start3A_228 : memref<16x384xf32, #tpu.memory_space<hbm>>) target_semaphore(%arg15 : memref<!tpu.dma_semaphore, #tpu.memory_space<semaphore_mem>>)
    %dma_start3A_229 = arith.constant 2 : i32
    %dma_start3A_230 = arith.constant 0 : i32
    %dma_start3A_231 = tpu.memref_slice %arg3[%select_n3A_196, %mul3A_214, %dma_start3A_229, %dma_start3A_230] : memref<4x1248x4x384xf32, #tpu.memory_space<hbm>> -> memref<1x16x1x384xf32, #tpu.memory_space<hbm>>
    %dma_start3A_232 = tpu.memref_squeeze %dma_start3A_231 : memref<1x16x1x384xf32, #tpu.memory_space<hbm>> -> memref<16x384xf32, #tpu.memory_space<hbm>>
    %dma_start3A_233 = arith.constant 0 : i32
    %dma_start3A_234 = tpu.memref_slice %arg3[%select_n3A_196, %mul3A_214, %dma_start3A_229, %dma_start3A_233] : memref<4x1248x4x384xf32, #tpu.memory_space<hbm>> -> memref<1x16x1x384xf32, #tpu.memory_space<hbm>>
    %dma_start3A_235 = tpu.memref_squeeze %dma_start3A_234 : memref<1x16x1x384xf32, #tpu.memory_space<hbm>> -> memref<16x384xf32, #tpu.memory_space<hbm>>
    tpu.enqueue_dma source(%arg5 : memref<16x384xf32, #tpu.memory_space<vmem>>) target(%dma_start3A_235 : memref<16x384xf32, #tpu.memory_space<hbm>>) target_semaphore(%arg15 : memref<!tpu.dma_semaphore, #tpu.memory_space<semaphore_mem>>)
    %dma_start3A_236 = arith.constant 3 : i32
    %dma_start3A_237 = arith.constant 0 : i32
    %dma_start3A_238 = tpu.memref_slice %arg3[%select_n3A_196, %mul3A_214, %dma_start3A_236, %dma_start3A_237] : memref<4x1248x4x384xf32, #tpu.memory_space<hbm>> -> memref<1x16x1x384xf32, #tpu.memory_space<hbm>>
    %dma_start3A_239 = tpu.memref_squeeze %dma_start3A_238 : memref<1x16x1x384xf32, #tpu.memory_space<hbm>> -> memref<16x384xf32, #tpu.memory_space<hbm>>
    %dma_start3A_240 = arith.constant 0 : i32
    %dma_start3A_241 = tpu.memref_slice %arg3[%select_n3A_196, %mul3A_214, %dma_start3A_236, %dma_start3A_240] : memref<4x1248x4x384xf32, #tpu.memory_space<hbm>> -> memref<1x16x1x384xf32, #tpu.memory_space<hbm>>
    %dma_start3A_242 = tpu.memref_squeeze %dma_start3A_241 : memref<1x16x1x384xf32, #tpu.memory_space<hbm>> -> memref<16x384xf32, #tpu.memory_space<hbm>>
    tpu.enqueue_dma source(%arg11 : memref<16x384xf32, #tpu.memory_space<vmem>>) target(%dma_start3A_242 : memref<16x384xf32, #tpu.memory_space<hbm>>) target_semaphore(%arg15 : memref<!tpu.dma_semaphore, #tpu.memory_space<semaphore_mem>>)
    %add3A_243 = arith.constant 64 : i32
    %add3A_244 = arith.addi %add3A_243, %add3A : i32
    %jit3A_245 = arith.constant 78 : i32
    %div3A_246 = arith.divsi %add3A_244, %jit3A_245 : i32
    %sign3A_247 = arith.constant 0 : i32
    %sign3A_248 = arith.cmpi sgt, %add3A_244, %sign3A_247 : i32
    %sign3A_249 = arith.extui %sign3A_248 : i1 to i32
    %sign3A_250 = arith.constant 0 : i32
    %sign3A_251 = arith.cmpi slt, %add3A_244, %sign3A_250 : i32
    %sign3A_252 = arith.extui %sign3A_251 : i1 to i32
    %sign3A_253 = arith.subi %sign3A_249, %sign3A_252 : i32
    %sign3A_254 = arith.constant 0 : i32
    %sign3A_255 = arith.cmpi sgt, %jit3A_245, %sign3A_254 : i32
    %sign3A_256 = arith.extui %sign3A_255 : i1 to i32
    %sign3A_257 = arith.constant 0 : i32
    %sign3A_258 = arith.cmpi slt, %jit3A_245, %sign3A_257 : i32
    %sign3A_259 = arith.extui %sign3A_258 : i1 to i32
    %sign3A_260 = arith.subi %sign3A_256, %sign3A_259 : i32
    %ne3A_261 = arith.cmpi ne, %sign3A_253, %sign3A_260 : i32
    %rem3A_262 = arith.remsi %add3A_244, %jit3A_245 : i32
    %ne3A_263 = arith.constant 0 : i32
    %ne3A_264 = arith.cmpi ne, %rem3A_262, %ne3A_263 : i32
    %and3A_265 = arith.andi %ne3A_261, %ne3A_264 : i1
    %sub3A_266 = arith.constant 1 : i32
    %sub3A_267 = arith.subi %div3A_246, %sub3A_266 : i32
    %select_n3A_268 = arith.select %and3A_265, %sub3A_267, %div3A_246 : i32
    %jit3A_269 = arith.constant 78 : i32
    %eq3A_270 = arith.constant 0 : i32
    %eq3A_271 = arith.cmpi eq, %jit3A_269, %eq3A_270 : i32
    %jit3A_272 = arith.constant 1 : i32
    %select_n3A_273 = arith.select %eq3A_271, %jit3A_272, %jit3A_269 : i32
    %rem3A_274 = arith.remsi %add3A_244, %select_n3A_273 : i32
    %ne3A_275 = arith.constant 0 : i32
    %ne3A_276 = arith.cmpi ne, %rem3A_274, %ne3A_275 : i32
    %lt3A_277 = arith.constant 0 : i32
    %lt3A_278 = arith.cmpi slt, %rem3A_274, %lt3A_277 : i32
    %lt3A_279 = arith.constant 0 : i32
    %lt3A_280 = arith.cmpi slt, %select_n3A_273, %lt3A_279 : i32
    %ne3A_281 = arith.xori %lt3A_278, %lt3A_280 : i1
    %and3A_282 = arith.andi %ne3A_281, %ne3A_276 : i1
    %add3A_283 = arith.addi %rem3A_274, %select_n3A_273 : i32
    %select_n3A_284 = arith.select %and3A_282, %add3A_283, %rem3A_274 : i32
    %mul3A_285 = arith.constant 16 : i32
    %mul3A_286 = arith.muli %select_n3A_284, %mul3A_285 : i32
    %dma_start3A_287 = arith.constant 0 : i32
    %dma_start3A_288 = arith.constant 0 : i32
    %dma_start3A_289 = tpu.memref_slice %arg2[%select_n3A_268, %dma_start3A_287, %mul3A_286, %dma_start3A_288] : memref<4x3x1248x384xf32, #tpu.memory_space<hbm>> -> memref<1x1x16x384xf32, #tpu.memory_space<hbm>>
    %dma_start3A_290 = tpu.memref_squeeze %dma_start3A_289 : memref<1x1x16x384xf32, #tpu.memory_space<hbm>> -> memref<16x384xf32, #tpu.memory_space<hbm>>
    %dma_start3A_291 = arith.constant 0 : i32
    %dma_start3A_292 = tpu.memref_slice %arg2[%select_n3A_268, %dma_start3A_287, %mul3A_286, %dma_start3A_291] : memref<4x3x1248x384xf32, #tpu.memory_space<hbm>> -> memref<1x1x16x384xf32, #tpu.memory_space<hbm>>
    %dma_start3A_293 = tpu.memref_squeeze %dma_start3A_292 : memref<1x1x16x384xf32, #tpu.memory_space<hbm>> -> memref<16x384xf32, #tpu.memory_space<hbm>>
    tpu.enqueue_dma source(%dma_start3A_293 : memref<16x384xf32, #tpu.memory_space<hbm>>) target(%arg8 : memref<16x384xf32, #tpu.memory_space<vmem>>) target_semaphore(%arg14 : memref<!tpu.dma_semaphore, #tpu.memory_space<semaphore_mem>>)
    %dma_start3A_294 = arith.constant 1 : i32
    %dma_start3A_295 = arith.constant 0 : i32
    %dma_start3A_296 = tpu.memref_slice %arg2[%select_n3A_268, %dma_start3A_294, %mul3A_286, %dma_start3A_295] : memref<4x3x1248x384xf32, #tpu.memory_space<hbm>> -> memref<1x1x16x384xf32, #tpu.memory_space<hbm>>
    %dma_start3A_297 = tpu.memref_squeeze %dma_start3A_296 : memref<1x1x16x384xf32, #tpu.memory_space<hbm>> -> memref<16x384xf32, #tpu.memory_space<hbm>>
    %dma_start3A_298 = arith.constant 0 : i32
    %dma_start3A_299 = tpu.memref_slice %arg2[%select_n3A_268, %dma_start3A_294, %mul3A_286, %dma_start3A_298] : memref<4x3x1248x384xf32, #tpu.memory_space<hbm>> -> memref<1x1x16x384xf32, #tpu.memory_space<hbm>>
    %dma_start3A_300 = tpu.memref_squeeze %dma_start3A_299 : memref<1x1x16x384xf32, #tpu.memory_space<hbm>> -> memref<16x384xf32, #tpu.memory_space<hbm>>
    tpu.enqueue_dma source(%dma_start3A_300 : memref<16x384xf32, #tpu.memory_space<hbm>>) target(%arg9 : memref<16x384xf32, #tpu.memory_space<vmem>>) target_semaphore(%arg14 : memref<!tpu.dma_semaphore, #tpu.memory_space<semaphore_mem>>)
    %add3A_301 = arith.constant 32 : i32
    %add3A_302 = arith.addi %add3A_301, %add3A : i32
    %jit3A_303 = arith.constant 78 : i32
    %div3A_304 = arith.divsi %add3A_302, %jit3A_303 : i32
    %sign3A_305 = arith.constant 0 : i32
    %sign3A_306 = arith.cmpi sgt, %add3A_302, %sign3A_305 : i32
    %sign3A_307 = arith.extui %sign3A_306 : i1 to i32
    %sign3A_308 = arith.constant 0 : i32
    %sign3A_309 = arith.cmpi slt, %add3A_302, %sign3A_308 : i32
    %sign3A_310 = arith.extui %sign3A_309 : i1 to i32
    %sign3A_311 = arith.subi %sign3A_307, %sign3A_310 : i32
    %sign3A_312 = arith.constant 0 : i32
    %sign3A_313 = arith.cmpi sgt, %jit3A_303, %sign3A_312 : i32
    %sign3A_314 = arith.extui %sign3A_313 : i1 to i32
    %sign3A_315 = arith.constant 0 : i32
    %sign3A_316 = arith.cmpi slt, %jit3A_303, %sign3A_315 : i32
    %sign3A_317 = arith.extui %sign3A_316 : i1 to i32
    %sign3A_318 = arith.subi %sign3A_314, %sign3A_317 : i32
    %ne3A_319 = arith.cmpi ne, %sign3A_311, %sign3A_318 : i32
    %rem3A_320 = arith.remsi %add3A_302, %jit3A_303 : i32
    %ne3A_321 = arith.constant 0 : i32
    %ne3A_322 = arith.cmpi ne, %rem3A_320, %ne3A_321 : i32
    %and3A_323 = arith.andi %ne3A_319, %ne3A_322 : i1
    %sub3A_324 = arith.constant 1 : i32
    %sub3A_325 = arith.subi %div3A_304, %sub3A_324 : i32
    %select_n3A_326 = arith.select %and3A_323, %sub3A_325, %div3A_304 : i32
    %jit3A_327 = arith.constant 78 : i32
    %eq3A_328 = arith.constant 0 : i32
    %eq3A_329 = arith.cmpi eq, %jit3A_327, %eq3A_328 : i32
    %jit3A_330 = arith.constant 1 : i32
    %select_n3A_331 = arith.select %eq3A_329, %jit3A_330, %jit3A_327 : i32
    %rem3A_332 = arith.remsi %add3A_302, %select_n3A_331 : i32
    %ne3A_333 = arith.constant 0 : i32
    %ne3A_334 = arith.cmpi ne, %rem3A_332, %ne3A_333 : i32
    %lt3A_335 = arith.constant 0 : i32
    %lt3A_336 = arith.cmpi slt, %rem3A_332, %lt3A_335 : i32
    %lt3A_337 = arith.constant 0 : i32
    %lt3A_338 = arith.cmpi slt, %select_n3A_331, %lt3A_337 : i32
    %ne3A_339 = arith.xori %lt3A_336, %lt3A_338 : i1
    %and3A_340 = arith.andi %ne3A_339, %ne3A_334 : i1
    %add3A_341 = arith.addi %rem3A_332, %select_n3A_331 : i32
    %select_n3A_342 = arith.select %and3A_340, %add3A_341, %rem3A_332 : i32
    %mul3A_343 = arith.constant 16 : i32
    %mul3A_344 = arith.muli %select_n3A_342, %mul3A_343 : i32
    %dma_wait3A_345 = arith.constant 0 : i32
    %dma_wait3A_346 = arith.constant 0 : i32
    %dma_wait3A_347 = tpu.memref_slice %arg2[%select_n3A_326, %dma_wait3A_345, %mul3A_344, %dma_wait3A_346] : memref<4x3x1248x384xf32, #tpu.memory_space<hbm>> -> memref<1x1x16x384xf32, #tpu.memory_space<hbm>>
    %dma_wait3A_348 = tpu.memref_squeeze %dma_wait3A_347 : memref<1x1x16x384xf32, #tpu.memory_space<hbm>> -> memref<16x384xf32, #tpu.memory_space<hbm>>
    %dma_wait3A_349 = arith.constant 0 : i32
    %dma_wait3A_350 = tpu.memref_slice %arg2[%select_n3A_326, %dma_wait3A_345, %mul3A_344, %dma_wait3A_349] : memref<4x3x1248x384xf32, #tpu.memory_space<hbm>> -> memref<1x1x16x384xf32, #tpu.memory_space<hbm>>
    %dma_wait3A_351 = tpu.memref_squeeze %dma_wait3A_350 : memref<1x1x16x384xf32, #tpu.memory_space<hbm>> -> memref<16x384xf32, #tpu.memory_space<hbm>>
    tpu.wait_dma2 semaphore(%arg13 : memref<!tpu.dma_semaphore, #tpu.memory_space<semaphore_mem>>) src(%dma_wait3A_351 : memref<16x384xf32, #tpu.memory_space<hbm>>) dst(%arg6 : memref<16x384xf32, #tpu.memory_space<vmem>>)
    %dma_wait3A_352 = arith.constant 1 : i32
    %dma_wait3A_353 = arith.constant 0 : i32
    %dma_wait3A_354 = tpu.memref_slice %arg2[%select_n3A_326, %dma_wait3A_352, %mul3A_344, %dma_wait3A_353] : memref<4x3x1248x384xf32, #tpu.memory_space<hbm>> -> memref<1x1x16x384xf32, #tpu.memory_space<hbm>>
    %dma_wait3A_355 = tpu.memref_squeeze %dma_wait3A_354 : memref<1x1x16x384xf32, #tpu.memory_space<hbm>> -> memref<16x384xf32, #tpu.memory_space<hbm>>
    %dma_wait3A_356 = arith.constant 0 : i32
    %dma_wait3A_357 = tpu.memref_slice %arg2[%select_n3A_326, %dma_wait3A_352, %mul3A_344, %dma_wait3A_356] : memref<4x3x1248x384xf32, #tpu.memory_space<hbm>> -> memref<1x1x16x384xf32, #tpu.memory_space<hbm>>
    %dma_wait3A_358 = tpu.memref_squeeze %dma_wait3A_357 : memref<1x1x16x384xf32, #tpu.memory_space<hbm>> -> memref<16x384xf32, #tpu.memory_space<hbm>>
    tpu.wait_dma2 semaphore(%arg13 : memref<!tpu.dma_semaphore, #tpu.memory_space<semaphore_mem>>) src(%dma_wait3A_358 : memref<16x384xf32, #tpu.memory_space<hbm>>) dst(%arg7 : memref<16x384xf32, #tpu.memory_space<vmem>>)
    %add3A_359 = arith.constant 32 : i32
    %add3A_360 = arith.addi %add3A_359, %add3A : i32
    %jit3A_361 = arith.constant 78 : i32
    %div3A_362 = arith.divsi %add3A_360, %jit3A_361 : i32
    %sign3A_363 = arith.constant 0 : i32
    %sign3A_364 = arith.cmpi sgt, %add3A_360, %sign3A_363 : i32
    %sign3A_365 = arith.extui %sign3A_364 : i1 to i32
    %sign3A_366 = arith.constant 0 : i32
    %sign3A_367 = arith.cmpi slt, %add3A_360, %sign3A_366 : i32
    %sign3A_368 = arith.extui %sign3A_367 : i1 to i32
    %sign3A_369 = arith.subi %sign3A_365, %sign3A_368 : i32
    %sign3A_370 = arith.constant 0 : i32
    %sign3A_371 = arith.cmpi sgt, %jit3A_361, %sign3A_370 : i32
    %sign3A_372 = arith.extui %sign3A_371 : i1 to i32
    %sign3A_373 = arith.constant 0 : i32
    %sign3A_374 = arith.cmpi slt, %jit3A_361, %sign3A_373 : i32
    %sign3A_375 = arith.extui %sign3A_374 : i1 to i32
    %sign3A_376 = arith.subi %sign3A_372, %sign3A_375 : i32
    %ne3A_377 = arith.cmpi ne, %sign3A_369, %sign3A_376 : i32
    %rem3A_378 = arith.remsi %add3A_360, %jit3A_361 : i32
    %ne3A_379 = arith.constant 0 : i32
    %ne3A_380 = arith.cmpi ne, %rem3A_378, %ne3A_379 : i32
    %and3A_381 = arith.andi %ne3A_377, %ne3A_380 : i1
    %sub3A_382 = arith.constant 1 : i32
    %sub3A_383 = arith.subi %div3A_362, %sub3A_382 : i32
    %select_n3A_384 = arith.select %and3A_381, %sub3A_383, %div3A_362 : i32
    %jit3A_385 = arith.constant 78 : i32
    %eq3A_386 = arith.constant 0 : i32
    %eq3A_387 = arith.cmpi eq, %jit3A_385, %eq3A_386 : i32
    %jit3A_388 = arith.constant 1 : i32
    %select_n3A_389 = arith.select %eq3A_387, %jit3A_388, %jit3A_385 : i32
    %rem3A_390 = arith.remsi %add3A_360, %select_n3A_389 : i32
    %ne3A_391 = arith.constant 0 : i32
    %ne3A_392 = arith.cmpi ne, %rem3A_390, %ne3A_391 : i32
    %lt3A_393 = arith.constant 0 : i32
    %lt3A_394 = arith.cmpi slt, %rem3A_390, %lt3A_393 : i32
    %lt3A_395 = arith.constant 0 : i32
    %lt3A_396 = arith.cmpi slt, %select_n3A_389, %lt3A_395 : i32
    %ne3A_397 = arith.xori %lt3A_394, %lt3A_396 : i1
    %and3A_398 = arith.andi %ne3A_397, %ne3A_392 : i1
    %add3A_399 = arith.addi %rem3A_390, %select_n3A_389 : i32
    %select_n3A_400 = arith.select %and3A_398, %add3A_399, %rem3A_390 : i32
    %mul3A_401 = arith.constant 16 : i32
    %mul3A_402 = arith.muli %select_n3A_400, %mul3A_401 : i32
    %dma_start3A_403 = arith.constant 0 : i32
    %dma_start3A_404 = arith.constant 0 : i32
    %dma_start3A_405 = tpu.memref_slice %arg3[%select_n3A_384, %mul3A_402, %dma_start3A_403, %dma_start3A_404] : memref<4x1248x4x384xf32, #tpu.memory_space<hbm>> -> memref<1x16x1x384xf32, #tpu.memory_space<hbm>>
    %dma_start3A_406 = tpu.memref_squeeze %dma_start3A_405 : memref<1x16x1x384xf32, #tpu.memory_space<hbm>> -> memref<16x384xf32, #tpu.memory_space<hbm>>
    %dma_start3A_407 = arith.constant 0 : i32
    %dma_start3A_408 = tpu.memref_slice %arg3[%select_n3A_384, %mul3A_402, %dma_start3A_403, %dma_start3A_407] : memref<4x1248x4x384xf32, #tpu.memory_space<hbm>> -> memref<1x16x1x384xf32, #tpu.memory_space<hbm>>
    %dma_start3A_409 = tpu.memref_squeeze %dma_start3A_408 : memref<1x16x1x384xf32, #tpu.memory_space<hbm>> -> memref<16x384xf32, #tpu.memory_space<hbm>>
    tpu.enqueue_dma source(%arg10 : memref<16x384xf32, #tpu.memory_space<vmem>>) target(%dma_start3A_409 : memref<16x384xf32, #tpu.memory_space<hbm>>) target_semaphore(%arg16 : memref<!tpu.dma_semaphore, #tpu.memory_space<semaphore_mem>>)
    %dma_start3A_410 = arith.constant 1 : i32
    %dma_start3A_411 = arith.constant 0 : i32
    %dma_start3A_412 = tpu.memref_slice %arg3[%select_n3A_384, %mul3A_402, %dma_start3A_410, %dma_start3A_411] : memref<4x1248x4x384xf32, #tpu.memory_space<hbm>> -> memref<1x16x1x384xf32, #tpu.memory_space<hbm>>
    %dma_start3A_413 = tpu.memref_squeeze %dma_start3A_412 : memref<1x16x1x384xf32, #tpu.memory_space<hbm>> -> memref<16x384xf32, #tpu.memory_space<hbm>>
    %dma_start3A_414 = arith.constant 0 : i32
    %dma_start3A_415 = tpu.memref_slice %arg3[%select_n3A_384, %mul3A_402, %dma_start3A_410, %dma_start3A_414] : memref<4x1248x4x384xf32, #tpu.memory_space<hbm>> -> memref<1x16x1x384xf32, #tpu.memory_space<hbm>>
    %dma_start3A_416 = tpu.memref_squeeze %dma_start3A_415 : memref<1x16x1x384xf32, #tpu.memory_space<hbm>> -> memref<16x384xf32, #tpu.memory_space<hbm>>
    tpu.enqueue_dma source(%arg6 : memref<16x384xf32, #tpu.memory_space<vmem>>) target(%dma_start3A_416 : memref<16x384xf32, #tpu.memory_space<hbm>>) target_semaphore(%arg16 : memref<!tpu.dma_semaphore, #tpu.memory_space<semaphore_mem>>)
    %dma_start3A_417 = arith.constant 2 : i32
    %dma_start3A_418 = arith.constant 0 : i32
    %dma_start3A_419 = tpu.memref_slice %arg3[%select_n3A_384, %mul3A_402, %dma_start3A_417, %dma_start3A_418] : memref<4x1248x4x384xf32, #tpu.memory_space<hbm>> -> memref<1x16x1x384xf32, #tpu.memory_space<hbm>>
    %dma_start3A_420 = tpu.memref_squeeze %dma_start3A_419 : memref<1x16x1x384xf32, #tpu.memory_space<hbm>> -> memref<16x384xf32, #tpu.memory_space<hbm>>
    %dma_start3A_421 = arith.constant 0 : i32
    %dma_start3A_422 = tpu.memref_slice %arg3[%select_n3A_384, %mul3A_402, %dma_start3A_417, %dma_start3A_421] : memref<4x1248x4x384xf32, #tpu.memory_space<hbm>> -> memref<1x16x1x384xf32, #tpu.memory_space<hbm>>
    %dma_start3A_423 = tpu.memref_squeeze %dma_start3A_422 : memref<1x16x1x384xf32, #tpu.memory_space<hbm>> -> memref<16x384xf32, #tpu.memory_space<hbm>>
    tpu.enqueue_dma source(%arg7 : memref<16x384xf32, #tpu.memory_space<vmem>>) target(%dma_start3A_423 : memref<16x384xf32, #tpu.memory_space<hbm>>) target_semaphore(%arg16 : memref<!tpu.dma_semaphore, #tpu.memory_space<semaphore_mem>>)
    %dma_start3A_424 = arith.constant 3 : i32
    %dma_start3A_425 = arith.constant 0 : i32
    %dma_start3A_426 = tpu.memref_slice %arg3[%select_n3A_384, %mul3A_402, %dma_start3A_424, %dma_start3A_425] : memref<4x1248x4x384xf32, #tpu.memory_space<hbm>> -> memref<1x16x1x384xf32, #tpu.memory_space<hbm>>
    %dma_start3A_427 = tpu.memref_squeeze %dma_start3A_426 : memref<1x16x1x384xf32, #tpu.memory_space<hbm>> -> memref<16x384xf32, #tpu.memory_space<hbm>>
    %dma_start3A_428 = arith.constant 0 : i32
    %dma_start3A_429 = tpu.memref_slice %arg3[%select_n3A_384, %mul3A_402, %dma_start3A_424, %dma_start3A_428] : memref<4x1248x4x384xf32, #tpu.memory_space<hbm>> -> memref<1x16x1x384xf32, #tpu.memory_space<hbm>>
    %dma_start3A_430 = tpu.memref_squeeze %dma_start3A_429 : memref<1x16x1x384xf32, #tpu.memory_space<hbm>> -> memref<16x384xf32, #tpu.memory_space<hbm>>
    tpu.enqueue_dma source(%arg11 : memref<16x384xf32, #tpu.memory_space<vmem>>) target(%dma_start3A_430 : memref<16x384xf32, #tpu.memory_space<hbm>>) target_semaphore(%arg16 : memref<!tpu.dma_semaphore, #tpu.memory_space<semaphore_mem>>)
    %scan3A_431 = arith.constant 0 : i32
    %scan3A_432 = arith.constant 0 : i32
    %scan3A_433 = arith.constant 2 : i32
    %scan3A_434 = arith.addi %scan3A_432, %scan3A_433 : i32
    %scan3A_435 = arith.constant 1 : i32
    scf.for %scan3A_796 = %scan3A_432 to %scan3A_434 step %scan3A_435  : i32 {
      %mul3A_797 = arith.constant 3 : i32
      %mul3A_798 = arith.muli %mul3A_797, %scan3A_796 : i32
      %add3A_799 = arith.constant 2 : i32
      %add3A_800 = arith.addi %mul3A_798, %add3A_799 : i32
      %add3A_801 = arith.constant 0 : i32
      %add3A_802 = arith.addi %add3A_800, %add3A_801 : i32
      %sub3A_803 = arith.constant 2 : i32
      %sub3A_804 = arith.subi %add3A_802, %sub3A_803 : i32
      %mul3A_805 = arith.constant 32 : i32
      %mul3A_806 = arith.muli %sub3A_804, %mul3A_805 : i32
      %add3A_807 = arith.addi %mul3A_806, %add3A : i32
      %jit3A_808 = arith.constant 78 : i32
      %div3A_809 = arith.divsi %add3A_807, %jit3A_808 : i32
      %sign3A_810 = arith.constant 0 : i32
      %sign3A_811 = arith.cmpi sgt, %add3A_807, %sign3A_810 : i32
      %sign3A_812 = arith.extui %sign3A_811 : i1 to i32
      %sign3A_813 = arith.constant 0 : i32
      %sign3A_814 = arith.cmpi slt, %add3A_807, %sign3A_813 : i32
      %sign3A_815 = arith.extui %sign3A_814 : i1 to i32
      %sign3A_816 = arith.subi %sign3A_812, %sign3A_815 : i32
      %sign3A_817 = arith.constant 0 : i32
      %sign3A_818 = arith.cmpi sgt, %jit3A_808, %sign3A_817 : i32
      %sign3A_819 = arith.extui %sign3A_818 : i1 to i32
      %sign3A_820 = arith.constant 0 : i32
      %sign3A_821 = arith.cmpi slt, %jit3A_808, %sign3A_820 : i32
      %sign3A_822 = arith.extui %sign3A_821 : i1 to i32
      %sign3A_823 = arith.subi %sign3A_819, %sign3A_822 : i32
      %ne3A_824 = arith.cmpi ne, %sign3A_816, %sign3A_823 : i32
      %rem3A_825 = arith.remsi %add3A_807, %jit3A_808 : i32
      %ne3A_826 = arith.constant 0 : i32
      %ne3A_827 = arith.cmpi ne, %rem3A_825, %ne3A_826 : i32
      %and3A_828 = arith.andi %ne3A_824, %ne3A_827 : i1
      %sub3A_829 = arith.constant 1 : i32
      %sub3A_830 = arith.subi %div3A_809, %sub3A_829 : i32
      %select_n3A_831 = arith.select %and3A_828, %sub3A_830, %div3A_809 : i32
      %jit3A_832 = arith.constant 78 : i32
      %eq3A_833 = arith.constant 0 : i32
      %eq3A_834 = arith.cmpi eq, %jit3A_832, %eq3A_833 : i32
      %jit3A_835 = arith.constant 1 : i32
      %select_n3A_836 = arith.select %eq3A_834, %jit3A_835, %jit3A_832 : i32
      %rem3A_837 = arith.remsi %add3A_807, %select_n3A_836 : i32
      %ne3A_838 = arith.constant 0 : i32
      %ne3A_839 = arith.cmpi ne, %rem3A_837, %ne3A_838 : i32
      %lt3A_840 = arith.constant 0 : i32
      %lt3A_841 = arith.cmpi slt, %rem3A_837, %lt3A_840 : i32
      %lt3A_842 = arith.constant 0 : i32
      %lt3A_843 = arith.cmpi slt, %select_n3A_836, %lt3A_842 : i32
      %ne3A_844 = arith.xori %lt3A_841, %lt3A_843 : i1
      %and3A_845 = arith.andi %ne3A_844, %ne3A_839 : i1
      %add3A_846 = arith.addi %rem3A_837, %select_n3A_836 : i32
      %select_n3A_847 = arith.select %and3A_845, %add3A_846, %rem3A_837 : i32
      %mul3A_848 = arith.constant 16 : i32
      %mul3A_849 = arith.muli %select_n3A_847, %mul3A_848 : i32
      %dma_wait3A_850 = arith.constant 0 : i32
      %dma_wait3A_851 = arith.constant 0 : i32
      %dma_wait3A_852 = tpu.memref_slice %arg3[%select_n3A_831, %mul3A_849, %dma_wait3A_850, %dma_wait3A_851] : memref<4x1248x4x384xf32, #tpu.memory_space<hbm>> -> memref<1x16x1x384xf32, #tpu.memory_space<hbm>>
      %dma_wait3A_853 = tpu.memref_squeeze %dma_wait3A_852 : memref<1x16x1x384xf32, #tpu.memory_space<hbm>> -> memref<16x384xf32, #tpu.memory_space<hbm>>
      %dma_wait3A_854 = arith.constant 0 : i32
      %dma_wait3A_855 = tpu.memref_slice %arg3[%select_n3A_831, %mul3A_849, %dma_wait3A_850, %dma_wait3A_854] : memref<4x1248x4x384xf32, #tpu.memory_space<hbm>> -> memref<1x16x1x384xf32, #tpu.memory_space<hbm>>
      %dma_wait3A_856 = tpu.memref_squeeze %dma_wait3A_855 : memref<1x16x1x384xf32, #tpu.memory_space<hbm>> -> memref<16x384xf32, #tpu.memory_space<hbm>>
      tpu.wait_dma2 semaphore(%arg15 : memref<!tpu.dma_semaphore, #tpu.memory_space<semaphore_mem>>) src(%arg10 : memref<16x384xf32, #tpu.memory_space<vmem>>) dst(%dma_wait3A_856 : memref<16x384xf32, #tpu.memory_space<hbm>>)
      %dma_wait3A_857 = arith.constant 1 : i32
      %dma_wait3A_858 = arith.constant 0 : i32
      %dma_wait3A_859 = tpu.memref_slice %arg3[%select_n3A_831, %mul3A_849, %dma_wait3A_857, %dma_wait3A_858] : memref<4x1248x4x384xf32, #tpu.memory_space<hbm>> -> memref<1x16x1x384xf32, #tpu.memory_space<hbm>>
      %dma_wait3A_860 = tpu.memref_squeeze %dma_wait3A_859 : memref<1x16x1x384xf32, #tpu.memory_space<hbm>> -> memref<16x384xf32, #tpu.memory_space<hbm>>
      %dma_wait3A_861 = arith.constant 0 : i32
      %dma_wait3A_862 = tpu.memref_slice %arg3[%select_n3A_831, %mul3A_849, %dma_wait3A_857, %dma_wait3A_861] : memref<4x1248x4x384xf32, #tpu.memory_space<hbm>> -> memref<1x16x1x384xf32, #tpu.memory_space<hbm>>
      %dma_wait3A_863 = tpu.memref_squeeze %dma_wait3A_862 : memref<1x16x1x384xf32, #tpu.memory_space<hbm>> -> memref<16x384xf32, #tpu.memory_space<hbm>>
      tpu.wait_dma2 semaphore(%arg15 : memref<!tpu.dma_semaphore, #tpu.memory_space<semaphore_mem>>) src(%arg4 : memref<16x384xf32, #tpu.memory_space<vmem>>) dst(%dma_wait3A_863 : memref<16x384xf32, #tpu.memory_space<hbm>>)
      %dma_wait3A_864 = arith.constant 2 : i32
      %dma_wait3A_865 = arith.constant 0 : i32
      %dma_wait3A_866 = tpu.memref_slice %arg3[%select_n3A_831, %mul3A_849, %dma_wait3A_864, %dma_wait3A_865] : memref<4x1248x4x384xf32, #tpu.memory_space<hbm>> -> memref<1x16x1x384xf32, #tpu.memory_space<hbm>>
      %dma_wait3A_867 = tpu.memref_squeeze %dma_wait3A_866 : memref<1x16x1x384xf32, #tpu.memory_space<hbm>> -> memref<16x384xf32, #tpu.memory_space<hbm>>
      %dma_wait3A_868 = arith.constant 0 : i32
      %dma_wait3A_869 = tpu.memref_slice %arg3[%select_n3A_831, %mul3A_849, %dma_wait3A_864, %dma_wait3A_868] : memref<4x1248x4x384xf32, #tpu.memory_space<hbm>> -> memref<1x16x1x384xf32, #tpu.memory_space<hbm>>
      %dma_wait3A_870 = tpu.memref_squeeze %dma_wait3A_869 : memref<1x16x1x384xf32, #tpu.memory_space<hbm>> -> memref<16x384xf32, #tpu.memory_space<hbm>>
      tpu.wait_dma2 semaphore(%arg15 : memref<!tpu.dma_semaphore, #tpu.memory_space<semaphore_mem>>) src(%arg5 : memref<16x384xf32, #tpu.memory_space<vmem>>) dst(%dma_wait3A_870 : memref<16x384xf32, #tpu.memory_space<hbm>>)
      %dma_wait3A_871 = arith.constant 3 : i32
      %dma_wait3A_872 = arith.constant 0 : i32
      %dma_wait3A_873 = tpu.memref_slice %arg3[%select_n3A_831, %mul3A_849, %dma_wait3A_871, %dma_wait3A_872] : memref<4x1248x4x384xf32, #tpu.memory_space<hbm>> -> memref<1x16x1x384xf32, #tpu.memory_space<hbm>>
      %dma_wait3A_874 = tpu.memref_squeeze %dma_wait3A_873 : memref<1x16x1x384xf32, #tpu.memory_space<hbm>> -> memref<16x384xf32, #tpu.memory_space<hbm>>
      %dma_wait3A_875 = arith.constant 0 : i32
      %dma_wait3A_876 = tpu.memref_slice %arg3[%select_n3A_831, %mul3A_849, %dma_wait3A_871, %dma_wait3A_875] : memref<4x1248x4x384xf32, #tpu.memory_space<hbm>> -> memref<1x16x1x384xf32, #tpu.memory_space<hbm>>
      %dma_wait3A_877 = tpu.memref_squeeze %dma_wait3A_876 : memref<1x16x1x384xf32, #tpu.memory_space<hbm>> -> memref<16x384xf32, #tpu.memory_space<hbm>>
      tpu.wait_dma2 semaphore(%arg15 : memref<!tpu.dma_semaphore, #tpu.memory_space<semaphore_mem>>) src(%arg11 : memref<16x384xf32, #tpu.memory_space<vmem>>) dst(%dma_wait3A_877 : memref<16x384xf32, #tpu.memory_space<hbm>>)
      %add3A_878 = arith.constant 1 : i32
      %add3A_879 = arith.addi %add3A_802, %add3A_878 : i32
      %mul3A_880 = arith.constant 32 : i32
      %mul3A_881 = arith.muli %add3A_879, %mul3A_880 : i32
      %add3A_882 = arith.addi %mul3A_881, %add3A : i32
      %jit3A_883 = arith.constant 78 : i32
      %div3A_884 = arith.divsi %add3A_882, %jit3A_883 : i32
      %sign3A_885 = arith.constant 0 : i32
      %sign3A_886 = arith.cmpi sgt, %add3A_882, %sign3A_885 : i32
      %sign3A_887 = arith.extui %sign3A_886 : i1 to i32
      %sign3A_888 = arith.constant 0 : i32
      %sign3A_889 = arith.cmpi slt, %add3A_882, %sign3A_888 : i32
      %sign3A_890 = arith.extui %sign3A_889 : i1 to i32
      %sign3A_891 = arith.subi %sign3A_887, %sign3A_890 : i32
      %sign3A_892 = arith.constant 0 : i32
      %sign3A_893 = arith.cmpi sgt, %jit3A_883, %sign3A_892 : i32
      %sign3A_894 = arith.extui %sign3A_893 : i1 to i32
      %sign3A_895 = arith.constant 0 : i32
      %sign3A_896 = arith.cmpi slt, %jit3A_883, %sign3A_895 : i32
      %sign3A_897 = arith.extui %sign3A_896 : i1 to i32
      %sign3A_898 = arith.subi %sign3A_894, %sign3A_897 : i32
      %ne3A_899 = arith.cmpi ne, %sign3A_891, %sign3A_898 : i32
      %rem3A_900 = arith.remsi %add3A_882, %jit3A_883 : i32
      %ne3A_901 = arith.constant 0 : i32
      %ne3A_902 = arith.cmpi ne, %rem3A_900, %ne3A_901 : i32
      %and3A_903 = arith.andi %ne3A_899, %ne3A_902 : i1
      %sub3A_904 = arith.constant 1 : i32
      %sub3A_905 = arith.subi %div3A_884, %sub3A_904 : i32
      %select_n3A_906 = arith.select %and3A_903, %sub3A_905, %div3A_884 : i32
      %jit3A_907 = arith.constant 78 : i32
      %eq3A_908 = arith.constant 0 : i32
      %eq3A_909 = arith.cmpi eq, %jit3A_907, %eq3A_908 : i32
      %jit3A_910 = arith.constant 1 : i32
      %select_n3A_911 = arith.select %eq3A_909, %jit3A_910, %jit3A_907 : i32
      %rem3A_912 = arith.remsi %add3A_882, %select_n3A_911 : i32
      %ne3A_913 = arith.constant 0 : i32
      %ne3A_914 = arith.cmpi ne, %rem3A_912, %ne3A_913 : i32
      %lt3A_915 = arith.constant 0 : i32
      %lt3A_916 = arith.cmpi slt, %rem3A_912, %lt3A_915 : i32
      %lt3A_917 = arith.constant 0 : i32
      %lt3A_918 = arith.cmpi slt, %select_n3A_911, %lt3A_917 : i32
      %ne3A_919 = arith.xori %lt3A_916, %lt3A_918 : i1
      %and3A_920 = arith.andi %ne3A_919, %ne3A_914 : i1
      %add3A_921 = arith.addi %rem3A_912, %select_n3A_911 : i32
      %select_n3A_922 = arith.select %and3A_920, %add3A_921, %rem3A_912 : i32
      %mul3A_923 = arith.constant 16 : i32
      %mul3A_924 = arith.muli %select_n3A_922, %mul3A_923 : i32
      %dma_start3A_925 = arith.constant 0 : i32
      %dma_start3A_926 = arith.constant 0 : i32
      %dma_start3A_927 = tpu.memref_slice %arg2[%select_n3A_906, %dma_start3A_925, %mul3A_924, %dma_start3A_926] : memref<4x3x1248x384xf32, #tpu.memory_space<hbm>> -> memref<1x1x16x384xf32, #tpu.memory_space<hbm>>
      %dma_start3A_928 = tpu.memref_squeeze %dma_start3A_927 : memref<1x1x16x384xf32, #tpu.memory_space<hbm>> -> memref<16x384xf32, #tpu.memory_space<hbm>>
      %dma_start3A_929 = arith.constant 0 : i32
      %dma_start3A_930 = tpu.memref_slice %arg2[%select_n3A_906, %dma_start3A_925, %mul3A_924, %dma_start3A_929] : memref<4x3x1248x384xf32, #tpu.memory_space<hbm>> -> memref<1x1x16x384xf32, #tpu.memory_space<hbm>>
      %dma_start3A_931 = tpu.memref_squeeze %dma_start3A_930 : memref<1x1x16x384xf32, #tpu.memory_space<hbm>> -> memref<16x384xf32, #tpu.memory_space<hbm>>
      tpu.enqueue_dma source(%dma_start3A_931 : memref<16x384xf32, #tpu.memory_space<hbm>>) target(%arg4 : memref<16x384xf32, #tpu.memory_space<vmem>>) target_semaphore(%arg12 : memref<!tpu.dma_semaphore, #tpu.memory_space<semaphore_mem>>)
      %dma_start3A_932 = arith.constant 1 : i32
      %dma_start3A_933 = arith.constant 0 : i32
      %dma_start3A_934 = tpu.memref_slice %arg2[%select_n3A_906, %dma_start3A_932, %mul3A_924, %dma_start3A_933] : memref<4x3x1248x384xf32, #tpu.memory_space<hbm>> -> memref<1x1x16x384xf32, #tpu.memory_space<hbm>>
      %dma_start3A_935 = tpu.memref_squeeze %dma_start3A_934 : memref<1x1x16x384xf32, #tpu.memory_space<hbm>> -> memref<16x384xf32, #tpu.memory_space<hbm>>
      %dma_start3A_936 = arith.constant 0 : i32
      %dma_start3A_937 = tpu.memref_slice %arg2[%select_n3A_906, %dma_start3A_932, %mul3A_924, %dma_start3A_936] : memref<4x3x1248x384xf32, #tpu.memory_space<hbm>> -> memref<1x1x16x384xf32, #tpu.memory_space<hbm>>
      %dma_start3A_938 = tpu.memref_squeeze %dma_start3A_937 : memref<1x1x16x384xf32, #tpu.memory_space<hbm>> -> memref<16x384xf32, #tpu.memory_space<hbm>>
      tpu.enqueue_dma source(%dma_start3A_938 : memref<16x384xf32, #tpu.memory_space<hbm>>) target(%arg5 : memref<16x384xf32, #tpu.memory_space<vmem>>) target_semaphore(%arg12 : memref<!tpu.dma_semaphore, #tpu.memory_space<semaphore_mem>>)
      %mul3A_939 = arith.constant 32 : i32
      %mul3A_940 = arith.muli %add3A_802, %mul3A_939 : i32
      %add3A_941 = arith.addi %mul3A_940, %add3A : i32
      %jit3A_942 = arith.constant 78 : i32
      %div3A_943 = arith.divsi %add3A_941, %jit3A_942 : i32
      %sign3A_944 = arith.constant 0 : i32
      %sign3A_945 = arith.cmpi sgt, %add3A_941, %sign3A_944 : i32
      %sign3A_946 = arith.extui %sign3A_945 : i1 to i32
      %sign3A_947 = arith.constant 0 : i32
      %sign3A_948 = arith.cmpi slt, %add3A_941, %sign3A_947 : i32
      %sign3A_949 = arith.extui %sign3A_948 : i1 to i32
      %sign3A_950 = arith.subi %sign3A_946, %sign3A_949 : i32
      %sign3A_951 = arith.constant 0 : i32
      %sign3A_952 = arith.cmpi sgt, %jit3A_942, %sign3A_951 : i32
      %sign3A_953 = arith.extui %sign3A_952 : i1 to i32
      %sign3A_954 = arith.constant 0 : i32
      %sign3A_955 = arith.cmpi slt, %jit3A_942, %sign3A_954 : i32
      %sign3A_956 = arith.extui %sign3A_955 : i1 to i32
      %sign3A_957 = arith.subi %sign3A_953, %sign3A_956 : i32
      %ne3A_958 = arith.cmpi ne, %sign3A_950, %sign3A_957 : i32
      %rem3A_959 = arith.remsi %add3A_941, %jit3A_942 : i32
      %ne3A_960 = arith.constant 0 : i32
      %ne3A_961 = arith.cmpi ne, %rem3A_959, %ne3A_960 : i32
      %and3A_962 = arith.andi %ne3A_958, %ne3A_961 : i1
      %sub3A_963 = arith.constant 1 : i32
      %sub3A_964 = arith.subi %div3A_943, %sub3A_963 : i32
      %select_n3A_965 = arith.select %and3A_962, %sub3A_964, %div3A_943 : i32
      %jit3A_966 = arith.constant 78 : i32
      %eq3A_967 = arith.constant 0 : i32
      %eq3A_968 = arith.cmpi eq, %jit3A_966, %eq3A_967 : i32
      %jit3A_969 = arith.constant 1 : i32
      %select_n3A_970 = arith.select %eq3A_968, %jit3A_969, %jit3A_966 : i32
      %rem3A_971 = arith.remsi %add3A_941, %select_n3A_970 : i32
      %ne3A_972 = arith.constant 0 : i32
      %ne3A_973 = arith.cmpi ne, %rem3A_971, %ne3A_972 : i32
      %lt3A_974 = arith.constant 0 : i32
      %lt3A_975 = arith.cmpi slt, %rem3A_971, %lt3A_974 : i32
      %lt3A_976 = arith.constant 0 : i32
      %lt3A_977 = arith.cmpi slt, %select_n3A_970, %lt3A_976 : i32
      %ne3A_978 = arith.xori %lt3A_975, %lt3A_977 : i1
      %and3A_979 = arith.andi %ne3A_978, %ne3A_973 : i1
      %add3A_980 = arith.addi %rem3A_971, %select_n3A_970 : i32
      %select_n3A_981 = arith.select %and3A_979, %add3A_980, %rem3A_971 : i32
      %mul3A_982 = arith.constant 16 : i32
      %mul3A_983 = arith.muli %select_n3A_981, %mul3A_982 : i32
      %dma_wait3A_984 = arith.constant 0 : i32
      %dma_wait3A_985 = arith.constant 0 : i32
      %dma_wait3A_986 = tpu.memref_slice %arg2[%select_n3A_965, %dma_wait3A_984, %mul3A_983, %dma_wait3A_985] : memref<4x3x1248x384xf32, #tpu.memory_space<hbm>> -> memref<1x1x16x384xf32, #tpu.memory_space<hbm>>
      %dma_wait3A_987 = tpu.memref_squeeze %dma_wait3A_986 : memref<1x1x16x384xf32, #tpu.memory_space<hbm>> -> memref<16x384xf32, #tpu.memory_space<hbm>>
      %dma_wait3A_988 = arith.constant 0 : i32
      %dma_wait3A_989 = tpu.memref_slice %arg2[%select_n3A_965, %dma_wait3A_984, %mul3A_983, %dma_wait3A_988] : memref<4x3x1248x384xf32, #tpu.memory_space<hbm>> -> memref<1x1x16x384xf32, #tpu.memory_space<hbm>>
      %dma_wait3A_990 = tpu.memref_squeeze %dma_wait3A_989 : memref<1x1x16x384xf32, #tpu.memory_space<hbm>> -> memref<16x384xf32, #tpu.memory_space<hbm>>
      tpu.wait_dma2 semaphore(%arg14 : memref<!tpu.dma_semaphore, #tpu.memory_space<semaphore_mem>>) src(%dma_wait3A_990 : memref<16x384xf32, #tpu.memory_space<hbm>>) dst(%arg8 : memref<16x384xf32, #tpu.memory_space<vmem>>)
      %dma_wait3A_991 = arith.constant 1 : i32
      %dma_wait3A_992 = arith.constant 0 : i32
      %dma_wait3A_993 = tpu.memref_slice %arg2[%select_n3A_965, %dma_wait3A_991, %mul3A_983, %dma_wait3A_992] : memref<4x3x1248x384xf32, #tpu.memory_space<hbm>> -> memref<1x1x16x384xf32, #tpu.memory_space<hbm>>
      %dma_wait3A_994 = tpu.memref_squeeze %dma_wait3A_993 : memref<1x1x16x384xf32, #tpu.memory_space<hbm>> -> memref<16x384xf32, #tpu.memory_space<hbm>>
      %dma_wait3A_995 = arith.constant 0 : i32
      %dma_wait3A_996 = tpu.memref_slice %arg2[%select_n3A_965, %dma_wait3A_991, %mul3A_983, %dma_wait3A_995] : memref<4x3x1248x384xf32, #tpu.memory_space<hbm>> -> memref<1x1x16x384xf32, #tpu.memory_space<hbm>>
      %dma_wait3A_997 = tpu.memref_squeeze %dma_wait3A_996 : memref<1x1x16x384xf32, #tpu.memory_space<hbm>> -> memref<16x384xf32, #tpu.memory_space<hbm>>
      tpu.wait_dma2 semaphore(%arg14 : memref<!tpu.dma_semaphore, #tpu.memory_space<semaphore_mem>>) src(%dma_wait3A_997 : memref<16x384xf32, #tpu.memory_space<hbm>>) dst(%arg9 : memref<16x384xf32, #tpu.memory_space<vmem>>)
      %mul3A_998 = arith.constant 32 : i32
      %mul3A_999 = arith.muli %add3A_802, %mul3A_998 : i32
      %add3A_1000 = arith.addi %mul3A_999, %add3A : i32
      %jit3A_1001 = arith.constant 78 : i32
      %div3A_1002 = arith.divsi %add3A_1000, %jit3A_1001 : i32
      %sign3A_1003 = arith.constant 0 : i32
      %sign3A_1004 = arith.cmpi sgt, %add3A_1000, %sign3A_1003 : i32
      %sign3A_1005 = arith.extui %sign3A_1004 : i1 to i32
      %sign3A_1006 = arith.constant 0 : i32
      %sign3A_1007 = arith.cmpi slt, %add3A_1000, %sign3A_1006 : i32
      %sign3A_1008 = arith.extui %sign3A_1007 : i1 to i32
      %sign3A_1009 = arith.subi %sign3A_1005, %sign3A_1008 : i32
      %sign3A_1010 = arith.constant 0 : i32
      %sign3A_1011 = arith.cmpi sgt, %jit3A_1001, %sign3A_1010 : i32
      %sign3A_1012 = arith.extui %sign3A_1011 : i1 to i32
      %sign3A_1013 = arith.constant 0 : i32
      %sign3A_1014 = arith.cmpi slt, %jit3A_1001, %sign3A_1013 : i32
      %sign3A_1015 = arith.extui %sign3A_1014 : i1 to i32
      %sign3A_1016 = arith.subi %sign3A_1012, %sign3A_1015 : i32
      %ne3A_1017 = arith.cmpi ne, %sign3A_1009, %sign3A_1016 : i32
      %rem3A_1018 = arith.remsi %add3A_1000, %jit3A_1001 : i32
      %ne3A_1019 = arith.constant 0 : i32
      %ne3A_1020 = arith.cmpi ne, %rem3A_1018, %ne3A_1019 : i32
      %and3A_1021 = arith.andi %ne3A_1017, %ne3A_1020 : i1
      %sub3A_1022 = arith.constant 1 : i32
      %sub3A_1023 = arith.subi %div3A_1002, %sub3A_1022 : i32
      %select_n3A_1024 = arith.select %and3A_1021, %sub3A_1023, %div3A_1002 : i32
      %jit3A_1025 = arith.constant 78 : i32
      %eq3A_1026 = arith.constant 0 : i32
      %eq3A_1027 = arith.cmpi eq, %jit3A_1025, %eq3A_1026 : i32
      %jit3A_1028 = arith.constant 1 : i32
      %select_n3A_1029 = arith.select %eq3A_1027, %jit3A_1028, %jit3A_1025 : i32
      %rem3A_1030 = arith.remsi %add3A_1000, %select_n3A_1029 : i32
      %ne3A_1031 = arith.constant 0 : i32
      %ne3A_1032 = arith.cmpi ne, %rem3A_1030, %ne3A_1031 : i32
      %lt3A_1033 = arith.constant 0 : i32
      %lt3A_1034 = arith.cmpi slt, %rem3A_1030, %lt3A_1033 : i32
      %lt3A_1035 = arith.constant 0 : i32
      %lt3A_1036 = arith.cmpi slt, %select_n3A_1029, %lt3A_1035 : i32
      %ne3A_1037 = arith.xori %lt3A_1034, %lt3A_1036 : i1
      %and3A_1038 = arith.andi %ne3A_1037, %ne3A_1032 : i1
      %add3A_1039 = arith.addi %rem3A_1030, %select_n3A_1029 : i32
      %select_n3A_1040 = arith.select %and3A_1038, %add3A_1039, %rem3A_1030 : i32
      %mul3A_1041 = arith.constant 16 : i32
      %mul3A_1042 = arith.muli %select_n3A_1040, %mul3A_1041 : i32
      %dma_start3A_1043 = arith.constant 0 : i32
      %dma_start3A_1044 = arith.constant 0 : i32
      %dma_start3A_1045 = tpu.memref_slice %arg3[%select_n3A_1024, %mul3A_1042, %dma_start3A_1043, %dma_start3A_1044] : memref<4x1248x4x384xf32, #tpu.memory_space<hbm>> -> memref<1x16x1x384xf32, #tpu.memory_space<hbm>>
      %dma_start3A_1046 = tpu.memref_squeeze %dma_start3A_1045 : memref<1x16x1x384xf32, #tpu.memory_space<hbm>> -> memref<16x384xf32, #tpu.memory_space<hbm>>
      %dma_start3A_1047 = arith.constant 0 : i32
      %dma_start3A_1048 = tpu.memref_slice %arg3[%select_n3A_1024, %mul3A_1042, %dma_start3A_1043, %dma_start3A_1047] : memref<4x1248x4x384xf32, #tpu.memory_space<hbm>> -> memref<1x16x1x384xf32, #tpu.memory_space<hbm>>
      %dma_start3A_1049 = tpu.memref_squeeze %dma_start3A_1048 : memref<1x16x1x384xf32, #tpu.memory_space<hbm>> -> memref<16x384xf32, #tpu.memory_space<hbm>>
      tpu.enqueue_dma source(%arg10 : memref<16x384xf32, #tpu.memory_space<vmem>>) target(%dma_start3A_1049 : memref<16x384xf32, #tpu.memory_space<hbm>>) target_semaphore(%arg17 : memref<!tpu.dma_semaphore, #tpu.memory_space<semaphore_mem>>)
      %dma_start3A_1050 = arith.constant 1 : i32
      %dma_start3A_1051 = arith.constant 0 : i32
      %dma_start3A_1052 = tpu.memref_slice %arg3[%select_n3A_1024, %mul3A_1042, %dma_start3A_1050, %dma_start3A_1051] : memref<4x1248x4x384xf32, #tpu.memory_space<hbm>> -> memref<1x16x1x384xf32, #tpu.memory_space<hbm>>
      %dma_start3A_1053 = tpu.memref_squeeze %dma_start3A_1052 : memref<1x16x1x384xf32, #tpu.memory_space<hbm>> -> memref<16x384xf32, #tpu.memory_space<hbm>>
      %dma_start3A_1054 = arith.constant 0 : i32
      %dma_start3A_1055 = tpu.memref_slice %arg3[%select_n3A_1024, %mul3A_1042, %dma_start3A_1050, %dma_start3A_1054] : memref<4x1248x4x384xf32, #tpu.memory_space<hbm>> -> memref<1x16x1x384xf32, #tpu.memory_space<hbm>>
      %dma_start3A_1056 = tpu.memref_squeeze %dma_start3A_1055 : memref<1x16x1x384xf32, #tpu.memory_space<hbm>> -> memref<16x384xf32, #tpu.memory_space<hbm>>
      tpu.enqueue_dma source(%arg8 : memref<16x384xf32, #tpu.memory_space<vmem>>) target(%dma_start3A_1056 : memref<16x384xf32, #tpu.memory_space<hbm>>) target_semaphore(%arg17 : memref<!tpu.dma_semaphore, #tpu.memory_space<semaphore_mem>>)
      %dma_start3A_1057 = arith.constant 2 : i32
      %dma_start3A_1058 = arith.constant 0 : i32
      %dma_start3A_1059 = tpu.memref_slice %arg3[%select_n3A_1024, %mul3A_1042, %dma_start3A_1057, %dma_start3A_1058] : memref<4x1248x4x384xf32, #tpu.memory_space<hbm>> -> memref<1x16x1x384xf32, #tpu.memory_space<hbm>>
      %dma_start3A_1060 = tpu.memref_squeeze %dma_start3A_1059 : memref<1x16x1x384xf32, #tpu.memory_space<hbm>> -> memref<16x384xf32, #tpu.memory_space<hbm>>
      %dma_start3A_1061 = arith.constant 0 : i32
      %dma_start3A_1062 = tpu.memref_slice %arg3[%select_n3A_1024, %mul3A_1042, %dma_start3A_1057, %dma_start3A_1061] : memref<4x1248x4x384xf32, #tpu.memory_space<hbm>> -> memref<1x16x1x384xf32, #tpu.memory_space<hbm>>
      %dma_start3A_1063 = tpu.memref_squeeze %dma_start3A_1062 : memref<1x16x1x384xf32, #tpu.memory_space<hbm>> -> memref<16x384xf32, #tpu.memory_space<hbm>>
      tpu.enqueue_dma source(%arg9 : memref<16x384xf32, #tpu.memory_space<vmem>>) target(%dma_start3A_1063 : memref<16x384xf32, #tpu.memory_space<hbm>>) target_semaphore(%arg17 : memref<!tpu.dma_semaphore, #tpu.memory_space<semaphore_mem>>)
      %dma_start3A_1064 = arith.constant 3 : i32
      %dma_start3A_1065 = arith.constant 0 : i32
      %dma_start3A_1066 = tpu.memref_slice %arg3[%select_n3A_1024, %mul3A_1042, %dma_start3A_1064, %dma_start3A_1065] : memref<4x1248x4x384xf32, #tpu.memory_space<hbm>> -> memref<1x16x1x384xf32, #tpu.memory_space<hbm>>
      %dma_start3A_1067 = tpu.memref_squeeze %dma_start3A_1066 : memref<1x16x1x384xf32, #tpu.memory_space<hbm>> -> memref<16x384xf32, #tpu.memory_space<hbm>>
      %dma_start3A_1068 = arith.constant 0 : i32
      %dma_start3A_1069 = tpu.memref_slice %arg3[%select_n3A_1024, %mul3A_1042, %dma_start3A_1064, %dma_start3A_1068] : memref<4x1248x4x384xf32, #tpu.memory_space<hbm>> -> memref<1x16x1x384xf32, #tpu.memory_space<hbm>>
      %dma_start3A_1070 = tpu.memref_squeeze %dma_start3A_1069 : memref<1x16x1x384xf32, #tpu.memory_space<hbm>> -> memref<16x384xf32, #tpu.memory_space<hbm>>
      tpu.enqueue_dma source(%arg11 : memref<16x384xf32, #tpu.memory_space<vmem>>) target(%dma_start3A_1070 : memref<16x384xf32, #tpu.memory_space<hbm>>) target_semaphore(%arg17 : memref<!tpu.dma_semaphore, #tpu.memory_space<semaphore_mem>>)
      %add3A_1071 = arith.constant 1 : i32
      %add3A_1072 = arith.addi %add3A_800, %add3A_1071 : i32
      %sub3A_1073 = arith.constant 2 : i32
      %sub3A_1074 = arith.subi %add3A_1072, %sub3A_1073 : i32
      %mul3A_1075 = arith.constant 32 : i32
      %mul3A_1076 = arith.muli %sub3A_1074, %mul3A_1075 : i32
      %add3A_1077 = arith.addi %mul3A_1076, %add3A : i32
      %jit3A_1078 = arith.constant 78 : i32
      %div3A_1079 = arith.divsi %add3A_1077, %jit3A_1078 : i32
      %sign3A_1080 = arith.constant 0 : i32
      %sign3A_1081 = arith.cmpi sgt, %add3A_1077, %sign3A_1080 : i32
      %sign3A_1082 = arith.extui %sign3A_1081 : i1 to i32
      %sign3A_1083 = arith.constant 0 : i32
      %sign3A_1084 = arith.cmpi slt, %add3A_1077, %sign3A_1083 : i32
      %sign3A_1085 = arith.extui %sign3A_1084 : i1 to i32
      %sign3A_1086 = arith.subi %sign3A_1082, %sign3A_1085 : i32
      %sign3A_1087 = arith.constant 0 : i32
      %sign3A_1088 = arith.cmpi sgt, %jit3A_1078, %sign3A_1087 : i32
      %sign3A_1089 = arith.extui %sign3A_1088 : i1 to i32
      %sign3A_1090 = arith.constant 0 : i32
      %sign3A_1091 = arith.cmpi slt, %jit3A_1078, %sign3A_1090 : i32
      %sign3A_1092 = arith.extui %sign3A_1091 : i1 to i32
      %sign3A_1093 = arith.subi %sign3A_1089, %sign3A_1092 : i32
      %ne3A_1094 = arith.cmpi ne, %sign3A_1086, %sign3A_1093 : i32
      %rem3A_1095 = arith.remsi %add3A_1077, %jit3A_1078 : i32
      %ne3A_1096 = arith.constant 0 : i32
      %ne3A_1097 = arith.cmpi ne, %rem3A_1095, %ne3A_1096 : i32
      %and3A_1098 = arith.andi %ne3A_1094, %ne3A_1097 : i1
      %sub3A_1099 = arith.constant 1 : i32
      %sub3A_1100 = arith.subi %div3A_1079, %sub3A_1099 : i32
      %select_n3A_1101 = arith.select %and3A_1098, %sub3A_1100, %div3A_1079 : i32
      %jit3A_1102 = arith.constant 78 : i32
      %eq3A_1103 = arith.constant 0 : i32
      %eq3A_1104 = arith.cmpi eq, %jit3A_1102, %eq3A_1103 : i32
      %jit3A_1105 = arith.constant 1 : i32
      %select_n3A_1106 = arith.select %eq3A_1104, %jit3A_1105, %jit3A_1102 : i32
      %rem3A_1107 = arith.remsi %add3A_1077, %select_n3A_1106 : i32
      %ne3A_1108 = arith.constant 0 : i32
      %ne3A_1109 = arith.cmpi ne, %rem3A_1107, %ne3A_1108 : i32
      %lt3A_1110 = arith.constant 0 : i32
      %lt3A_1111 = arith.cmpi slt, %rem3A_1107, %lt3A_1110 : i32
      %lt3A_1112 = arith.constant 0 : i32
      %lt3A_1113 = arith.cmpi slt, %select_n3A_1106, %lt3A_1112 : i32
      %ne3A_1114 = arith.xori %lt3A_1111, %lt3A_1113 : i1
      %and3A_1115 = arith.andi %ne3A_1114, %ne3A_1109 : i1
      %add3A_1116 = arith.addi %rem3A_1107, %select_n3A_1106 : i32
      %select_n3A_1117 = arith.select %and3A_1115, %add3A_1116, %rem3A_1107 : i32
      %mul3A_1118 = arith.constant 16 : i32
      %mul3A_1119 = arith.muli %select_n3A_1117, %mul3A_1118 : i32
      %dma_wait3A_1120 = arith.constant 0 : i32
      %dma_wait3A_1121 = arith.constant 0 : i32
      %dma_wait3A_1122 = tpu.memref_slice %arg3[%select_n3A_1101, %mul3A_1119, %dma_wait3A_1120, %dma_wait3A_1121] : memref<4x1248x4x384xf32, #tpu.memory_space<hbm>> -> memref<1x16x1x384xf32, #tpu.memory_space<hbm>>
      %dma_wait3A_1123 = tpu.memref_squeeze %dma_wait3A_1122 : memref<1x16x1x384xf32, #tpu.memory_space<hbm>> -> memref<16x384xf32, #tpu.memory_space<hbm>>
      %dma_wait3A_1124 = arith.constant 0 : i32
      %dma_wait3A_1125 = tpu.memref_slice %arg3[%select_n3A_1101, %mul3A_1119, %dma_wait3A_1120, %dma_wait3A_1124] : memref<4x1248x4x384xf32, #tpu.memory_space<hbm>> -> memref<1x16x1x384xf32, #tpu.memory_space<hbm>>
      %dma_wait3A_1126 = tpu.memref_squeeze %dma_wait3A_1125 : memref<1x16x1x384xf32, #tpu.memory_space<hbm>> -> memref<16x384xf32, #tpu.memory_space<hbm>>
      tpu.wait_dma2 semaphore(%arg16 : memref<!tpu.dma_semaphore, #tpu.memory_space<semaphore_mem>>) src(%arg10 : memref<16x384xf32, #tpu.memory_space<vmem>>) dst(%dma_wait3A_1126 : memref<16x384xf32, #tpu.memory_space<hbm>>)
      %dma_wait3A_1127 = arith.constant 1 : i32
      %dma_wait3A_1128 = arith.constant 0 : i32
      %dma_wait3A_1129 = tpu.memref_slice %arg3[%select_n3A_1101, %mul3A_1119, %dma_wait3A_1127, %dma_wait3A_1128] : memref<4x1248x4x384xf32, #tpu.memory_space<hbm>> -> memref<1x16x1x384xf32, #tpu.memory_space<hbm>>
      %dma_wait3A_1130 = tpu.memref_squeeze %dma_wait3A_1129 : memref<1x16x1x384xf32, #tpu.memory_space<hbm>> -> memref<16x384xf32, #tpu.memory_space<hbm>>
      %dma_wait3A_1131 = arith.constant 0 : i32
      %dma_wait3A_1132 = tpu.memref_slice %arg3[%select_n3A_1101, %mul3A_1119, %dma_wait3A_1127, %dma_wait3A_1131] : memref<4x1248x4x384xf32, #tpu.memory_space<hbm>> -> memref<1x16x1x384xf32, #tpu.memory_space<hbm>>
      %dma_wait3A_1133 = tpu.memref_squeeze %dma_wait3A_1132 : memref<1x16x1x384xf32, #tpu.memory_space<hbm>> -> memref<16x384xf32, #tpu.memory_space<hbm>>
      tpu.wait_dma2 semaphore(%arg16 : memref<!tpu.dma_semaphore, #tpu.memory_space<semaphore_mem>>) src(%arg6 : memref<16x384xf32, #tpu.memory_space<vmem>>) dst(%dma_wait3A_1133 : memref<16x384xf32, #tpu.memory_space<hbm>>)
      %dma_wait3A_1134 = arith.constant 2 : i32
      %dma_wait3A_1135 = arith.constant 0 : i32
      %dma_wait3A_1136 = tpu.memref_slice %arg3[%select_n3A_1101, %mul3A_1119, %dma_wait3A_1134, %dma_wait3A_1135] : memref<4x1248x4x384xf32, #tpu.memory_space<hbm>> -> memref<1x16x1x384xf32, #tpu.memory_space<hbm>>
      %dma_wait3A_1137 = tpu.memref_squeeze %dma_wait3A_1136 : memref<1x16x1x384xf32, #tpu.memory_space<hbm>> -> memref<16x384xf32, #tpu.memory_space<hbm>>
      %dma_wait3A_1138 = arith.constant 0 : i32
      %dma_wait3A_1139 = tpu.memref_slice %arg3[%select_n3A_1101, %mul3A_1119, %dma_wait3A_1134, %dma_wait3A_1138] : memref<4x1248x4x384xf32, #tpu.memory_space<hbm>> -> memref<1x16x1x384xf32, #tpu.memory_space<hbm>>
      %dma_wait3A_1140 = tpu.memref_squeeze %dma_wait3A_1139 : memref<1x16x1x384xf32, #tpu.memory_space<hbm>> -> memref<16x384xf32, #tpu.memory_space<hbm>>
      tpu.wait_dma2 semaphore(%arg16 : memref<!tpu.dma_semaphore, #tpu.memory_space<semaphore_mem>>) src(%arg7 : memref<16x384xf32, #tpu.memory_space<vmem>>) dst(%dma_wait3A_1140 : memref<16x384xf32, #tpu.memory_space<hbm>>)
      %dma_wait3A_1141 = arith.constant 3 : i32
      %dma_wait3A_1142 = arith.constant 0 : i32
      %dma_wait3A_1143 = tpu.memref_slice %arg3[%select_n3A_1101, %mul3A_1119, %dma_wait3A_1141, %dma_wait3A_1142] : memref<4x1248x4x384xf32, #tpu.memory_space<hbm>> -> memref<1x16x1x384xf32, #tpu.memory_space<hbm>>
      %dma_wait3A_1144 = tpu.memref_squeeze %dma_wait3A_1143 : memref<1x16x1x384xf32, #tpu.memory_space<hbm>> -> memref<16x384xf32, #tpu.memory_space<hbm>>
      %dma_wait3A_1145 = arith.constant 0 : i32
      %dma_wait3A_1146 = tpu.memref_slice %arg3[%select_n3A_1101, %mul3A_1119, %dma_wait3A_1141, %dma_wait3A_1145] : memref<4x1248x4x384xf32, #tpu.memory_space<hbm>> -> memref<1x16x1x384xf32, #tpu.memory_space<hbm>>
      %dma_wait3A_1147 = tpu.memref_squeeze %dma_wait3A_1146 : memref<1x16x1x384xf32, #tpu.memory_space<hbm>> -> memref<16x384xf32, #tpu.memory_space<hbm>>
      tpu.wait_dma2 semaphore(%arg16 : memref<!tpu.dma_semaphore, #tpu.memory_space<semaphore_mem>>) src(%arg11 : memref<16x384xf32, #tpu.memory_space<vmem>>) dst(%dma_wait3A_1147 : memref<16x384xf32, #tpu.memory_space<hbm>>)
      %add3A_1148 = arith.constant 1 : i32
      %add3A_1149 = arith.addi %add3A_1072, %add3A_1148 : i32
      %mul3A_1150 = arith.constant 32 : i32
      %mul3A_1151 = arith.muli %add3A_1149, %mul3A_1150 : i32
      %add3A_1152 = arith.addi %mul3A_1151, %add3A : i32
      %jit3A_1153 = arith.constant 78 : i32
      %div3A_1154 = arith.divsi %add3A_1152, %jit3A_1153 : i32
      %sign3A_1155 = arith.constant 0 : i32
      %sign3A_1156 = arith.cmpi sgt, %add3A_1152, %sign3A_1155 : i32
      %sign3A_1157 = arith.extui %sign3A_1156 : i1 to i32
      %sign3A_1158 = arith.constant 0 : i32
      %sign3A_1159 = arith.cmpi slt, %add3A_1152, %sign3A_1158 : i32
      %sign3A_1160 = arith.extui %sign3A_1159 : i1 to i32
      %sign3A_1161 = arith.subi %sign3A_1157, %sign3A_1160 : i32
      %sign3A_1162 = arith.constant 0 : i32
      %sign3A_1163 = arith.cmpi sgt, %jit3A_1153, %sign3A_1162 : i32
      %sign3A_1164 = arith.extui %sign3A_1163 : i1 to i32
      %sign3A_1165 = arith.constant 0 : i32
      %sign3A_1166 = arith.cmpi slt, %jit3A_1153, %sign3A_1165 : i32
      %sign3A_1167 = arith.extui %sign3A_1166 : i1 to i32
      %sign3A_1168 = arith.subi %sign3A_1164, %sign3A_1167 : i32
      %ne3A_1169 = arith.cmpi ne, %sign3A_1161, %sign3A_1168 : i32
      %rem3A_1170 = arith.remsi %add3A_1152, %jit3A_1153 : i32
      %ne3A_1171 = arith.constant 0 : i32
      %ne3A_1172 = arith.cmpi ne, %rem3A_1170, %ne3A_1171 : i32
      %and3A_1173 = arith.andi %ne3A_1169, %ne3A_1172 : i1
      %sub3A_1174 = arith.constant 1 : i32
      %sub3A_1175 = arith.subi %div3A_1154, %sub3A_1174 : i32
      %select_n3A_1176 = arith.select %and3A_1173, %sub3A_1175, %div3A_1154 : i32
      %jit3A_1177 = arith.constant 78 : i32
      %eq3A_1178 = arith.constant 0 : i32
      %eq3A_1179 = arith.cmpi eq, %jit3A_1177, %eq3A_1178 : i32
      %jit3A_1180 = arith.constant 1 : i32
      %select_n3A_1181 = arith.select %eq3A_1179, %jit3A_1180, %jit3A_1177 : i32
      %rem3A_1182 = arith.remsi %add3A_1152, %select_n3A_1181 : i32
      %ne3A_1183 = arith.constant 0 : i32
      %ne3A_1184 = arith.cmpi ne, %rem3A_1182, %ne3A_1183 : i32
      %lt3A_1185 = arith.constant 0 : i32
      %lt3A_1186 = arith.cmpi slt, %rem3A_1182, %lt3A_1185 : i32
      %lt3A_1187 = arith.constant 0 : i32
      %lt3A_1188 = arith.cmpi slt, %select_n3A_1181, %lt3A_1187 : i32
      %ne3A_1189 = arith.xori %lt3A_1186, %lt3A_1188 : i1
      %and3A_1190 = arith.andi %ne3A_1189, %ne3A_1184 : i1
      %add3A_1191 = arith.addi %rem3A_1182, %select_n3A_1181 : i32
      %select_n3A_1192 = arith.select %and3A_1190, %add3A_1191, %rem3A_1182 : i32
      %mul3A_1193 = arith.constant 16 : i32
      %mul3A_1194 = arith.muli %select_n3A_1192, %mul3A_1193 : i32
      %dma_start3A_1195 = arith.constant 0 : i32
      %dma_start3A_1196 = arith.constant 0 : i32
      %dma_start3A_1197 = tpu.memref_slice %arg2[%select_n3A_1176, %dma_start3A_1195, %mul3A_1194, %dma_start3A_1196] : memref<4x3x1248x384xf32, #tpu.memory_space<hbm>> -> memref<1x1x16x384xf32, #tpu.memory_space<hbm>>
      %dma_start3A_1198 = tpu.memref_squeeze %dma_start3A_1197 : memref<1x1x16x384xf32, #tpu.memory_space<hbm>> -> memref<16x384xf32, #tpu.memory_space<hbm>>
      %dma_start3A_1199 = arith.constant 0 : i32
      %dma_start3A_1200 = tpu.memref_slice %arg2[%select_n3A_1176, %dma_start3A_1195, %mul3A_1194, %dma_start3A_1199] : memref<4x3x1248x384xf32, #tpu.memory_space<hbm>> -> memref<1x1x16x384xf32, #tpu.memory_space<hbm>>
      %dma_start3A_1201 = tpu.memref_squeeze %dma_start3A_1200 : memref<1x1x16x384xf32, #tpu.memory_space<hbm>> -> memref<16x384xf32, #tpu.memory_space<hbm>>
      tpu.enqueue_dma source(%dma_start3A_1201 : memref<16x384xf32, #tpu.memory_space<hbm>>) target(%arg6 : memref<16x384xf32, #tpu.memory_space<vmem>>) target_semaphore(%arg13 : memref<!tpu.dma_semaphore, #tpu.memory_space<semaphore_mem>>)
      %dma_start3A_1202 = arith.constant 1 : i32
      %dma_start3A_1203 = arith.constant 0 : i32
      %dma_start3A_1204 = tpu.memref_slice %arg2[%select_n3A_1176, %dma_start3A_1202, %mul3A_1194, %dma_start3A_1203] : memref<4x3x1248x384xf32, #tpu.memory_space<hbm>> -> memref<1x1x16x384xf32, #tpu.memory_space<hbm>>
      %dma_start3A_1205 = tpu.memref_squeeze %dma_start3A_1204 : memref<1x1x16x384xf32, #tpu.memory_space<hbm>> -> memref<16x384xf32, #tpu.memory_space<hbm>>
      %dma_start3A_1206 = arith.constant 0 : i32
      %dma_start3A_1207 = tpu.memref_slice %arg2[%select_n3A_1176, %dma_start3A_1202, %mul3A_1194, %dma_start3A_1206] : memref<4x3x1248x384xf32, #tpu.memory_space<hbm>> -> memref<1x1x16x384xf32, #tpu.memory_space<hbm>>
      %dma_start3A_1208 = tpu.memref_squeeze %dma_start3A_1207 : memref<1x1x16x384xf32, #tpu.memory_space<hbm>> -> memref<16x384xf32, #tpu.memory_space<hbm>>
      tpu.enqueue_dma source(%dma_start3A_1208 : memref<16x384xf32, #tpu.memory_space<hbm>>) target(%arg7 : memref<16x384xf32, #tpu.memory_space<vmem>>) target_semaphore(%arg13 : memref<!tpu.dma_semaphore, #tpu.memory_space<semaphore_mem>>)
      %mul3A_1209 = arith.constant 32 : i32
      %mul3A_1210 = arith.muli %add3A_1072, %mul3A_1209 : i32
      %add3A_1211 = arith.addi %mul3A_1210, %add3A : i32
      %jit3A_1212 = arith.constant 78 : i32
      %div3A_1213 = arith.divsi %add3A_1211, %jit3A_1212 : i32
      %sign3A_1214 = arith.constant 0 : i32
      %sign3A_1215 = arith.cmpi sgt, %add3A_1211, %sign3A_1214 : i32
      %sign3A_1216 = arith.extui %sign3A_1215 : i1 to i32
      %sign3A_1217 = arith.constant 0 : i32
      %sign3A_1218 = arith.cmpi slt, %add3A_1211, %sign3A_1217 : i32
      %sign3A_1219 = arith.extui %sign3A_1218 : i1 to i32
      %sign3A_1220 = arith.subi %sign3A_1216, %sign3A_1219 : i32
      %sign3A_1221 = arith.constant 0 : i32
      %sign3A_1222 = arith.cmpi sgt, %jit3A_1212, %sign3A_1221 : i32
      %sign3A_1223 = arith.extui %sign3A_1222 : i1 to i32
      %sign3A_1224 = arith.constant 0 : i32
      %sign3A_1225 = arith.cmpi slt, %jit3A_1212, %sign3A_1224 : i32
      %sign3A_1226 = arith.extui %sign3A_1225 : i1 to i32
      %sign3A_1227 = arith.subi %sign3A_1223, %sign3A_1226 : i32
      %ne3A_1228 = arith.cmpi ne, %sign3A_1220, %sign3A_1227 : i32
      %rem3A_1229 = arith.remsi %add3A_1211, %jit3A_1212 : i32
      %ne3A_1230 = arith.constant 0 : i32
      %ne3A_1231 = arith.cmpi ne, %rem3A_1229, %ne3A_1230 : i32
      %and3A_1232 = arith.andi %ne3A_1228, %ne3A_1231 : i1
      %sub3A_1233 = arith.constant 1 : i32
      %sub3A_1234 = arith.subi %div3A_1213, %sub3A_1233 : i32
      %select_n3A_1235 = arith.select %and3A_1232, %sub3A_1234, %div3A_1213 : i32
      %jit3A_1236 = arith.constant 78 : i32
      %eq3A_1237 = arith.constant 0 : i32
      %eq3A_1238 = arith.cmpi eq, %jit3A_1236, %eq3A_1237 : i32
      %jit3A_1239 = arith.constant 1 : i32
      %select_n3A_1240 = arith.select %eq3A_1238, %jit3A_1239, %jit3A_1236 : i32
      %rem3A_1241 = arith.remsi %add3A_1211, %select_n3A_1240 : i32
      %ne3A_1242 = arith.constant 0 : i32
      %ne3A_1243 = arith.cmpi ne, %rem3A_1241, %ne3A_1242 : i32
      %lt3A_1244 = arith.constant 0 : i32
      %lt3A_1245 = arith.cmpi slt, %rem3A_1241, %lt3A_1244 : i32
      %lt3A_1246 = arith.constant 0 : i32
      %lt3A_1247 = arith.cmpi slt, %select_n3A_1240, %lt3A_1246 : i32
      %ne3A_1248 = arith.xori %lt3A_1245, %lt3A_1247 : i1
      %and3A_1249 = arith.andi %ne3A_1248, %ne3A_1243 : i1
      %add3A_1250 = arith.addi %rem3A_1241, %select_n3A_1240 : i32
      %select_n3A_1251 = arith.select %and3A_1249, %add3A_1250, %rem3A_1241 : i32
      %mul3A_1252 = arith.constant 16 : i32
      %mul3A_1253 = arith.muli %select_n3A_1251, %mul3A_1252 : i32
      %dma_wait3A_1254 = arith.constant 0 : i32
      %dma_wait3A_1255 = arith.constant 0 : i32
      %dma_wait3A_1256 = tpu.memref_slice %arg2[%select_n3A_1235, %dma_wait3A_1254, %mul3A_1253, %dma_wait3A_1255] : memref<4x3x1248x384xf32, #tpu.memory_space<hbm>> -> memref<1x1x16x384xf32, #tpu.memory_space<hbm>>
      %dma_wait3A_1257 = tpu.memref_squeeze %dma_wait3A_1256 : memref<1x1x16x384xf32, #tpu.memory_space<hbm>> -> memref<16x384xf32, #tpu.memory_space<hbm>>
      %dma_wait3A_1258 = arith.constant 0 : i32
      %dma_wait3A_1259 = tpu.memref_slice %arg2[%select_n3A_1235, %dma_wait3A_1254, %mul3A_1253, %dma_wait3A_1258] : memref<4x3x1248x384xf32, #tpu.memory_space<hbm>> -> memref<1x1x16x384xf32, #tpu.memory_space<hbm>>
      %dma_wait3A_1260 = tpu.memref_squeeze %dma_wait3A_1259 : memref<1x1x16x384xf32, #tpu.memory_space<hbm>> -> memref<16x384xf32, #tpu.memory_space<hbm>>
      tpu.wait_dma2 semaphore(%arg12 : memref<!tpu.dma_semaphore, #tpu.memory_space<semaphore_mem>>) src(%dma_wait3A_1260 : memref<16x384xf32, #tpu.memory_space<hbm>>) dst(%arg4 : memref<16x384xf32, #tpu.memory_space<vmem>>)
      %dma_wait3A_1261 = arith.constant 1 : i32
      %dma_wait3A_1262 = arith.constant 0 : i32
      %dma_wait3A_1263 = tpu.memref_slice %arg2[%select_n3A_1235, %dma_wait3A_1261, %mul3A_1253, %dma_wait3A_1262] : memref<4x3x1248x384xf32, #tpu.memory_space<hbm>> -> memref<1x1x16x384xf32, #tpu.memory_space<hbm>>
      %dma_wait3A_1264 = tpu.memref_squeeze %dma_wait3A_1263 : memref<1x1x16x384xf32, #tpu.memory_space<hbm>> -> memref<16x384xf32, #tpu.memory_space<hbm>>
      %dma_wait3A_1265 = arith.constant 0 : i32
      %dma_wait3A_1266 = tpu.memref_slice %arg2[%select_n3A_1235, %dma_wait3A_1261, %mul3A_1253, %dma_wait3A_1265] : memref<4x3x1248x384xf32, #tpu.memory_space<hbm>> -> memref<1x1x16x384xf32, #tpu.memory_space<hbm>>
      %dma_wait3A_1267 = tpu.memref_squeeze %dma_wait3A_1266 : memref<1x1x16x384xf32, #tpu.memory_space<hbm>> -> memref<16x384xf32, #tpu.memory_space<hbm>>
      tpu.wait_dma2 semaphore(%arg12 : memref<!tpu.dma_semaphore, #tpu.memory_space<semaphore_mem>>) src(%dma_wait3A_1267 : memref<16x384xf32, #tpu.memory_space<hbm>>) dst(%arg5 : memref<16x384xf32, #tpu.memory_space<vmem>>)
      %mul3A_1268 = arith.constant 32 : i32
      %mul3A_1269 = arith.muli %add3A_1072, %mul3A_1268 : i32
      %add3A_1270 = arith.addi %mul3A_1269, %add3A : i32
      %jit3A_1271 = arith.constant 78 : i32
      %div3A_1272 = arith.divsi %add3A_1270, %jit3A_1271 : i32
      %sign3A_1273 = arith.constant 0 : i32
      %sign3A_1274 = arith.cmpi sgt, %add3A_1270, %sign3A_1273 : i32
      %sign3A_1275 = arith.extui %sign3A_1274 : i1 to i32
      %sign3A_1276 = arith.constant 0 : i32
      %sign3A_1277 = arith.cmpi slt, %add3A_1270, %sign3A_1276 : i32
      %sign3A_1278 = arith.extui %sign3A_1277 : i1 to i32
      %sign3A_1279 = arith.subi %sign3A_1275, %sign3A_1278 : i32
      %sign3A_1280 = arith.constant 0 : i32
      %sign3A_1281 = arith.cmpi sgt, %jit3A_1271, %sign3A_1280 : i32
      %sign3A_1282 = arith.extui %sign3A_1281 : i1 to i32
      %sign3A_1283 = arith.constant 0 : i32
      %sign3A_1284 = arith.cmpi slt, %jit3A_1271, %sign3A_1283 : i32
      %sign3A_1285 = arith.extui %sign3A_1284 : i1 to i32
      %sign3A_1286 = arith.subi %sign3A_1282, %sign3A_1285 : i32
      %ne3A_1287 = arith.cmpi ne, %sign3A_1279, %sign3A_1286 : i32
      %rem3A_1288 = arith.remsi %add3A_1270, %jit3A_1271 : i32
      %ne3A_1289 = arith.constant 0 : i32
      %ne3A_1290 = arith.cmpi ne, %rem3A_1288, %ne3A_1289 : i32
      %and3A_1291 = arith.andi %ne3A_1287, %ne3A_1290 : i1
      %sub3A_1292 = arith.constant 1 : i32
      %sub3A_1293 = arith.subi %div3A_1272, %sub3A_1292 : i32
      %select_n3A_1294 = arith.select %and3A_1291, %sub3A_1293, %div3A_1272 : i32
      %jit3A_1295 = arith.constant 78 : i32
      %eq3A_1296 = arith.constant 0 : i32
      %eq3A_1297 = arith.cmpi eq, %jit3A_1295, %eq3A_1296 : i32
      %jit3A_1298 = arith.constant 1 : i32
      %select_n3A_1299 = arith.select %eq3A_1297, %jit3A_1298, %jit3A_1295 : i32
      %rem3A_1300 = arith.remsi %add3A_1270, %select_n3A_1299 : i32
      %ne3A_1301 = arith.constant 0 : i32
      %ne3A_1302 = arith.cmpi ne, %rem3A_1300, %ne3A_1301 : i32
      %lt3A_1303 = arith.constant 0 : i32
      %lt3A_1304 = arith.cmpi slt, %rem3A_1300, %lt3A_1303 : i32
      %lt3A_1305 = arith.constant 0 : i32
      %lt3A_1306 = arith.cmpi slt, %select_n3A_1299, %lt3A_1305 : i32
      %ne3A_1307 = arith.xori %lt3A_1304, %lt3A_1306 : i1
      %and3A_1308 = arith.andi %ne3A_1307, %ne3A_1302 : i1
      %add3A_1309 = arith.addi %rem3A_1300, %select_n3A_1299 : i32
      %select_n3A_1310 = arith.select %and3A_1308, %add3A_1309, %rem3A_1300 : i32
      %mul3A_1311 = arith.constant 16 : i32
      %mul3A_1312 = arith.muli %select_n3A_1310, %mul3A_1311 : i32
      %dma_start3A_1313 = arith.constant 0 : i32
      %dma_start3A_1314 = arith.constant 0 : i32
      %dma_start3A_1315 = tpu.memref_slice %arg3[%select_n3A_1294, %mul3A_1312, %dma_start3A_1313, %dma_start3A_1314] : memref<4x1248x4x384xf32, #tpu.memory_space<hbm>> -> memref<1x16x1x384xf32, #tpu.memory_space<hbm>>
      %dma_start3A_1316 = tpu.memref_squeeze %dma_start3A_1315 : memref<1x16x1x384xf32, #tpu.memory_space<hbm>> -> memref<16x384xf32, #tpu.memory_space<hbm>>
      %dma_start3A_1317 = arith.constant 0 : i32
      %dma_start3A_1318 = tpu.memref_slice %arg3[%select_n3A_1294, %mul3A_1312, %dma_start3A_1313, %dma_start3A_1317] : memref<4x1248x4x384xf32, #tpu.memory_space<hbm>> -> memref<1x16x1x384xf32, #tpu.memory_space<hbm>>
      %dma_start3A_1319 = tpu.memref_squeeze %dma_start3A_1318 : memref<1x16x1x384xf32, #tpu.memory_space<hbm>> -> memref<16x384xf32, #tpu.memory_space<hbm>>
      tpu.enqueue_dma source(%arg10 : memref<16x384xf32, #tpu.memory_space<vmem>>) target(%dma_start3A_1319 : memref<16x384xf32, #tpu.memory_space<hbm>>) target_semaphore(%arg15 : memref<!tpu.dma_semaphore, #tpu.memory_space<semaphore_mem>>)
      %dma_start3A_1320 = arith.constant 1 : i32
      %dma_start3A_1321 = arith.constant 0 : i32
      %dma_start3A_1322 = tpu.memref_slice %arg3[%select_n3A_1294, %mul3A_1312, %dma_start3A_1320, %dma_start3A_1321] : memref<4x1248x4x384xf32, #tpu.memory_space<hbm>> -> memref<1x16x1x384xf32, #tpu.memory_space<hbm>>
      %dma_start3A_1323 = tpu.memref_squeeze %dma_start3A_1322 : memref<1x16x1x384xf32, #tpu.memory_space<hbm>> -> memref<16x384xf32, #tpu.memory_space<hbm>>
      %dma_start3A_1324 = arith.constant 0 : i32
      %dma_start3A_1325 = tpu.memref_slice %arg3[%select_n3A_1294, %mul3A_1312, %dma_start3A_1320, %dma_start3A_1324] : memref<4x1248x4x384xf32, #tpu.memory_space<hbm>> -> memref<1x16x1x384xf32, #tpu.memory_space<hbm>>
      %dma_start3A_1326 = tpu.memref_squeeze %dma_start3A_1325 : memref<1x16x1x384xf32, #tpu.memory_space<hbm>> -> memref<16x384xf32, #tpu.memory_space<hbm>>
      tpu.enqueue_dma source(%arg4 : memref<16x384xf32, #tpu.memory_space<vmem>>) target(%dma_start3A_1326 : memref<16x384xf32, #tpu.memory_space<hbm>>) target_semaphore(%arg15 : memref<!tpu.dma_semaphore, #tpu.memory_space<semaphore_mem>>)
      %dma_start3A_1327 = arith.constant 2 : i32
      %dma_start3A_1328 = arith.constant 0 : i32
      %dma_start3A_1329 = tpu.memref_slice %arg3[%select_n3A_1294, %mul3A_1312, %dma_start3A_1327, %dma_start3A_1328] : memref<4x1248x4x384xf32, #tpu.memory_space<hbm>> -> memref<1x16x1x384xf32, #tpu.memory_space<hbm>>
      %dma_start3A_1330 = tpu.memref_squeeze %dma_start3A_1329 : memref<1x16x1x384xf32, #tpu.memory_space<hbm>> -> memref<16x384xf32, #tpu.memory_space<hbm>>
      %dma_start3A_1331 = arith.constant 0 : i32
      %dma_start3A_1332 = tpu.memref_slice %arg3[%select_n3A_1294, %mul3A_1312, %dma_start3A_1327, %dma_start3A_1331] : memref<4x1248x4x384xf32, #tpu.memory_space<hbm>> -> memref<1x16x1x384xf32, #tpu.memory_space<hbm>>
      %dma_start3A_1333 = tpu.memref_squeeze %dma_start3A_1332 : memref<1x16x1x384xf32, #tpu.memory_space<hbm>> -> memref<16x384xf32, #tpu.memory_space<hbm>>
      tpu.enqueue_dma source(%arg5 : memref<16x384xf32, #tpu.memory_space<vmem>>) target(%dma_start3A_1333 : memref<16x384xf32, #tpu.memory_space<hbm>>) target_semaphore(%arg15 : memref<!tpu.dma_semaphore, #tpu.memory_space<semaphore_mem>>)
      %dma_start3A_1334 = arith.constant 3 : i32
      %dma_start3A_1335 = arith.constant 0 : i32
      %dma_start3A_1336 = tpu.memref_slice %arg3[%select_n3A_1294, %mul3A_1312, %dma_start3A_1334, %dma_start3A_1335] : memref<4x1248x4x384xf32, #tpu.memory_space<hbm>> -> memref<1x16x1x384xf32, #tpu.memory_space<hbm>>
      %dma_start3A_1337 = tpu.memref_squeeze %dma_start3A_1336 : memref<1x16x1x384xf32, #tpu.memory_space<hbm>> -> memref<16x384xf32, #tpu.memory_space<hbm>>
      %dma_start3A_1338 = arith.constant 0 : i32
      %dma_start3A_1339 = tpu.memref_slice %arg3[%select_n3A_1294, %mul3A_1312, %dma_start3A_1334, %dma_start3A_1338] : memref<4x1248x4x384xf32, #tpu.memory_space<hbm>> -> memref<1x16x1x384xf32, #tpu.memory_space<hbm>>
      %dma_start3A_1340 = tpu.memref_squeeze %dma_start3A_1339 : memref<1x16x1x384xf32, #tpu.memory_space<hbm>> -> memref<16x384xf32, #tpu.memory_space<hbm>>
      tpu.enqueue_dma source(%arg11 : memref<16x384xf32, #tpu.memory_space<vmem>>) target(%dma_start3A_1340 : memref<16x384xf32, #tpu.memory_space<hbm>>) target_semaphore(%arg15 : memref<!tpu.dma_semaphore, #tpu.memory_space<semaphore_mem>>)
      %add3A_1341 = arith.constant 2 : i32
      %add3A_1342 = arith.addi %add3A_800, %add3A_1341 : i32
      %sub3A_1343 = arith.constant 2 : i32
      %sub3A_1344 = arith.subi %add3A_1342, %sub3A_1343 : i32
      %mul3A_1345 = arith.constant 32 : i32
      %mul3A_1346 = arith.muli %sub3A_1344, %mul3A_1345 : i32
      %add3A_1347 = arith.addi %mul3A_1346, %add3A : i32
      %jit3A_1348 = arith.constant 78 : i32
      %div3A_1349 = arith.divsi %add3A_1347, %jit3A_1348 : i32
      %sign3A_1350 = arith.constant 0 : i32
      %sign3A_1351 = arith.cmpi sgt, %add3A_1347, %sign3A_1350 : i32
      %sign3A_1352 = arith.extui %sign3A_1351 : i1 to i32
      %sign3A_1353 = arith.constant 0 : i32
      %sign3A_1354 = arith.cmpi slt, %add3A_1347, %sign3A_1353 : i32
      %sign3A_1355 = arith.extui %sign3A_1354 : i1 to i32
      %sign3A_1356 = arith.subi %sign3A_1352, %sign3A_1355 : i32
      %sign3A_1357 = arith.constant 0 : i32
      %sign3A_1358 = arith.cmpi sgt, %jit3A_1348, %sign3A_1357 : i32
      %sign3A_1359 = arith.extui %sign3A_1358 : i1 to i32
      %sign3A_1360 = arith.constant 0 : i32
      %sign3A_1361 = arith.cmpi slt, %jit3A_1348, %sign3A_1360 : i32
      %sign3A_1362 = arith.extui %sign3A_1361 : i1 to i32
      %sign3A_1363 = arith.subi %sign3A_1359, %sign3A_1362 : i32
      %ne3A_1364 = arith.cmpi ne, %sign3A_1356, %sign3A_1363 : i32
      %rem3A_1365 = arith.remsi %add3A_1347, %jit3A_1348 : i32
      %ne3A_1366 = arith.constant 0 : i32
      %ne3A_1367 = arith.cmpi ne, %rem3A_1365, %ne3A_1366 : i32
      %and3A_1368 = arith.andi %ne3A_1364, %ne3A_1367 : i1
      %sub3A_1369 = arith.constant 1 : i32
      %sub3A_1370 = arith.subi %div3A_1349, %sub3A_1369 : i32
      %select_n3A_1371 = arith.select %and3A_1368, %sub3A_1370, %div3A_1349 : i32
      %jit3A_1372 = arith.constant 78 : i32
      %eq3A_1373 = arith.constant 0 : i32
      %eq3A_1374 = arith.cmpi eq, %jit3A_1372, %eq3A_1373 : i32
      %jit3A_1375 = arith.constant 1 : i32
      %select_n3A_1376 = arith.select %eq3A_1374, %jit3A_1375, %jit3A_1372 : i32
      %rem3A_1377 = arith.remsi %add3A_1347, %select_n3A_1376 : i32
      %ne3A_1378 = arith.constant 0 : i32
      %ne3A_1379 = arith.cmpi ne, %rem3A_1377, %ne3A_1378 : i32
      %lt3A_1380 = arith.constant 0 : i32
      %lt3A_1381 = arith.cmpi slt, %rem3A_1377, %lt3A_1380 : i32
      %lt3A_1382 = arith.constant 0 : i32
      %lt3A_1383 = arith.cmpi slt, %select_n3A_1376, %lt3A_1382 : i32
      %ne3A_1384 = arith.xori %lt3A_1381, %lt3A_1383 : i1
      %and3A_1385 = arith.andi %ne3A_1384, %ne3A_1379 : i1
      %add3A_1386 = arith.addi %rem3A_1377, %select_n3A_1376 : i32
      %select_n3A_1387 = arith.select %and3A_1385, %add3A_1386, %rem3A_1377 : i32
      %mul3A_1388 = arith.constant 16 : i32
      %mul3A_1389 = arith.muli %select_n3A_1387, %mul3A_1388 : i32
      %dma_wait3A_1390 = arith.constant 0 : i32
      %dma_wait3A_1391 = arith.constant 0 : i32
      %dma_wait3A_1392 = tpu.memref_slice %arg3[%select_n3A_1371, %mul3A_1389, %dma_wait3A_1390, %dma_wait3A_1391] : memref<4x1248x4x384xf32, #tpu.memory_space<hbm>> -> memref<1x16x1x384xf32, #tpu.memory_space<hbm>>
      %dma_wait3A_1393 = tpu.memref_squeeze %dma_wait3A_1392 : memref<1x16x1x384xf32, #tpu.memory_space<hbm>> -> memref<16x384xf32, #tpu.memory_space<hbm>>
      %dma_wait3A_1394 = arith.constant 0 : i32
      %dma_wait3A_1395 = tpu.memref_slice %arg3[%select_n3A_1371, %mul3A_1389, %dma_wait3A_1390, %dma_wait3A_1394] : memref<4x1248x4x384xf32, #tpu.memory_space<hbm>> -> memref<1x16x1x384xf32, #tpu.memory_space<hbm>>
      %dma_wait3A_1396 = tpu.memref_squeeze %dma_wait3A_1395 : memref<1x16x1x384xf32, #tpu.memory_space<hbm>> -> memref<16x384xf32, #tpu.memory_space<hbm>>
      tpu.wait_dma2 semaphore(%arg17 : memref<!tpu.dma_semaphore, #tpu.memory_space<semaphore_mem>>) src(%arg10 : memref<16x384xf32, #tpu.memory_space<vmem>>) dst(%dma_wait3A_1396 : memref<16x384xf32, #tpu.memory_space<hbm>>)
      %dma_wait3A_1397 = arith.constant 1 : i32
      %dma_wait3A_1398 = arith.constant 0 : i32
      %dma_wait3A_1399 = tpu.memref_slice %arg3[%select_n3A_1371, %mul3A_1389, %dma_wait3A_1397, %dma_wait3A_1398] : memref<4x1248x4x384xf32, #tpu.memory_space<hbm>> -> memref<1x16x1x384xf32, #tpu.memory_space<hbm>>
      %dma_wait3A_1400 = tpu.memref_squeeze %dma_wait3A_1399 : memref<1x16x1x384xf32, #tpu.memory_space<hbm>> -> memref<16x384xf32, #tpu.memory_space<hbm>>
      %dma_wait3A_1401 = arith.constant 0 : i32
      %dma_wait3A_1402 = tpu.memref_slice %arg3[%select_n3A_1371, %mul3A_1389, %dma_wait3A_1397, %dma_wait3A_1401] : memref<4x1248x4x384xf32, #tpu.memory_space<hbm>> -> memref<1x16x1x384xf32, #tpu.memory_space<hbm>>
      %dma_wait3A_1403 = tpu.memref_squeeze %dma_wait3A_1402 : memref<1x16x1x384xf32, #tpu.memory_space<hbm>> -> memref<16x384xf32, #tpu.memory_space<hbm>>
      tpu.wait_dma2 semaphore(%arg17 : memref<!tpu.dma_semaphore, #tpu.memory_space<semaphore_mem>>) src(%arg8 : memref<16x384xf32, #tpu.memory_space<vmem>>) dst(%dma_wait3A_1403 : memref<16x384xf32, #tpu.memory_space<hbm>>)
      %dma_wait3A_1404 = arith.constant 2 : i32
      %dma_wait3A_1405 = arith.constant 0 : i32
      %dma_wait3A_1406 = tpu.memref_slice %arg3[%select_n3A_1371, %mul3A_1389, %dma_wait3A_1404, %dma_wait3A_1405] : memref<4x1248x4x384xf32, #tpu.memory_space<hbm>> -> memref<1x16x1x384xf32, #tpu.memory_space<hbm>>
      %dma_wait3A_1407 = tpu.memref_squeeze %dma_wait3A_1406 : memref<1x16x1x384xf32, #tpu.memory_space<hbm>> -> memref<16x384xf32, #tpu.memory_space<hbm>>
      %dma_wait3A_1408 = arith.constant 0 : i32
      %dma_wait3A_1409 = tpu.memref_slice %arg3[%select_n3A_1371, %mul3A_1389, %dma_wait3A_1404, %dma_wait3A_1408] : memref<4x1248x4x384xf32, #tpu.memory_space<hbm>> -> memref<1x16x1x384xf32, #tpu.memory_space<hbm>>
      %dma_wait3A_1410 = tpu.memref_squeeze %dma_wait3A_1409 : memref<1x16x1x384xf32, #tpu.memory_space<hbm>> -> memref<16x384xf32, #tpu.memory_space<hbm>>
      tpu.wait_dma2 semaphore(%arg17 : memref<!tpu.dma_semaphore, #tpu.memory_space<semaphore_mem>>) src(%arg9 : memref<16x384xf32, #tpu.memory_space<vmem>>) dst(%dma_wait3A_1410 : memref<16x384xf32, #tpu.memory_space<hbm>>)
      %dma_wait3A_1411 = arith.constant 3 : i32
      %dma_wait3A_1412 = arith.constant 0 : i32
      %dma_wait3A_1413 = tpu.memref_slice %arg3[%select_n3A_1371, %mul3A_1389, %dma_wait3A_1411, %dma_wait3A_1412] : memref<4x1248x4x384xf32, #tpu.memory_space<hbm>> -> memref<1x16x1x384xf32, #tpu.memory_space<hbm>>
      %dma_wait3A_1414 = tpu.memref_squeeze %dma_wait3A_1413 : memref<1x16x1x384xf32, #tpu.memory_space<hbm>> -> memref<16x384xf32, #tpu.memory_space<hbm>>
      %dma_wait3A_1415 = arith.constant 0 : i32
      %dma_wait3A_1416 = tpu.memref_slice %arg3[%select_n3A_1371, %mul3A_1389, %dma_wait3A_1411, %dma_wait3A_1415] : memref<4x1248x4x384xf32, #tpu.memory_space<hbm>> -> memref<1x16x1x384xf32, #tpu.memory_space<hbm>>
      %dma_wait3A_1417 = tpu.memref_squeeze %dma_wait3A_1416 : memref<1x16x1x384xf32, #tpu.memory_space<hbm>> -> memref<16x384xf32, #tpu.memory_space<hbm>>
      tpu.wait_dma2 semaphore(%arg17 : memref<!tpu.dma_semaphore, #tpu.memory_space<semaphore_mem>>) src(%arg11 : memref<16x384xf32, #tpu.memory_space<vmem>>) dst(%dma_wait3A_1417 : memref<16x384xf32, #tpu.memory_space<hbm>>)
      %add3A_1418 = arith.constant 1 : i32
      %add3A_1419 = arith.addi %add3A_1342, %add3A_1418 : i32
      %mul3A_1420 = arith.constant 32 : i32
      %mul3A_1421 = arith.muli %add3A_1419, %mul3A_1420 : i32
      %add3A_1422 = arith.addi %mul3A_1421, %add3A : i32
      %jit3A_1423 = arith.constant 78 : i32
      %div3A_1424 = arith.divsi %add3A_1422, %jit3A_1423 : i32
      %sign3A_1425 = arith.constant 0 : i32
      %sign3A_1426 = arith.cmpi sgt, %add3A_1422, %sign3A_1425 : i32
      %sign3A_1427 = arith.extui %sign3A_1426 : i1 to i32
      %sign3A_1428 = arith.constant 0 : i32
      %sign3A_1429 = arith.cmpi slt, %add3A_1422, %sign3A_1428 : i32
      %sign3A_1430 = arith.extui %sign3A_1429 : i1 to i32
      %sign3A_1431 = arith.subi %sign3A_1427, %sign3A_1430 : i32
      %sign3A_1432 = arith.constant 0 : i32
      %sign3A_1433 = arith.cmpi sgt, %jit3A_1423, %sign3A_1432 : i32
      %sign3A_1434 = arith.extui %sign3A_1433 : i1 to i32
      %sign3A_1435 = arith.constant 0 : i32
      %sign3A_1436 = arith.cmpi slt, %jit3A_1423, %sign3A_1435 : i32
      %sign3A_1437 = arith.extui %sign3A_1436 : i1 to i32
      %sign3A_1438 = arith.subi %sign3A_1434, %sign3A_1437 : i32
      %ne3A_1439 = arith.cmpi ne, %sign3A_1431, %sign3A_1438 : i32
      %rem3A_1440 = arith.remsi %add3A_1422, %jit3A_1423 : i32
      %ne3A_1441 = arith.constant 0 : i32
      %ne3A_1442 = arith.cmpi ne, %rem3A_1440, %ne3A_1441 : i32
      %and3A_1443 = arith.andi %ne3A_1439, %ne3A_1442 : i1
      %sub3A_1444 = arith.constant 1 : i32
      %sub3A_1445 = arith.subi %div3A_1424, %sub3A_1444 : i32
      %select_n3A_1446 = arith.select %and3A_1443, %sub3A_1445, %div3A_1424 : i32
      %jit3A_1447 = arith.constant 78 : i32
      %eq3A_1448 = arith.constant 0 : i32
      %eq3A_1449 = arith.cmpi eq, %jit3A_1447, %eq3A_1448 : i32
      %jit3A_1450 = arith.constant 1 : i32
      %select_n3A_1451 = arith.select %eq3A_1449, %jit3A_1450, %jit3A_1447 : i32
      %rem3A_1452 = arith.remsi %add3A_1422, %select_n3A_1451 : i32
      %ne3A_1453 = arith.constant 0 : i32
      %ne3A_1454 = arith.cmpi ne, %rem3A_1452, %ne3A_1453 : i32
      %lt3A_1455 = arith.constant 0 : i32
      %lt3A_1456 = arith.cmpi slt, %rem3A_1452, %lt3A_1455 : i32
      %lt3A_1457 = arith.constant 0 : i32
      %lt3A_1458 = arith.cmpi slt, %select_n3A_1451, %lt3A_1457 : i32
      %ne3A_1459 = arith.xori %lt3A_1456, %lt3A_1458 : i1
      %and3A_1460 = arith.andi %ne3A_1459, %ne3A_1454 : i1
      %add3A_1461 = arith.addi %rem3A_1452, %select_n3A_1451 : i32
      %select_n3A_1462 = arith.select %and3A_1460, %add3A_1461, %rem3A_1452 : i32
      %mul3A_1463 = arith.constant 16 : i32
      %mul3A_1464 = arith.muli %select_n3A_1462, %mul3A_1463 : i32
      %dma_start3A_1465 = arith.constant 0 : i32
      %dma_start3A_1466 = arith.constant 0 : i32
      %dma_start3A_1467 = tpu.memref_slice %arg2[%select_n3A_1446, %dma_start3A_1465, %mul3A_1464, %dma_start3A_1466] : memref<4x3x1248x384xf32, #tpu.memory_space<hbm>> -> memref<1x1x16x384xf32, #tpu.memory_space<hbm>>
      %dma_start3A_1468 = tpu.memref_squeeze %dma_start3A_1467 : memref<1x1x16x384xf32, #tpu.memory_space<hbm>> -> memref<16x384xf32, #tpu.memory_space<hbm>>
      %dma_start3A_1469 = arith.constant 0 : i32
      %dma_start3A_1470 = tpu.memref_slice %arg2[%select_n3A_1446, %dma_start3A_1465, %mul3A_1464, %dma_start3A_1469] : memref<4x3x1248x384xf32, #tpu.memory_space<hbm>> -> memref<1x1x16x384xf32, #tpu.memory_space<hbm>>
      %dma_start3A_1471 = tpu.memref_squeeze %dma_start3A_1470 : memref<1x1x16x384xf32, #tpu.memory_space<hbm>> -> memref<16x384xf32, #tpu.memory_space<hbm>>
      tpu.enqueue_dma source(%dma_start3A_1471 : memref<16x384xf32, #tpu.memory_space<hbm>>) target(%arg8 : memref<16x384xf32, #tpu.memory_space<vmem>>) target_semaphore(%arg14 : memref<!tpu.dma_semaphore, #tpu.memory_space<semaphore_mem>>)
      %dma_start3A_1472 = arith.constant 1 : i32
      %dma_start3A_1473 = arith.constant 0 : i32
      %dma_start3A_1474 = tpu.memref_slice %arg2[%select_n3A_1446, %dma_start3A_1472, %mul3A_1464, %dma_start3A_1473] : memref<4x3x1248x384xf32, #tpu.memory_space<hbm>> -> memref<1x1x16x384xf32, #tpu.memory_space<hbm>>
      %dma_start3A_1475 = tpu.memref_squeeze %dma_start3A_1474 : memref<1x1x16x384xf32, #tpu.memory_space<hbm>> -> memref<16x384xf32, #tpu.memory_space<hbm>>
      %dma_start3A_1476 = arith.constant 0 : i32
      %dma_start3A_1477 = tpu.memref_slice %arg2[%select_n3A_1446, %dma_start3A_1472, %mul3A_1464, %dma_start3A_1476] : memref<4x3x1248x384xf32, #tpu.memory_space<hbm>> -> memref<1x1x16x384xf32, #tpu.memory_space<hbm>>
      %dma_start3A_1478 = tpu.memref_squeeze %dma_start3A_1477 : memref<1x1x16x384xf32, #tpu.memory_space<hbm>> -> memref<16x384xf32, #tpu.memory_space<hbm>>
      tpu.enqueue_dma source(%dma_start3A_1478 : memref<16x384xf32, #tpu.memory_space<hbm>>) target(%arg9 : memref<16x384xf32, #tpu.memory_space<vmem>>) target_semaphore(%arg14 : memref<!tpu.dma_semaphore, #tpu.memory_space<semaphore_mem>>)
      %mul3A_1479 = arith.constant 32 : i32
      %mul3A_1480 = arith.muli %add3A_1342, %mul3A_1479 : i32
      %add3A_1481 = arith.addi %mul3A_1480, %add3A : i32
      %jit3A_1482 = arith.constant 78 : i32
      %div3A_1483 = arith.divsi %add3A_1481, %jit3A_1482 : i32
      %sign3A_1484 = arith.constant 0 : i32
      %sign3A_1485 = arith.cmpi sgt, %add3A_1481, %sign3A_1484 : i32
      %sign3A_1486 = arith.extui %sign3A_1485 : i1 to i32
      %sign3A_1487 = arith.constant 0 : i32
      %sign3A_1488 = arith.cmpi slt, %add3A_1481, %sign3A_1487 : i32
      %sign3A_1489 = arith.extui %sign3A_1488 : i1 to i32
      %sign3A_1490 = arith.subi %sign3A_1486, %sign3A_1489 : i32
      %sign3A_1491 = arith.constant 0 : i32
      %sign3A_1492 = arith.cmpi sgt, %jit3A_1482, %sign3A_1491 : i32
      %sign3A_1493 = arith.extui %sign3A_1492 : i1 to i32
      %sign3A_1494 = arith.constant 0 : i32
      %sign3A_1495 = arith.cmpi slt, %jit3A_1482, %sign3A_1494 : i32
      %sign3A_1496 = arith.extui %sign3A_1495 : i1 to i32
      %sign3A_1497 = arith.subi %sign3A_1493, %sign3A_1496 : i32
      %ne3A_1498 = arith.cmpi ne, %sign3A_1490, %sign3A_1497 : i32
      %rem3A_1499 = arith.remsi %add3A_1481, %jit3A_1482 : i32
      %ne3A_1500 = arith.constant 0 : i32
      %ne3A_1501 = arith.cmpi ne, %rem3A_1499, %ne3A_1500 : i32
      %and3A_1502 = arith.andi %ne3A_1498, %ne3A_1501 : i1
      %sub3A_1503 = arith.constant 1 : i32
      %sub3A_1504 = arith.subi %div3A_1483, %sub3A_1503 : i32
      %select_n3A_1505 = arith.select %and3A_1502, %sub3A_1504, %div3A_1483 : i32
      %jit3A_1506 = arith.constant 78 : i32
      %eq3A_1507 = arith.constant 0 : i32
      %eq3A_1508 = arith.cmpi eq, %jit3A_1506, %eq3A_1507 : i32
      %jit3A_1509 = arith.constant 1 : i32
      %select_n3A_1510 = arith.select %eq3A_1508, %jit3A_1509, %jit3A_1506 : i32
      %rem3A_1511 = arith.remsi %add3A_1481, %select_n3A_1510 : i32
      %ne3A_1512 = arith.constant 0 : i32
      %ne3A_1513 = arith.cmpi ne, %rem3A_1511, %ne3A_1512 : i32
      %lt3A_1514 = arith.constant 0 : i32
      %lt3A_1515 = arith.cmpi slt, %rem3A_1511, %lt3A_1514 : i32
      %lt3A_1516 = arith.constant 0 : i32
      %lt3A_1517 = arith.cmpi slt, %select_n3A_1510, %lt3A_1516 : i32
      %ne3A_1518 = arith.xori %lt3A_1515, %lt3A_1517 : i1
      %and3A_1519 = arith.andi %ne3A_1518, %ne3A_1513 : i1
      %add3A_1520 = arith.addi %rem3A_1511, %select_n3A_1510 : i32
      %select_n3A_1521 = arith.select %and3A_1519, %add3A_1520, %rem3A_1511 : i32
      %mul3A_1522 = arith.constant 16 : i32
      %mul3A_1523 = arith.muli %select_n3A_1521, %mul3A_1522 : i32
      %dma_wait3A_1524 = arith.constant 0 : i32
      %dma_wait3A_1525 = arith.constant 0 : i32
      %dma_wait3A_1526 = tpu.memref_slice %arg2[%select_n3A_1505, %dma_wait3A_1524, %mul3A_1523, %dma_wait3A_1525] : memref<4x3x1248x384xf32, #tpu.memory_space<hbm>> -> memref<1x1x16x384xf32, #tpu.memory_space<hbm>>
      %dma_wait3A_1527 = tpu.memref_squeeze %dma_wait3A_1526 : memref<1x1x16x384xf32, #tpu.memory_space<hbm>> -> memref<16x384xf32, #tpu.memory_space<hbm>>
      %dma_wait3A_1528 = arith.constant 0 : i32
      %dma_wait3A_1529 = tpu.memref_slice %arg2[%select_n3A_1505, %dma_wait3A_1524, %mul3A_1523, %dma_wait3A_1528] : memref<4x3x1248x384xf32, #tpu.memory_space<hbm>> -> memref<1x1x16x384xf32, #tpu.memory_space<hbm>>
      %dma_wait3A_1530 = tpu.memref_squeeze %dma_wait3A_1529 : memref<1x1x16x384xf32, #tpu.memory_space<hbm>> -> memref<16x384xf32, #tpu.memory_space<hbm>>
      tpu.wait_dma2 semaphore(%arg13 : memref<!tpu.dma_semaphore, #tpu.memory_space<semaphore_mem>>) src(%dma_wait3A_1530 : memref<16x384xf32, #tpu.memory_space<hbm>>) dst(%arg6 : memref<16x384xf32, #tpu.memory_space<vmem>>)
      %dma_wait3A_1531 = arith.constant 1 : i32
      %dma_wait3A_1532 = arith.constant 0 : i32
      %dma_wait3A_1533 = tpu.memref_slice %arg2[%select_n3A_1505, %dma_wait3A_1531, %mul3A_1523, %dma_wait3A_1532] : memref<4x3x1248x384xf32, #tpu.memory_space<hbm>> -> memref<1x1x16x384xf32, #tpu.memory_space<hbm>>
      %dma_wait3A_1534 = tpu.memref_squeeze %dma_wait3A_1533 : memref<1x1x16x384xf32, #tpu.memory_space<hbm>> -> memref<16x384xf32, #tpu.memory_space<hbm>>
      %dma_wait3A_1535 = arith.constant 0 : i32
      %dma_wait3A_1536 = tpu.memref_slice %arg2[%select_n3A_1505, %dma_wait3A_1531, %mul3A_1523, %dma_wait3A_1535] : memref<4x3x1248x384xf32, #tpu.memory_space<hbm>> -> memref<1x1x16x384xf32, #tpu.memory_space<hbm>>
      %dma_wait3A_1537 = tpu.memref_squeeze %dma_wait3A_1536 : memref<1x1x16x384xf32, #tpu.memory_space<hbm>> -> memref<16x384xf32, #tpu.memory_space<hbm>>
      tpu.wait_dma2 semaphore(%arg13 : memref<!tpu.dma_semaphore, #tpu.memory_space<semaphore_mem>>) src(%dma_wait3A_1537 : memref<16x384xf32, #tpu.memory_space<hbm>>) dst(%arg7 : memref<16x384xf32, #tpu.memory_space<vmem>>)
      %mul3A_1538 = arith.constant 32 : i32
      %mul3A_1539 = arith.muli %add3A_1342, %mul3A_1538 : i32
      %add3A_1540 = arith.addi %mul3A_1539, %add3A : i32
      %jit3A_1541 = arith.constant 78 : i32
      %div3A_1542 = arith.divsi %add3A_1540, %jit3A_1541 : i32
      %sign3A_1543 = arith.constant 0 : i32
      %sign3A_1544 = arith.cmpi sgt, %add3A_1540, %sign3A_1543 : i32
      %sign3A_1545 = arith.extui %sign3A_1544 : i1 to i32
      %sign3A_1546 = arith.constant 0 : i32
      %sign3A_1547 = arith.cmpi slt, %add3A_1540, %sign3A_1546 : i32
      %sign3A_1548 = arith.extui %sign3A_1547 : i1 to i32
      %sign3A_1549 = arith.subi %sign3A_1545, %sign3A_1548 : i32
      %sign3A_1550 = arith.constant 0 : i32
      %sign3A_1551 = arith.cmpi sgt, %jit3A_1541, %sign3A_1550 : i32
      %sign3A_1552 = arith.extui %sign3A_1551 : i1 to i32
      %sign3A_1553 = arith.constant 0 : i32
      %sign3A_1554 = arith.cmpi slt, %jit3A_1541, %sign3A_1553 : i32
      %sign3A_1555 = arith.extui %sign3A_1554 : i1 to i32
      %sign3A_1556 = arith.subi %sign3A_1552, %sign3A_1555 : i32
      %ne3A_1557 = arith.cmpi ne, %sign3A_1549, %sign3A_1556 : i32
      %rem3A_1558 = arith.remsi %add3A_1540, %jit3A_1541 : i32
      %ne3A_1559 = arith.constant 0 : i32
      %ne3A_1560 = arith.cmpi ne, %rem3A_1558, %ne3A_1559 : i32
      %and3A_1561 = arith.andi %ne3A_1557, %ne3A_1560 : i1
      %sub3A_1562 = arith.constant 1 : i32
      %sub3A_1563 = arith.subi %div3A_1542, %sub3A_1562 : i32
      %select_n3A_1564 = arith.select %and3A_1561, %sub3A_1563, %div3A_1542 : i32
      %jit3A_1565 = arith.constant 78 : i32
      %eq3A_1566 = arith.constant 0 : i32
      %eq3A_1567 = arith.cmpi eq, %jit3A_1565, %eq3A_1566 : i32
      %jit3A_1568 = arith.constant 1 : i32
      %select_n3A_1569 = arith.select %eq3A_1567, %jit3A_1568, %jit3A_1565 : i32
      %rem3A_1570 = arith.remsi %add3A_1540, %select_n3A_1569 : i32
      %ne3A_1571 = arith.constant 0 : i32
      %ne3A_1572 = arith.cmpi ne, %rem3A_1570, %ne3A_1571 : i32
      %lt3A_1573 = arith.constant 0 : i32
      %lt3A_1574 = arith.cmpi slt, %rem3A_1570, %lt3A_1573 : i32
      %lt3A_1575 = arith.constant 0 : i32
      %lt3A_1576 = arith.cmpi slt, %select_n3A_1569, %lt3A_1575 : i32
      %ne3A_1577 = arith.xori %lt3A_1574, %lt3A_1576 : i1
      %and3A_1578 = arith.andi %ne3A_1577, %ne3A_1572 : i1
      %add3A_1579 = arith.addi %rem3A_1570, %select_n3A_1569 : i32
      %select_n3A_1580 = arith.select %and3A_1578, %add3A_1579, %rem3A_1570 : i32
      %mul3A_1581 = arith.constant 16 : i32
      %mul3A_1582 = arith.muli %select_n3A_1580, %mul3A_1581 : i32
      %dma_start3A_1583 = arith.constant 0 : i32
      %dma_start3A_1584 = arith.constant 0 : i32
      %dma_start3A_1585 = tpu.memref_slice %arg3[%select_n3A_1564, %mul3A_1582, %dma_start3A_1583, %dma_start3A_1584] : memref<4x1248x4x384xf32, #tpu.memory_space<hbm>> -> memref<1x16x1x384xf32, #tpu.memory_space<hbm>>
      %dma_start3A_1586 = tpu.memref_squeeze %dma_start3A_1585 : memref<1x16x1x384xf32, #tpu.memory_space<hbm>> -> memref<16x384xf32, #tpu.memory_space<hbm>>
      %dma_start3A_1587 = arith.constant 0 : i32
      %dma_start3A_1588 = tpu.memref_slice %arg3[%select_n3A_1564, %mul3A_1582, %dma_start3A_1583, %dma_start3A_1587] : memref<4x1248x4x384xf32, #tpu.memory_space<hbm>> -> memref<1x16x1x384xf32, #tpu.memory_space<hbm>>
      %dma_start3A_1589 = tpu.memref_squeeze %dma_start3A_1588 : memref<1x16x1x384xf32, #tpu.memory_space<hbm>> -> memref<16x384xf32, #tpu.memory_space<hbm>>
      tpu.enqueue_dma source(%arg10 : memref<16x384xf32, #tpu.memory_space<vmem>>) target(%dma_start3A_1589 : memref<16x384xf32, #tpu.memory_space<hbm>>) target_semaphore(%arg16 : memref<!tpu.dma_semaphore, #tpu.memory_space<semaphore_mem>>)
      %dma_start3A_1590 = arith.constant 1 : i32
      %dma_start3A_1591 = arith.constant 0 : i32
      %dma_start3A_1592 = tpu.memref_slice %arg3[%select_n3A_1564, %mul3A_1582, %dma_start3A_1590, %dma_start3A_1591] : memref<4x1248x4x384xf32, #tpu.memory_space<hbm>> -> memref<1x16x1x384xf32, #tpu.memory_space<hbm>>
      %dma_start3A_1593 = tpu.memref_squeeze %dma_start3A_1592 : memref<1x16x1x384xf32, #tpu.memory_space<hbm>> -> memref<16x384xf32, #tpu.memory_space<hbm>>
      %dma_start3A_1594 = arith.constant 0 : i32
      %dma_start3A_1595 = tpu.memref_slice %arg3[%select_n3A_1564, %mul3A_1582, %dma_start3A_1590, %dma_start3A_1594] : memref<4x1248x4x384xf32, #tpu.memory_space<hbm>> -> memref<1x16x1x384xf32, #tpu.memory_space<hbm>>
      %dma_start3A_1596 = tpu.memref_squeeze %dma_start3A_1595 : memref<1x16x1x384xf32, #tpu.memory_space<hbm>> -> memref<16x384xf32, #tpu.memory_space<hbm>>
      tpu.enqueue_dma source(%arg6 : memref<16x384xf32, #tpu.memory_space<vmem>>) target(%dma_start3A_1596 : memref<16x384xf32, #tpu.memory_space<hbm>>) target_semaphore(%arg16 : memref<!tpu.dma_semaphore, #tpu.memory_space<semaphore_mem>>)
      %dma_start3A_1597 = arith.constant 2 : i32
      %dma_start3A_1598 = arith.constant 0 : i32
      %dma_start3A_1599 = tpu.memref_slice %arg3[%select_n3A_1564, %mul3A_1582, %dma_start3A_1597, %dma_start3A_1598] : memref<4x1248x4x384xf32, #tpu.memory_space<hbm>> -> memref<1x16x1x384xf32, #tpu.memory_space<hbm>>
      %dma_start3A_1600 = tpu.memref_squeeze %dma_start3A_1599 : memref<1x16x1x384xf32, #tpu.memory_space<hbm>> -> memref<16x384xf32, #tpu.memory_space<hbm>>
      %dma_start3A_1601 = arith.constant 0 : i32
      %dma_start3A_1602 = tpu.memref_slice %arg3[%select_n3A_1564, %mul3A_1582, %dma_start3A_1597, %dma_start3A_1601] : memref<4x1248x4x384xf32, #tpu.memory_space<hbm>> -> memref<1x16x1x384xf32, #tpu.memory_space<hbm>>
      %dma_start3A_1603 = tpu.memref_squeeze %dma_start3A_1602 : memref<1x16x1x384xf32, #tpu.memory_space<hbm>> -> memref<16x384xf32, #tpu.memory_space<hbm>>
      tpu.enqueue_dma source(%arg7 : memref<16x384xf32, #tpu.memory_space<vmem>>) target(%dma_start3A_1603 : memref<16x384xf32, #tpu.memory_space<hbm>>) target_semaphore(%arg16 : memref<!tpu.dma_semaphore, #tpu.memory_space<semaphore_mem>>)
      %dma_start3A_1604 = arith.constant 3 : i32
      %dma_start3A_1605 = arith.constant 0 : i32
      %dma_start3A_1606 = tpu.memref_slice %arg3[%select_n3A_1564, %mul3A_1582, %dma_start3A_1604, %dma_start3A_1605] : memref<4x1248x4x384xf32, #tpu.memory_space<hbm>> -> memref<1x16x1x384xf32, #tpu.memory_space<hbm>>
      %dma_start3A_1607 = tpu.memref_squeeze %dma_start3A_1606 : memref<1x16x1x384xf32, #tpu.memory_space<hbm>> -> memref<16x384xf32, #tpu.memory_space<hbm>>
      %dma_start3A_1608 = arith.constant 0 : i32
      %dma_start3A_1609 = tpu.memref_slice %arg3[%select_n3A_1564, %mul3A_1582, %dma_start3A_1604, %dma_start3A_1608] : memref<4x1248x4x384xf32, #tpu.memory_space<hbm>> -> memref<1x16x1x384xf32, #tpu.memory_space<hbm>>
      %dma_start3A_1610 = tpu.memref_squeeze %dma_start3A_1609 : memref<1x16x1x384xf32, #tpu.memory_space<hbm>> -> memref<16x384xf32, #tpu.memory_space<hbm>>
      tpu.enqueue_dma source(%arg11 : memref<16x384xf32, #tpu.memory_space<vmem>>) target(%dma_start3A_1610 : memref<16x384xf32, #tpu.memory_space<hbm>>) target_semaphore(%arg16 : memref<!tpu.dma_semaphore, #tpu.memory_space<semaphore_mem>>)
    }
    %scan3A_436 = arith.constant 2 : i32
    %add3A_437 = arith.constant 192 : i32
    %add3A_438 = arith.addi %add3A_437, %add3A : i32
    %jit3A_439 = arith.constant 78 : i32
    %div3A_440 = arith.divsi %add3A_438, %jit3A_439 : i32
    %sign3A_441 = arith.constant 0 : i32
    %sign3A_442 = arith.cmpi sgt, %add3A_438, %sign3A_441 : i32
    %sign3A_443 = arith.extui %sign3A_442 : i1 to i32
    %sign3A_444 = arith.constant 0 : i32
    %sign3A_445 = arith.cmpi slt, %add3A_438, %sign3A_444 : i32
    %sign3A_446 = arith.extui %sign3A_445 : i1 to i32
    %sign3A_447 = arith.subi %sign3A_443, %sign3A_446 : i32
    %sign3A_448 = arith.constant 0 : i32
    %sign3A_449 = arith.cmpi sgt, %jit3A_439, %sign3A_448 : i32
    %sign3A_450 = arith.extui %sign3A_449 : i1 to i32
    %sign3A_451 = arith.constant 0 : i32
    %sign3A_452 = arith.cmpi slt, %jit3A_439, %sign3A_451 : i32
    %sign3A_453 = arith.extui %sign3A_452 : i1 to i32
    %sign3A_454 = arith.subi %sign3A_450, %sign3A_453 : i32
    %ne3A_455 = arith.cmpi ne, %sign3A_447, %sign3A_454 : i32
    %rem3A_456 = arith.remsi %add3A_438, %jit3A_439 : i32
    %ne3A_457 = arith.constant 0 : i32
    %ne3A_458 = arith.cmpi ne, %rem3A_456, %ne3A_457 : i32
    %and3A_459 = arith.andi %ne3A_455, %ne3A_458 : i1
    %sub3A_460 = arith.constant 1 : i32
    %sub3A_461 = arith.subi %div3A_440, %sub3A_460 : i32
    %select_n3A_462 = arith.select %and3A_459, %sub3A_461, %div3A_440 : i32
    %jit3A_463 = arith.constant 78 : i32
    %eq3A_464 = arith.constant 0 : i32
    %eq3A_465 = arith.cmpi eq, %jit3A_463, %eq3A_464 : i32
    %jit3A_466 = arith.constant 1 : i32
    %select_n3A_467 = arith.select %eq3A_465, %jit3A_466, %jit3A_463 : i32
    %rem3A_468 = arith.remsi %add3A_438, %select_n3A_467 : i32
    %ne3A_469 = arith.constant 0 : i32
    %ne3A_470 = arith.cmpi ne, %rem3A_468, %ne3A_469 : i32
    %lt3A_471 = arith.constant 0 : i32
    %lt3A_472 = arith.cmpi slt, %rem3A_468, %lt3A_471 : i32
    %lt3A_473 = arith.constant 0 : i32
    %lt3A_474 = arith.cmpi slt, %select_n3A_467, %lt3A_473 : i32
    %ne3A_475 = arith.xori %lt3A_472, %lt3A_474 : i1
    %and3A_476 = arith.andi %ne3A_475, %ne3A_470 : i1
    %add3A_477 = arith.addi %rem3A_468, %select_n3A_467 : i32
    %select_n3A_478 = arith.select %and3A_476, %add3A_477, %rem3A_468 : i32
    %mul3A_479 = arith.constant 16 : i32
    %mul3A_480 = arith.muli %select_n3A_478, %mul3A_479 : i32
    %dma_wait3A_481 = arith.constant 0 : i32
    %dma_wait3A_482 = arith.constant 0 : i32
    %dma_wait3A_483 = tpu.memref_slice %arg3[%select_n3A_462, %mul3A_480, %dma_wait3A_481, %dma_wait3A_482] : memref<4x1248x4x384xf32, #tpu.memory_space<hbm>> -> memref<1x16x1x384xf32, #tpu.memory_space<hbm>>
    %dma_wait3A_484 = tpu.memref_squeeze %dma_wait3A_483 : memref<1x16x1x384xf32, #tpu.memory_space<hbm>> -> memref<16x384xf32, #tpu.memory_space<hbm>>
    %dma_wait3A_485 = arith.constant 0 : i32
    %dma_wait3A_486 = tpu.memref_slice %arg3[%select_n3A_462, %mul3A_480, %dma_wait3A_481, %dma_wait3A_485] : memref<4x1248x4x384xf32, #tpu.memory_space<hbm>> -> memref<1x16x1x384xf32, #tpu.memory_space<hbm>>
    %dma_wait3A_487 = tpu.memref_squeeze %dma_wait3A_486 : memref<1x16x1x384xf32, #tpu.memory_space<hbm>> -> memref<16x384xf32, #tpu.memory_space<hbm>>
    tpu.wait_dma2 semaphore(%arg15 : memref<!tpu.dma_semaphore, #tpu.memory_space<semaphore_mem>>) src(%arg10 : memref<16x384xf32, #tpu.memory_space<vmem>>) dst(%dma_wait3A_487 : memref<16x384xf32, #tpu.memory_space<hbm>>)
    %dma_wait3A_488 = arith.constant 1 : i32
    %dma_wait3A_489 = arith.constant 0 : i32
    %dma_wait3A_490 = tpu.memref_slice %arg3[%select_n3A_462, %mul3A_480, %dma_wait3A_488, %dma_wait3A_489] : memref<4x1248x4x384xf32, #tpu.memory_space<hbm>> -> memref<1x16x1x384xf32, #tpu.memory_space<hbm>>
    %dma_wait3A_491 = tpu.memref_squeeze %dma_wait3A_490 : memref<1x16x1x384xf32, #tpu.memory_space<hbm>> -> memref<16x384xf32, #tpu.memory_space<hbm>>
    %dma_wait3A_492 = arith.constant 0 : i32
    %dma_wait3A_493 = tpu.memref_slice %arg3[%select_n3A_462, %mul3A_480, %dma_wait3A_488, %dma_wait3A_492] : memref<4x1248x4x384xf32, #tpu.memory_space<hbm>> -> memref<1x16x1x384xf32, #tpu.memory_space<hbm>>
    %dma_wait3A_494 = tpu.memref_squeeze %dma_wait3A_493 : memref<1x16x1x384xf32, #tpu.memory_space<hbm>> -> memref<16x384xf32, #tpu.memory_space<hbm>>
    tpu.wait_dma2 semaphore(%arg15 : memref<!tpu.dma_semaphore, #tpu.memory_space<semaphore_mem>>) src(%arg4 : memref<16x384xf32, #tpu.memory_space<vmem>>) dst(%dma_wait3A_494 : memref<16x384xf32, #tpu.memory_space<hbm>>)
    %dma_wait3A_495 = arith.constant 2 : i32
    %dma_wait3A_496 = arith.constant 0 : i32
    %dma_wait3A_497 = tpu.memref_slice %arg3[%select_n3A_462, %mul3A_480, %dma_wait3A_495, %dma_wait3A_496] : memref<4x1248x4x384xf32, #tpu.memory_space<hbm>> -> memref<1x16x1x384xf32, #tpu.memory_space<hbm>>
    %dma_wait3A_498 = tpu.memref_squeeze %dma_wait3A_497 : memref<1x16x1x384xf32, #tpu.memory_space<hbm>> -> memref<16x384xf32, #tpu.memory_space<hbm>>
    %dma_wait3A_499 = arith.constant 0 : i32
    %dma_wait3A_500 = tpu.memref_slice %arg3[%select_n3A_462, %mul3A_480, %dma_wait3A_495, %dma_wait3A_499] : memref<4x1248x4x384xf32, #tpu.memory_space<hbm>> -> memref<1x16x1x384xf32, #tpu.memory_space<hbm>>
    %dma_wait3A_501 = tpu.memref_squeeze %dma_wait3A_500 : memref<1x16x1x384xf32, #tpu.memory_space<hbm>> -> memref<16x384xf32, #tpu.memory_space<hbm>>
    tpu.wait_dma2 semaphore(%arg15 : memref<!tpu.dma_semaphore, #tpu.memory_space<semaphore_mem>>) src(%arg5 : memref<16x384xf32, #tpu.memory_space<vmem>>) dst(%dma_wait3A_501 : memref<16x384xf32, #tpu.memory_space<hbm>>)
    %dma_wait3A_502 = arith.constant 3 : i32
    %dma_wait3A_503 = arith.constant 0 : i32
    %dma_wait3A_504 = tpu.memref_slice %arg3[%select_n3A_462, %mul3A_480, %dma_wait3A_502, %dma_wait3A_503] : memref<4x1248x4x384xf32, #tpu.memory_space<hbm>> -> memref<1x16x1x384xf32, #tpu.memory_space<hbm>>
    %dma_wait3A_505 = tpu.memref_squeeze %dma_wait3A_504 : memref<1x16x1x384xf32, #tpu.memory_space<hbm>> -> memref<16x384xf32, #tpu.memory_space<hbm>>
    %dma_wait3A_506 = arith.constant 0 : i32
    %dma_wait3A_507 = tpu.memref_slice %arg3[%select_n3A_462, %mul3A_480, %dma_wait3A_502, %dma_wait3A_506] : memref<4x1248x4x384xf32, #tpu.memory_space<hbm>> -> memref<1x16x1x384xf32, #tpu.memory_space<hbm>>
    %dma_wait3A_508 = tpu.memref_squeeze %dma_wait3A_507 : memref<1x16x1x384xf32, #tpu.memory_space<hbm>> -> memref<16x384xf32, #tpu.memory_space<hbm>>
    tpu.wait_dma2 semaphore(%arg15 : memref<!tpu.dma_semaphore, #tpu.memory_space<semaphore_mem>>) src(%arg11 : memref<16x384xf32, #tpu.memory_space<vmem>>) dst(%dma_wait3A_508 : memref<16x384xf32, #tpu.memory_space<hbm>>)
    %lt3A_509 = arith.constant 24 : i32
    %lt3A_510 = arith.cmpi slt, %add3A, %lt3A_509 : i32
    %convert_element_type3A = arith.extui %lt3A_510 : i1 to i32
    %cond3A = arith.constant 0 : i32
    %cond3A_511 = arith.cmpi ne, %convert_element_type3A, %cond3A : i32
    scf.if %cond3A_511 {
      %add3A_796 = arith.constant 288 : i32
      %add3A_797 = arith.addi %add3A_796, %add3A : i32
      %jit3A_798 = arith.constant 78 : i32
      %div3A_799 = arith.divsi %add3A_797, %jit3A_798 : i32
      %sign3A_800 = arith.constant 0 : i32
      %sign3A_801 = arith.cmpi sgt, %add3A_797, %sign3A_800 : i32
      %sign3A_802 = arith.extui %sign3A_801 : i1 to i32
      %sign3A_803 = arith.constant 0 : i32
      %sign3A_804 = arith.cmpi slt, %add3A_797, %sign3A_803 : i32
      %sign3A_805 = arith.extui %sign3A_804 : i1 to i32
      %sign3A_806 = arith.subi %sign3A_802, %sign3A_805 : i32
      %sign3A_807 = arith.constant 0 : i32
      %sign3A_808 = arith.cmpi sgt, %jit3A_798, %sign3A_807 : i32
      %sign3A_809 = arith.extui %sign3A_808 : i1 to i32
      %sign3A_810 = arith.constant 0 : i32
      %sign3A_811 = arith.cmpi slt, %jit3A_798, %sign3A_810 : i32
      %sign3A_812 = arith.extui %sign3A_811 : i1 to i32
      %sign3A_813 = arith.subi %sign3A_809, %sign3A_812 : i32
      %ne3A_814 = arith.cmpi ne, %sign3A_806, %sign3A_813 : i32
      %rem3A_815 = arith.remsi %add3A_797, %jit3A_798 : i32
      %ne3A_816 = arith.constant 0 : i32
      %ne3A_817 = arith.cmpi ne, %rem3A_815, %ne3A_816 : i32
      %and3A_818 = arith.andi %ne3A_814, %ne3A_817 : i1
      %sub3A_819 = arith.constant 1 : i32
      %sub3A_820 = arith.subi %div3A_799, %sub3A_819 : i32
      %select_n3A_821 = arith.select %and3A_818, %sub3A_820, %div3A_799 : i32
      %jit3A_822 = arith.constant 78 : i32
      %eq3A_823 = arith.constant 0 : i32
      %eq3A_824 = arith.cmpi eq, %jit3A_822, %eq3A_823 : i32
      %jit3A_825 = arith.constant 1 : i32
      %select_n3A_826 = arith.select %eq3A_824, %jit3A_825, %jit3A_822 : i32
      %rem3A_827 = arith.remsi %add3A_797, %select_n3A_826 : i32
      %ne3A_828 = arith.constant 0 : i32
      %ne3A_829 = arith.cmpi ne, %rem3A_827, %ne3A_828 : i32
      %lt3A_830 = arith.constant 0 : i32
      %lt3A_831 = arith.cmpi slt, %rem3A_827, %lt3A_830 : i32
      %lt3A_832 = arith.constant 0 : i32
      %lt3A_833 = arith.cmpi slt, %select_n3A_826, %lt3A_832 : i32
      %ne3A_834 = arith.xori %lt3A_831, %lt3A_833 : i1
      %and3A_835 = arith.andi %ne3A_834, %ne3A_829 : i1
      %add3A_836 = arith.addi %rem3A_827, %select_n3A_826 : i32
      %select_n3A_837 = arith.select %and3A_835, %add3A_836, %rem3A_827 : i32
      %mul3A_838 = arith.constant 16 : i32
      %mul3A_839 = arith.muli %select_n3A_837, %mul3A_838 : i32
      %dma_start3A_840 = arith.constant 0 : i32
      %dma_start3A_841 = arith.constant 0 : i32
      %dma_start3A_842 = tpu.memref_slice %arg2[%select_n3A_821, %dma_start3A_840, %mul3A_839, %dma_start3A_841] : memref<4x3x1248x384xf32, #tpu.memory_space<hbm>> -> memref<1x1x16x384xf32, #tpu.memory_space<hbm>>
      %dma_start3A_843 = tpu.memref_squeeze %dma_start3A_842 : memref<1x1x16x384xf32, #tpu.memory_space<hbm>> -> memref<16x384xf32, #tpu.memory_space<hbm>>
      %dma_start3A_844 = arith.constant 0 : i32
      %dma_start3A_845 = tpu.memref_slice %arg2[%select_n3A_821, %dma_start3A_840, %mul3A_839, %dma_start3A_844] : memref<4x3x1248x384xf32, #tpu.memory_space<hbm>> -> memref<1x1x16x384xf32, #tpu.memory_space<hbm>>
      %dma_start3A_846 = tpu.memref_squeeze %dma_start3A_845 : memref<1x1x16x384xf32, #tpu.memory_space<hbm>> -> memref<16x384xf32, #tpu.memory_space<hbm>>
      tpu.enqueue_dma source(%dma_start3A_846 : memref<16x384xf32, #tpu.memory_space<hbm>>) target(%arg4 : memref<16x384xf32, #tpu.memory_space<vmem>>) target_semaphore(%arg12 : memref<!tpu.dma_semaphore, #tpu.memory_space<semaphore_mem>>)
      %dma_start3A_847 = arith.constant 1 : i32
      %dma_start3A_848 = arith.constant 0 : i32
      %dma_start3A_849 = tpu.memref_slice %arg2[%select_n3A_821, %dma_start3A_847, %mul3A_839, %dma_start3A_848] : memref<4x3x1248x384xf32, #tpu.memory_space<hbm>> -> memref<1x1x16x384xf32, #tpu.memory_space<hbm>>
      %dma_start3A_850 = tpu.memref_squeeze %dma_start3A_849 : memref<1x1x16x384xf32, #tpu.memory_space<hbm>> -> memref<16x384xf32, #tpu.memory_space<hbm>>
      %dma_start3A_851 = arith.constant 0 : i32
      %dma_start3A_852 = tpu.memref_slice %arg2[%select_n3A_821, %dma_start3A_847, %mul3A_839, %dma_start3A_851] : memref<4x3x1248x384xf32, #tpu.memory_space<hbm>> -> memref<1x1x16x384xf32, #tpu.memory_space<hbm>>
      %dma_start3A_853 = tpu.memref_squeeze %dma_start3A_852 : memref<1x1x16x384xf32, #tpu.memory_space<hbm>> -> memref<16x384xf32, #tpu.memory_space<hbm>>
      tpu.enqueue_dma source(%dma_start3A_853 : memref<16x384xf32, #tpu.memory_space<hbm>>) target(%arg5 : memref<16x384xf32, #tpu.memory_space<vmem>>) target_semaphore(%arg12 : memref<!tpu.dma_semaphore, #tpu.memory_space<semaphore_mem>>)
    } else {
    }
    %add3A_512 = arith.constant 256 : i32
    %add3A_513 = arith.addi %add3A_512, %add3A : i32
    %jit3A_514 = arith.constant 78 : i32
    %div3A_515 = arith.divsi %add3A_513, %jit3A_514 : i32
    %sign3A_516 = arith.constant 0 : i32
    %sign3A_517 = arith.cmpi sgt, %add3A_513, %sign3A_516 : i32
    %sign3A_518 = arith.extui %sign3A_517 : i1 to i32
    %sign3A_519 = arith.constant 0 : i32
    %sign3A_520 = arith.cmpi slt, %add3A_513, %sign3A_519 : i32
    %sign3A_521 = arith.extui %sign3A_520 : i1 to i32
    %sign3A_522 = arith.subi %sign3A_518, %sign3A_521 : i32
    %sign3A_523 = arith.constant 0 : i32
    %sign3A_524 = arith.cmpi sgt, %jit3A_514, %sign3A_523 : i32
    %sign3A_525 = arith.extui %sign3A_524 : i1 to i32
    %sign3A_526 = arith.constant 0 : i32
    %sign3A_527 = arith.cmpi slt, %jit3A_514, %sign3A_526 : i32
    %sign3A_528 = arith.extui %sign3A_527 : i1 to i32
    %sign3A_529 = arith.subi %sign3A_525, %sign3A_528 : i32
    %ne3A_530 = arith.cmpi ne, %sign3A_522, %sign3A_529 : i32
    %rem3A_531 = arith.remsi %add3A_513, %jit3A_514 : i32
    %ne3A_532 = arith.constant 0 : i32
    %ne3A_533 = arith.cmpi ne, %rem3A_531, %ne3A_532 : i32
    %and3A_534 = arith.andi %ne3A_530, %ne3A_533 : i1
    %sub3A_535 = arith.constant 1 : i32
    %sub3A_536 = arith.subi %div3A_515, %sub3A_535 : i32
    %select_n3A_537 = arith.select %and3A_534, %sub3A_536, %div3A_515 : i32
    %jit3A_538 = arith.constant 78 : i32
    %eq3A_539 = arith.constant 0 : i32
    %eq3A_540 = arith.cmpi eq, %jit3A_538, %eq3A_539 : i32
    %jit3A_541 = arith.constant 1 : i32
    %select_n3A_542 = arith.select %eq3A_540, %jit3A_541, %jit3A_538 : i32
    %rem3A_543 = arith.remsi %add3A_513, %select_n3A_542 : i32
    %ne3A_544 = arith.constant 0 : i32
    %ne3A_545 = arith.cmpi ne, %rem3A_543, %ne3A_544 : i32
    %lt3A_546 = arith.constant 0 : i32
    %lt3A_547 = arith.cmpi slt, %rem3A_543, %lt3A_546 : i32
    %lt3A_548 = arith.constant 0 : i32
    %lt3A_549 = arith.cmpi slt, %select_n3A_542, %lt3A_548 : i32
    %ne3A_550 = arith.xori %lt3A_547, %lt3A_549 : i1
    %and3A_551 = arith.andi %ne3A_550, %ne3A_545 : i1
    %add3A_552 = arith.addi %rem3A_543, %select_n3A_542 : i32
    %select_n3A_553 = arith.select %and3A_551, %add3A_552, %rem3A_543 : i32
    %mul3A_554 = arith.constant 16 : i32
    %mul3A_555 = arith.muli %select_n3A_553, %mul3A_554 : i32
    %dma_wait3A_556 = arith.constant 0 : i32
    %dma_wait3A_557 = arith.constant 0 : i32
    %dma_wait3A_558 = tpu.memref_slice %arg2[%select_n3A_537, %dma_wait3A_556, %mul3A_555, %dma_wait3A_557] : memref<4x3x1248x384xf32, #tpu.memory_space<hbm>> -> memref<1x1x16x384xf32, #tpu.memory_space<hbm>>
    %dma_wait3A_559 = tpu.memref_squeeze %dma_wait3A_558 : memref<1x1x16x384xf32, #tpu.memory_space<hbm>> -> memref<16x384xf32, #tpu.memory_space<hbm>>
    %dma_wait3A_560 = arith.constant 0 : i32
    %dma_wait3A_561 = tpu.memref_slice %arg2[%select_n3A_537, %dma_wait3A_556, %mul3A_555, %dma_wait3A_560] : memref<4x3x1248x384xf32, #tpu.memory_space<hbm>> -> memref<1x1x16x384xf32, #tpu.memory_space<hbm>>
    %dma_wait3A_562 = tpu.memref_squeeze %dma_wait3A_561 : memref<1x1x16x384xf32, #tpu.memory_space<hbm>> -> memref<16x384xf32, #tpu.memory_space<hbm>>
    tpu.wait_dma2 semaphore(%arg14 : memref<!tpu.dma_semaphore, #tpu.memory_space<semaphore_mem>>) src(%dma_wait3A_562 : memref<16x384xf32, #tpu.memory_space<hbm>>) dst(%arg8 : memref<16x384xf32, #tpu.memory_space<vmem>>)
    %dma_wait3A_563 = arith.constant 1 : i32
    %dma_wait3A_564 = arith.constant 0 : i32
    %dma_wait3A_565 = tpu.memref_slice %arg2[%select_n3A_537, %dma_wait3A_563, %mul3A_555, %dma_wait3A_564] : memref<4x3x1248x384xf32, #tpu.memory_space<hbm>> -> memref<1x1x16x384xf32, #tpu.memory_space<hbm>>
    %dma_wait3A_566 = tpu.memref_squeeze %dma_wait3A_565 : memref<1x1x16x384xf32, #tpu.memory_space<hbm>> -> memref<16x384xf32, #tpu.memory_space<hbm>>
    %dma_wait3A_567 = arith.constant 0 : i32
    %dma_wait3A_568 = tpu.memref_slice %arg2[%select_n3A_537, %dma_wait3A_563, %mul3A_555, %dma_wait3A_567] : memref<4x3x1248x384xf32, #tpu.memory_space<hbm>> -> memref<1x1x16x384xf32, #tpu.memory_space<hbm>>
    %dma_wait3A_569 = tpu.memref_squeeze %dma_wait3A_568 : memref<1x1x16x384xf32, #tpu.memory_space<hbm>> -> memref<16x384xf32, #tpu.memory_space<hbm>>
    tpu.wait_dma2 semaphore(%arg14 : memref<!tpu.dma_semaphore, #tpu.memory_space<semaphore_mem>>) src(%dma_wait3A_569 : memref<16x384xf32, #tpu.memory_space<hbm>>) dst(%arg9 : memref<16x384xf32, #tpu.memory_space<vmem>>)
    %add3A_570 = arith.constant 256 : i32
    %add3A_571 = arith.addi %add3A_570, %add3A : i32
    %jit3A_572 = arith.constant 78 : i32
    %div3A_573 = arith.divsi %add3A_571, %jit3A_572 : i32
    %sign3A_574 = arith.constant 0 : i32
    %sign3A_575 = arith.cmpi sgt, %add3A_571, %sign3A_574 : i32
    %sign3A_576 = arith.extui %sign3A_575 : i1 to i32
    %sign3A_577 = arith.constant 0 : i32
    %sign3A_578 = arith.cmpi slt, %add3A_571, %sign3A_577 : i32
    %sign3A_579 = arith.extui %sign3A_578 : i1 to i32
    %sign3A_580 = arith.subi %sign3A_576, %sign3A_579 : i32
    %sign3A_581 = arith.constant 0 : i32
    %sign3A_582 = arith.cmpi sgt, %jit3A_572, %sign3A_581 : i32
    %sign3A_583 = arith.extui %sign3A_582 : i1 to i32
    %sign3A_584 = arith.constant 0 : i32
    %sign3A_585 = arith.cmpi slt, %jit3A_572, %sign3A_584 : i32
    %sign3A_586 = arith.extui %sign3A_585 : i1 to i32
    %sign3A_587 = arith.subi %sign3A_583, %sign3A_586 : i32
    %ne3A_588 = arith.cmpi ne, %sign3A_580, %sign3A_587 : i32
    %rem3A_589 = arith.remsi %add3A_571, %jit3A_572 : i32
    %ne3A_590 = arith.constant 0 : i32
    %ne3A_591 = arith.cmpi ne, %rem3A_589, %ne3A_590 : i32
    %and3A_592 = arith.andi %ne3A_588, %ne3A_591 : i1
    %sub3A_593 = arith.constant 1 : i32
    %sub3A_594 = arith.subi %div3A_573, %sub3A_593 : i32
    %select_n3A_595 = arith.select %and3A_592, %sub3A_594, %div3A_573 : i32
    %jit3A_596 = arith.constant 78 : i32
    %eq3A_597 = arith.constant 0 : i32
    %eq3A_598 = arith.cmpi eq, %jit3A_596, %eq3A_597 : i32
    %jit3A_599 = arith.constant 1 : i32
    %select_n3A_600 = arith.select %eq3A_598, %jit3A_599, %jit3A_596 : i32
    %rem3A_601 = arith.remsi %add3A_571, %select_n3A_600 : i32
    %ne3A_602 = arith.constant 0 : i32
    %ne3A_603 = arith.cmpi ne, %rem3A_601, %ne3A_602 : i32
    %lt3A_604 = arith.constant 0 : i32
    %lt3A_605 = arith.cmpi slt, %rem3A_601, %lt3A_604 : i32
    %lt3A_606 = arith.constant 0 : i32
    %lt3A_607 = arith.cmpi slt, %select_n3A_600, %lt3A_606 : i32
    %ne3A_608 = arith.xori %lt3A_605, %lt3A_607 : i1
    %and3A_609 = arith.andi %ne3A_608, %ne3A_603 : i1
    %add3A_610 = arith.addi %rem3A_601, %select_n3A_600 : i32
    %select_n3A_611 = arith.select %and3A_609, %add3A_610, %rem3A_601 : i32
    %mul3A_612 = arith.constant 16 : i32
    %mul3A_613 = arith.muli %select_n3A_611, %mul3A_612 : i32
    %dma_start3A_614 = arith.constant 0 : i32
    %dma_start3A_615 = arith.constant 0 : i32
    %dma_start3A_616 = tpu.memref_slice %arg3[%select_n3A_595, %mul3A_613, %dma_start3A_614, %dma_start3A_615] : memref<4x1248x4x384xf32, #tpu.memory_space<hbm>> -> memref<1x16x1x384xf32, #tpu.memory_space<hbm>>
    %dma_start3A_617 = tpu.memref_squeeze %dma_start3A_616 : memref<1x16x1x384xf32, #tpu.memory_space<hbm>> -> memref<16x384xf32, #tpu.memory_space<hbm>>
    %dma_start3A_618 = arith.constant 0 : i32
    %dma_start3A_619 = tpu.memref_slice %arg3[%select_n3A_595, %mul3A_613, %dma_start3A_614, %dma_start3A_618] : memref<4x1248x4x384xf32, #tpu.memory_space<hbm>> -> memref<1x16x1x384xf32, #tpu.memory_space<hbm>>
    %dma_start3A_620 = tpu.memref_squeeze %dma_start3A_619 : memref<1x16x1x384xf32, #tpu.memory_space<hbm>> -> memref<16x384xf32, #tpu.memory_space<hbm>>
    tpu.enqueue_dma source(%arg10 : memref<16x384xf32, #tpu.memory_space<vmem>>) target(%dma_start3A_620 : memref<16x384xf32, #tpu.memory_space<hbm>>) target_semaphore(%arg17 : memref<!tpu.dma_semaphore, #tpu.memory_space<semaphore_mem>>)
    %dma_start3A_621 = arith.constant 1 : i32
    %dma_start3A_622 = arith.constant 0 : i32
    %dma_start3A_623 = tpu.memref_slice %arg3[%select_n3A_595, %mul3A_613, %dma_start3A_621, %dma_start3A_622] : memref<4x1248x4x384xf32, #tpu.memory_space<hbm>> -> memref<1x16x1x384xf32, #tpu.memory_space<hbm>>
    %dma_start3A_624 = tpu.memref_squeeze %dma_start3A_623 : memref<1x16x1x384xf32, #tpu.memory_space<hbm>> -> memref<16x384xf32, #tpu.memory_space<hbm>>
    %dma_start3A_625 = arith.constant 0 : i32
    %dma_start3A_626 = tpu.memref_slice %arg3[%select_n3A_595, %mul3A_613, %dma_start3A_621, %dma_start3A_625] : memref<4x1248x4x384xf32, #tpu.memory_space<hbm>> -> memref<1x16x1x384xf32, #tpu.memory_space<hbm>>
    %dma_start3A_627 = tpu.memref_squeeze %dma_start3A_626 : memref<1x16x1x384xf32, #tpu.memory_space<hbm>> -> memref<16x384xf32, #tpu.memory_space<hbm>>
    tpu.enqueue_dma source(%arg8 : memref<16x384xf32, #tpu.memory_space<vmem>>) target(%dma_start3A_627 : memref<16x384xf32, #tpu.memory_space<hbm>>) target_semaphore(%arg17 : memref<!tpu.dma_semaphore, #tpu.memory_space<semaphore_mem>>)
    %dma_start3A_628 = arith.constant 2 : i32
    %dma_start3A_629 = arith.constant 0 : i32
    %dma_start3A_630 = tpu.memref_slice %arg3[%select_n3A_595, %mul3A_613, %dma_start3A_628, %dma_start3A_629] : memref<4x1248x4x384xf32, #tpu.memory_space<hbm>> -> memref<1x16x1x384xf32, #tpu.memory_space<hbm>>
    %dma_start3A_631 = tpu.memref_squeeze %dma_start3A_630 : memref<1x16x1x384xf32, #tpu.memory_space<hbm>> -> memref<16x384xf32, #tpu.memory_space<hbm>>
    %dma_start3A_632 = arith.constant 0 : i32
    %dma_start3A_633 = tpu.memref_slice %arg3[%select_n3A_595, %mul3A_613, %dma_start3A_628, %dma_start3A_632] : memref<4x1248x4x384xf32, #tpu.memory_space<hbm>> -> memref<1x16x1x384xf32, #tpu.memory_space<hbm>>
    %dma_start3A_634 = tpu.memref_squeeze %dma_start3A_633 : memref<1x16x1x384xf32, #tpu.memory_space<hbm>> -> memref<16x384xf32, #tpu.memory_space<hbm>>
    tpu.enqueue_dma source(%arg9 : memref<16x384xf32, #tpu.memory_space<vmem>>) target(%dma_start3A_634 : memref<16x384xf32, #tpu.memory_space<hbm>>) target_semaphore(%arg17 : memref<!tpu.dma_semaphore, #tpu.memory_space<semaphore_mem>>)
    %dma_start3A_635 = arith.constant 3 : i32
    %dma_start3A_636 = arith.constant 0 : i32
    %dma_start3A_637 = tpu.memref_slice %arg3[%select_n3A_595, %mul3A_613, %dma_start3A_635, %dma_start3A_636] : memref<4x1248x4x384xf32, #tpu.memory_space<hbm>> -> memref<1x16x1x384xf32, #tpu.memory_space<hbm>>
    %dma_start3A_638 = tpu.memref_squeeze %dma_start3A_637 : memref<1x16x1x384xf32, #tpu.memory_space<hbm>> -> memref<16x384xf32, #tpu.memory_space<hbm>>
    %dma_start3A_639 = arith.constant 0 : i32
    %dma_start3A_640 = tpu.memref_slice %arg3[%select_n3A_595, %mul3A_613, %dma_start3A_635, %dma_start3A_639] : memref<4x1248x4x384xf32, #tpu.memory_space<hbm>> -> memref<1x16x1x384xf32, #tpu.memory_space<hbm>>
    %dma_start3A_641 = tpu.memref_squeeze %dma_start3A_640 : memref<1x16x1x384xf32, #tpu.memory_space<hbm>> -> memref<16x384xf32, #tpu.memory_space<hbm>>
    tpu.enqueue_dma source(%arg11 : memref<16x384xf32, #tpu.memory_space<vmem>>) target(%dma_start3A_641 : memref<16x384xf32, #tpu.memory_space<hbm>>) target_semaphore(%arg17 : memref<!tpu.dma_semaphore, #tpu.memory_space<semaphore_mem>>)
    %add3A_642 = arith.constant 224 : i32
    %add3A_643 = arith.addi %add3A_642, %add3A : i32
    %jit3A_644 = arith.constant 78 : i32
    %div3A_645 = arith.divsi %add3A_643, %jit3A_644 : i32
    %sign3A_646 = arith.constant 0 : i32
    %sign3A_647 = arith.cmpi sgt, %add3A_643, %sign3A_646 : i32
    %sign3A_648 = arith.extui %sign3A_647 : i1 to i32
    %sign3A_649 = arith.constant 0 : i32
    %sign3A_650 = arith.cmpi slt, %add3A_643, %sign3A_649 : i32
    %sign3A_651 = arith.extui %sign3A_650 : i1 to i32
    %sign3A_652 = arith.subi %sign3A_648, %sign3A_651 : i32
    %sign3A_653 = arith.constant 0 : i32
    %sign3A_654 = arith.cmpi sgt, %jit3A_644, %sign3A_653 : i32
    %sign3A_655 = arith.extui %sign3A_654 : i1 to i32
    %sign3A_656 = arith.constant 0 : i32
    %sign3A_657 = arith.cmpi slt, %jit3A_644, %sign3A_656 : i32
    %sign3A_658 = arith.extui %sign3A_657 : i1 to i32
    %sign3A_659 = arith.subi %sign3A_655, %sign3A_658 : i32
    %ne3A_660 = arith.cmpi ne, %sign3A_652, %sign3A_659 : i32
    %rem3A_661 = arith.remsi %add3A_643, %jit3A_644 : i32
    %ne3A_662 = arith.constant 0 : i32
    %ne3A_663 = arith.cmpi ne, %rem3A_661, %ne3A_662 : i32
    %and3A_664 = arith.andi %ne3A_660, %ne3A_663 : i1
    %sub3A_665 = arith.constant 1 : i32
    %sub3A_666 = arith.subi %div3A_645, %sub3A_665 : i32
    %select_n3A_667 = arith.select %and3A_664, %sub3A_666, %div3A_645 : i32
    %jit3A_668 = arith.constant 78 : i32
    %eq3A_669 = arith.constant 0 : i32
    %eq3A_670 = arith.cmpi eq, %jit3A_668, %eq3A_669 : i32
    %jit3A_671 = arith.constant 1 : i32
    %select_n3A_672 = arith.select %eq3A_670, %jit3A_671, %jit3A_668 : i32
    %rem3A_673 = arith.remsi %add3A_643, %select_n3A_672 : i32
    %ne3A_674 = arith.constant 0 : i32
    %ne3A_675 = arith.cmpi ne, %rem3A_673, %ne3A_674 : i32
    %lt3A_676 = arith.constant 0 : i32
    %lt3A_677 = arith.cmpi slt, %rem3A_673, %lt3A_676 : i32
    %lt3A_678 = arith.constant 0 : i32
    %lt3A_679 = arith.cmpi slt, %select_n3A_672, %lt3A_678 : i32
    %ne3A_680 = arith.xori %lt3A_677, %lt3A_679 : i1
    %and3A_681 = arith.andi %ne3A_680, %ne3A_675 : i1
    %add3A_682 = arith.addi %rem3A_673, %select_n3A_672 : i32
    %select_n3A_683 = arith.select %and3A_681, %add3A_682, %rem3A_673 : i32
    %mul3A_684 = arith.constant 16 : i32
    %mul3A_685 = arith.muli %select_n3A_683, %mul3A_684 : i32
    %dma_wait3A_686 = arith.constant 0 : i32
    %dma_wait3A_687 = arith.constant 0 : i32
    %dma_wait3A_688 = tpu.memref_slice %arg3[%select_n3A_667, %mul3A_685, %dma_wait3A_686, %dma_wait3A_687] : memref<4x1248x4x384xf32, #tpu.memory_space<hbm>> -> memref<1x16x1x384xf32, #tpu.memory_space<hbm>>
    %dma_wait3A_689 = tpu.memref_squeeze %dma_wait3A_688 : memref<1x16x1x384xf32, #tpu.memory_space<hbm>> -> memref<16x384xf32, #tpu.memory_space<hbm>>
    %dma_wait3A_690 = arith.constant 0 : i32
    %dma_wait3A_691 = tpu.memref_slice %arg3[%select_n3A_667, %mul3A_685, %dma_wait3A_686, %dma_wait3A_690] : memref<4x1248x4x384xf32, #tpu.memory_space<hbm>> -> memref<1x16x1x384xf32, #tpu.memory_space<hbm>>
    %dma_wait3A_692 = tpu.memref_squeeze %dma_wait3A_691 : memref<1x16x1x384xf32, #tpu.memory_space<hbm>> -> memref<16x384xf32, #tpu.memory_space<hbm>>
    tpu.wait_dma2 semaphore(%arg16 : memref<!tpu.dma_semaphore, #tpu.memory_space<semaphore_mem>>) src(%arg10 : memref<16x384xf32, #tpu.memory_space<vmem>>) dst(%dma_wait3A_692 : memref<16x384xf32, #tpu.memory_space<hbm>>)
    %dma_wait3A_693 = arith.constant 1 : i32
    %dma_wait3A_694 = arith.constant 0 : i32
    %dma_wait3A_695 = tpu.memref_slice %arg3[%select_n3A_667, %mul3A_685, %dma_wait3A_693, %dma_wait3A_694] : memref<4x1248x4x384xf32, #tpu.memory_space<hbm>> -> memref<1x16x1x384xf32, #tpu.memory_space<hbm>>
    %dma_wait3A_696 = tpu.memref_squeeze %dma_wait3A_695 : memref<1x16x1x384xf32, #tpu.memory_space<hbm>> -> memref<16x384xf32, #tpu.memory_space<hbm>>
    %dma_wait3A_697 = arith.constant 0 : i32
    %dma_wait3A_698 = tpu.memref_slice %arg3[%select_n3A_667, %mul3A_685, %dma_wait3A_693, %dma_wait3A_697] : memref<4x1248x4x384xf32, #tpu.memory_space<hbm>> -> memref<1x16x1x384xf32, #tpu.memory_space<hbm>>
    %dma_wait3A_699 = tpu.memref_squeeze %dma_wait3A_698 : memref<1x16x1x384xf32, #tpu.memory_space<hbm>> -> memref<16x384xf32, #tpu.memory_space<hbm>>
    tpu.wait_dma2 semaphore(%arg16 : memref<!tpu.dma_semaphore, #tpu.memory_space<semaphore_mem>>) src(%arg6 : memref<16x384xf32, #tpu.memory_space<vmem>>) dst(%dma_wait3A_699 : memref<16x384xf32, #tpu.memory_space<hbm>>)
    %dma_wait3A_700 = arith.constant 2 : i32
    %dma_wait3A_701 = arith.constant 0 : i32
    %dma_wait3A_702 = tpu.memref_slice %arg3[%select_n3A_667, %mul3A_685, %dma_wait3A_700, %dma_wait3A_701] : memref<4x1248x4x384xf32, #tpu.memory_space<hbm>> -> memref<1x16x1x384xf32, #tpu.memory_space<hbm>>
    %dma_wait3A_703 = tpu.memref_squeeze %dma_wait3A_702 : memref<1x16x1x384xf32, #tpu.memory_space<hbm>> -> memref<16x384xf32, #tpu.memory_space<hbm>>
    %dma_wait3A_704 = arith.constant 0 : i32
    %dma_wait3A_705 = tpu.memref_slice %arg3[%select_n3A_667, %mul3A_685, %dma_wait3A_700, %dma_wait3A_704] : memref<4x1248x4x384xf32, #tpu.memory_space<hbm>> -> memref<1x16x1x384xf32, #tpu.memory_space<hbm>>
    %dma_wait3A_706 = tpu.memref_squeeze %dma_wait3A_705 : memref<1x16x1x384xf32, #tpu.memory_space<hbm>> -> memref<16x384xf32, #tpu.memory_space<hbm>>
    tpu.wait_dma2 semaphore(%arg16 : memref<!tpu.dma_semaphore, #tpu.memory_space<semaphore_mem>>) src(%arg7 : memref<16x384xf32, #tpu.memory_space<vmem>>) dst(%dma_wait3A_706 : memref<16x384xf32, #tpu.memory_space<hbm>>)
    %dma_wait3A_707 = arith.constant 3 : i32
    %dma_wait3A_708 = arith.constant 0 : i32
    %dma_wait3A_709 = tpu.memref_slice %arg3[%select_n3A_667, %mul3A_685, %dma_wait3A_707, %dma_wait3A_708] : memref<4x1248x4x384xf32, #tpu.memory_space<hbm>> -> memref<1x16x1x384xf32, #tpu.memory_space<hbm>>
    %dma_wait3A_710 = tpu.memref_squeeze %dma_wait3A_709 : memref<1x16x1x384xf32, #tpu.memory_space<hbm>> -> memref<16x384xf32, #tpu.memory_space<hbm>>
    %dma_wait3A_711 = arith.constant 0 : i32
    %dma_wait3A_712 = tpu.memref_slice %arg3[%select_n3A_667, %mul3A_685, %dma_wait3A_707, %dma_wait3A_711] : memref<4x1248x4x384xf32, #tpu.memory_space<hbm>> -> memref<1x16x1x384xf32, #tpu.memory_space<hbm>>
    %dma_wait3A_713 = tpu.memref_squeeze %dma_wait3A_712 : memref<1x16x1x384xf32, #tpu.memory_space<hbm>> -> memref<16x384xf32, #tpu.memory_space<hbm>>
    tpu.wait_dma2 semaphore(%arg16 : memref<!tpu.dma_semaphore, #tpu.memory_space<semaphore_mem>>) src(%arg11 : memref<16x384xf32, #tpu.memory_space<vmem>>) dst(%dma_wait3A_713 : memref<16x384xf32, #tpu.memory_space<hbm>>)
    %lt3A_714 = arith.constant 24 : i32
    %lt3A_715 = arith.cmpi slt, %add3A, %lt3A_714 : i32
    %convert_element_type3A_716 = arith.extui %lt3A_715 : i1 to i32
    %cond3A_717 = arith.constant 0 : i32
    %cond3A_718 = arith.cmpi ne, %convert_element_type3A_716, %cond3A_717 : i32
    scf.if %cond3A_718 {
      %add3A_796 = arith.constant 288 : i32
      %add3A_797 = arith.addi %add3A_796, %add3A : i32
      %jit3A_798 = arith.constant 78 : i32
      %div3A_799 = arith.divsi %add3A_797, %jit3A_798 : i32
      %sign3A_800 = arith.constant 0 : i32
      %sign3A_801 = arith.cmpi sgt, %add3A_797, %sign3A_800 : i32
      %sign3A_802 = arith.extui %sign3A_801 : i1 to i32
      %sign3A_803 = arith.constant 0 : i32
      %sign3A_804 = arith.cmpi slt, %add3A_797, %sign3A_803 : i32
      %sign3A_805 = arith.extui %sign3A_804 : i1 to i32
      %sign3A_806 = arith.subi %sign3A_802, %sign3A_805 : i32
      %sign3A_807 = arith.constant 0 : i32
      %sign3A_808 = arith.cmpi sgt, %jit3A_798, %sign3A_807 : i32
      %sign3A_809 = arith.extui %sign3A_808 : i1 to i32
      %sign3A_810 = arith.constant 0 : i32
      %sign3A_811 = arith.cmpi slt, %jit3A_798, %sign3A_810 : i32
      %sign3A_812 = arith.extui %sign3A_811 : i1 to i32
      %sign3A_813 = arith.subi %sign3A_809, %sign3A_812 : i32
      %ne3A_814 = arith.cmpi ne, %sign3A_806, %sign3A_813 : i32
      %rem3A_815 = arith.remsi %add3A_797, %jit3A_798 : i32
      %ne3A_816 = arith.constant 0 : i32
      %ne3A_817 = arith.cmpi ne, %rem3A_815, %ne3A_816 : i32
      %and3A_818 = arith.andi %ne3A_814, %ne3A_817 : i1
      %sub3A_819 = arith.constant 1 : i32
      %sub3A_820 = arith.subi %div3A_799, %sub3A_819 : i32
      %select_n3A_821 = arith.select %and3A_818, %sub3A_820, %div3A_799 : i32
      %jit3A_822 = arith.constant 78 : i32
      %eq3A_823 = arith.constant 0 : i32
      %eq3A_824 = arith.cmpi eq, %jit3A_822, %eq3A_823 : i32
      %jit3A_825 = arith.constant 1 : i32
      %select_n3A_826 = arith.select %eq3A_824, %jit3A_825, %jit3A_822 : i32
      %rem3A_827 = arith.remsi %add3A_797, %select_n3A_826 : i32
      %ne3A_828 = arith.constant 0 : i32
      %ne3A_829 = arith.cmpi ne, %rem3A_827, %ne3A_828 : i32
      %lt3A_830 = arith.constant 0 : i32
      %lt3A_831 = arith.cmpi slt, %rem3A_827, %lt3A_830 : i32
      %lt3A_832 = arith.constant 0 : i32
      %lt3A_833 = arith.cmpi slt, %select_n3A_826, %lt3A_832 : i32
      %ne3A_834 = arith.xori %lt3A_831, %lt3A_833 : i1
      %and3A_835 = arith.andi %ne3A_834, %ne3A_829 : i1
      %add3A_836 = arith.addi %rem3A_827, %select_n3A_826 : i32
      %select_n3A_837 = arith.select %and3A_835, %add3A_836, %rem3A_827 : i32
      %mul3A_838 = arith.constant 16 : i32
      %mul3A_839 = arith.muli %select_n3A_837, %mul3A_838 : i32
      %dma_wait3A_840 = arith.constant 0 : i32
      %dma_wait3A_841 = arith.constant 0 : i32
      %dma_wait3A_842 = tpu.memref_slice %arg2[%select_n3A_821, %dma_wait3A_840, %mul3A_839, %dma_wait3A_841] : memref<4x3x1248x384xf32, #tpu.memory_space<hbm>> -> memref<1x1x16x384xf32, #tpu.memory_space<hbm>>
      %dma_wait3A_843 = tpu.memref_squeeze %dma_wait3A_842 : memref<1x1x16x384xf32, #tpu.memory_space<hbm>> -> memref<16x384xf32, #tpu.memory_space<hbm>>
      %dma_wait3A_844 = arith.constant 0 : i32
      %dma_wait3A_845 = tpu.memref_slice %arg2[%select_n3A_821, %dma_wait3A_840, %mul3A_839, %dma_wait3A_844] : memref<4x3x1248x384xf32, #tpu.memory_space<hbm>> -> memref<1x1x16x384xf32, #tpu.memory_space<hbm>>
      %dma_wait3A_846 = tpu.memref_squeeze %dma_wait3A_845 : memref<1x1x16x384xf32, #tpu.memory_space<hbm>> -> memref<16x384xf32, #tpu.memory_space<hbm>>
      tpu.wait_dma2 semaphore(%arg12 : memref<!tpu.dma_semaphore, #tpu.memory_space<semaphore_mem>>) src(%dma_wait3A_846 : memref<16x384xf32, #tpu.memory_space<hbm>>) dst(%arg4 : memref<16x384xf32, #tpu.memory_space<vmem>>)
      %dma_wait3A_847 = arith.constant 1 : i32
      %dma_wait3A_848 = arith.constant 0 : i32
      %dma_wait3A_849 = tpu.memref_slice %arg2[%select_n3A_821, %dma_wait3A_847, %mul3A_839, %dma_wait3A_848] : memref<4x3x1248x384xf32, #tpu.memory_space<hbm>> -> memref<1x1x16x384xf32, #tpu.memory_space<hbm>>
      %dma_wait3A_850 = tpu.memref_squeeze %dma_wait3A_849 : memref<1x1x16x384xf32, #tpu.memory_space<hbm>> -> memref<16x384xf32, #tpu.memory_space<hbm>>
      %dma_wait3A_851 = arith.constant 0 : i32
      %dma_wait3A_852 = tpu.memref_slice %arg2[%select_n3A_821, %dma_wait3A_847, %mul3A_839, %dma_wait3A_851] : memref<4x3x1248x384xf32, #tpu.memory_space<hbm>> -> memref<1x1x16x384xf32, #tpu.memory_space<hbm>>
      %dma_wait3A_853 = tpu.memref_squeeze %dma_wait3A_852 : memref<1x1x16x384xf32, #tpu.memory_space<hbm>> -> memref<16x384xf32, #tpu.memory_space<hbm>>
      tpu.wait_dma2 semaphore(%arg12 : memref<!tpu.dma_semaphore, #tpu.memory_space<semaphore_mem>>) src(%dma_wait3A_853 : memref<16x384xf32, #tpu.memory_space<hbm>>) dst(%arg5 : memref<16x384xf32, #tpu.memory_space<vmem>>)
      %add3A_854 = arith.constant 288 : i32
      %add3A_855 = arith.addi %add3A_854, %add3A : i32
      %jit3A_856 = arith.constant 78 : i32
      %div3A_857 = arith.divsi %add3A_855, %jit3A_856 : i32
      %sign3A_858 = arith.constant 0 : i32
      %sign3A_859 = arith.cmpi sgt, %add3A_855, %sign3A_858 : i32
      %sign3A_860 = arith.extui %sign3A_859 : i1 to i32
      %sign3A_861 = arith.constant 0 : i32
      %sign3A_862 = arith.cmpi slt, %add3A_855, %sign3A_861 : i32
      %sign3A_863 = arith.extui %sign3A_862 : i1 to i32
      %sign3A_864 = arith.subi %sign3A_860, %sign3A_863 : i32
      %sign3A_865 = arith.constant 0 : i32
      %sign3A_866 = arith.cmpi sgt, %jit3A_856, %sign3A_865 : i32
      %sign3A_867 = arith.extui %sign3A_866 : i1 to i32
      %sign3A_868 = arith.constant 0 : i32
      %sign3A_869 = arith.cmpi slt, %jit3A_856, %sign3A_868 : i32
      %sign3A_870 = arith.extui %sign3A_869 : i1 to i32
      %sign3A_871 = arith.subi %sign3A_867, %sign3A_870 : i32
      %ne3A_872 = arith.cmpi ne, %sign3A_864, %sign3A_871 : i32
      %rem3A_873 = arith.remsi %add3A_855, %jit3A_856 : i32
      %ne3A_874 = arith.constant 0 : i32
      %ne3A_875 = arith.cmpi ne, %rem3A_873, %ne3A_874 : i32
      %and3A_876 = arith.andi %ne3A_872, %ne3A_875 : i1
      %sub3A_877 = arith.constant 1 : i32
      %sub3A_878 = arith.subi %div3A_857, %sub3A_877 : i32
      %select_n3A_879 = arith.select %and3A_876, %sub3A_878, %div3A_857 : i32
      %jit3A_880 = arith.constant 78 : i32
      %eq3A_881 = arith.constant 0 : i32
      %eq3A_882 = arith.cmpi eq, %jit3A_880, %eq3A_881 : i32
      %jit3A_883 = arith.constant 1 : i32
      %select_n3A_884 = arith.select %eq3A_882, %jit3A_883, %jit3A_880 : i32
      %rem3A_885 = arith.remsi %add3A_855, %select_n3A_884 : i32
      %ne3A_886 = arith.constant 0 : i32
      %ne3A_887 = arith.cmpi ne, %rem3A_885, %ne3A_886 : i32
      %lt3A_888 = arith.constant 0 : i32
      %lt3A_889 = arith.cmpi slt, %rem3A_885, %lt3A_888 : i32
      %lt3A_890 = arith.constant 0 : i32
      %lt3A_891 = arith.cmpi slt, %select_n3A_884, %lt3A_890 : i32
      %ne3A_892 = arith.xori %lt3A_889, %lt3A_891 : i1
      %and3A_893 = arith.andi %ne3A_892, %ne3A_887 : i1
      %add3A_894 = arith.addi %rem3A_885, %select_n3A_884 : i32
      %select_n3A_895 = arith.select %and3A_893, %add3A_894, %rem3A_885 : i32
      %mul3A_896 = arith.constant 16 : i32
      %mul3A_897 = arith.muli %select_n3A_895, %mul3A_896 : i32
      %dma_start3A_898 = arith.constant 0 : i32
      %dma_start3A_899 = arith.constant 0 : i32
      %dma_start3A_900 = tpu.memref_slice %arg3[%select_n3A_879, %mul3A_897, %dma_start3A_898, %dma_start3A_899] : memref<4x1248x4x384xf32, #tpu.memory_space<hbm>> -> memref<1x16x1x384xf32, #tpu.memory_space<hbm>>
      %dma_start3A_901 = tpu.memref_squeeze %dma_start3A_900 : memref<1x16x1x384xf32, #tpu.memory_space<hbm>> -> memref<16x384xf32, #tpu.memory_space<hbm>>
      %dma_start3A_902 = arith.constant 0 : i32
      %dma_start3A_903 = tpu.memref_slice %arg3[%select_n3A_879, %mul3A_897, %dma_start3A_898, %dma_start3A_902] : memref<4x1248x4x384xf32, #tpu.memory_space<hbm>> -> memref<1x16x1x384xf32, #tpu.memory_space<hbm>>
      %dma_start3A_904 = tpu.memref_squeeze %dma_start3A_903 : memref<1x16x1x384xf32, #tpu.memory_space<hbm>> -> memref<16x384xf32, #tpu.memory_space<hbm>>
      tpu.enqueue_dma source(%arg10 : memref<16x384xf32, #tpu.memory_space<vmem>>) target(%dma_start3A_904 : memref<16x384xf32, #tpu.memory_space<hbm>>) target_semaphore(%arg15 : memref<!tpu.dma_semaphore, #tpu.memory_space<semaphore_mem>>)
      %dma_start3A_905 = arith.constant 1 : i32
      %dma_start3A_906 = arith.constant 0 : i32
      %dma_start3A_907 = tpu.memref_slice %arg3[%select_n3A_879, %mul3A_897, %dma_start3A_905, %dma_start3A_906] : memref<4x1248x4x384xf32, #tpu.memory_space<hbm>> -> memref<1x16x1x384xf32, #tpu.memory_space<hbm>>
      %dma_start3A_908 = tpu.memref_squeeze %dma_start3A_907 : memref<1x16x1x384xf32, #tpu.memory_space<hbm>> -> memref<16x384xf32, #tpu.memory_space<hbm>>
      %dma_start3A_909 = arith.constant 0 : i32
      %dma_start3A_910 = tpu.memref_slice %arg3[%select_n3A_879, %mul3A_897, %dma_start3A_905, %dma_start3A_909] : memref<4x1248x4x384xf32, #tpu.memory_space<hbm>> -> memref<1x16x1x384xf32, #tpu.memory_space<hbm>>
      %dma_start3A_911 = tpu.memref_squeeze %dma_start3A_910 : memref<1x16x1x384xf32, #tpu.memory_space<hbm>> -> memref<16x384xf32, #tpu.memory_space<hbm>>
      tpu.enqueue_dma source(%arg4 : memref<16x384xf32, #tpu.memory_space<vmem>>) target(%dma_start3A_911 : memref<16x384xf32, #tpu.memory_space<hbm>>) target_semaphore(%arg15 : memref<!tpu.dma_semaphore, #tpu.memory_space<semaphore_mem>>)
      %dma_start3A_912 = arith.constant 2 : i32
      %dma_start3A_913 = arith.constant 0 : i32
      %dma_start3A_914 = tpu.memref_slice %arg3[%select_n3A_879, %mul3A_897, %dma_start3A_912, %dma_start3A_913] : memref<4x1248x4x384xf32, #tpu.memory_space<hbm>> -> memref<1x16x1x384xf32, #tpu.memory_space<hbm>>
      %dma_start3A_915 = tpu.memref_squeeze %dma_start3A_914 : memref<1x16x1x384xf32, #tpu.memory_space<hbm>> -> memref<16x384xf32, #tpu.memory_space<hbm>>
      %dma_start3A_916 = arith.constant 0 : i32
      %dma_start3A_917 = tpu.memref_slice %arg3[%select_n3A_879, %mul3A_897, %dma_start3A_912, %dma_start3A_916] : memref<4x1248x4x384xf32, #tpu.memory_space<hbm>> -> memref<1x16x1x384xf32, #tpu.memory_space<hbm>>
      %dma_start3A_918 = tpu.memref_squeeze %dma_start3A_917 : memref<1x16x1x384xf32, #tpu.memory_space<hbm>> -> memref<16x384xf32, #tpu.memory_space<hbm>>
      tpu.enqueue_dma source(%arg5 : memref<16x384xf32, #tpu.memory_space<vmem>>) target(%dma_start3A_918 : memref<16x384xf32, #tpu.memory_space<hbm>>) target_semaphore(%arg15 : memref<!tpu.dma_semaphore, #tpu.memory_space<semaphore_mem>>)
      %dma_start3A_919 = arith.constant 3 : i32
      %dma_start3A_920 = arith.constant 0 : i32
      %dma_start3A_921 = tpu.memref_slice %arg3[%select_n3A_879, %mul3A_897, %dma_start3A_919, %dma_start3A_920] : memref<4x1248x4x384xf32, #tpu.memory_space<hbm>> -> memref<1x16x1x384xf32, #tpu.memory_space<hbm>>
      %dma_start3A_922 = tpu.memref_squeeze %dma_start3A_921 : memref<1x16x1x384xf32, #tpu.memory_space<hbm>> -> memref<16x384xf32, #tpu.memory_space<hbm>>
      %dma_start3A_923 = arith.constant 0 : i32
      %dma_start3A_924 = tpu.memref_slice %arg3[%select_n3A_879, %mul3A_897, %dma_start3A_919, %dma_start3A_923] : memref<4x1248x4x384xf32, #tpu.memory_space<hbm>> -> memref<1x16x1x384xf32, #tpu.memory_space<hbm>>
      %dma_start3A_925 = tpu.memref_squeeze %dma_start3A_924 : memref<1x16x1x384xf32, #tpu.memory_space<hbm>> -> memref<16x384xf32, #tpu.memory_space<hbm>>
      tpu.enqueue_dma source(%arg11 : memref<16x384xf32, #tpu.memory_space<vmem>>) target(%dma_start3A_925 : memref<16x384xf32, #tpu.memory_space<hbm>>) target_semaphore(%arg15 : memref<!tpu.dma_semaphore, #tpu.memory_space<semaphore_mem>>)
    } else {
    }
    %add3A_719 = arith.constant 256 : i32
    %add3A_720 = arith.addi %add3A_719, %add3A : i32
    %jit3A_721 = arith.constant 78 : i32
    %div3A_722 = arith.divsi %add3A_720, %jit3A_721 : i32
    %sign3A_723 = arith.constant 0 : i32
    %sign3A_724 = arith.cmpi sgt, %add3A_720, %sign3A_723 : i32
    %sign3A_725 = arith.extui %sign3A_724 : i1 to i32
    %sign3A_726 = arith.constant 0 : i32
    %sign3A_727 = arith.cmpi slt, %add3A_720, %sign3A_726 : i32
    %sign3A_728 = arith.extui %sign3A_727 : i1 to i32
    %sign3A_729 = arith.subi %sign3A_725, %sign3A_728 : i32
    %sign3A_730 = arith.constant 0 : i32
    %sign3A_731 = arith.cmpi sgt, %jit3A_721, %sign3A_730 : i32
    %sign3A_732 = arith.extui %sign3A_731 : i1 to i32
    %sign3A_733 = arith.constant 0 : i32
    %sign3A_734 = arith.cmpi slt, %jit3A_721, %sign3A_733 : i32
    %sign3A_735 = arith.extui %sign3A_734 : i1 to i32
    %sign3A_736 = arith.subi %sign3A_732, %sign3A_735 : i32
    %ne3A_737 = arith.cmpi ne, %sign3A_729, %sign3A_736 : i32
    %rem3A_738 = arith.remsi %add3A_720, %jit3A_721 : i32
    %ne3A_739 = arith.constant 0 : i32
    %ne3A_740 = arith.cmpi ne, %rem3A_738, %ne3A_739 : i32
    %and3A_741 = arith.andi %ne3A_737, %ne3A_740 : i1
    %sub3A_742 = arith.constant 1 : i32
    %sub3A_743 = arith.subi %div3A_722, %sub3A_742 : i32
    %select_n3A_744 = arith.select %and3A_741, %sub3A_743, %div3A_722 : i32
    %jit3A_745 = arith.constant 78 : i32
    %eq3A_746 = arith.constant 0 : i32
    %eq3A_747 = arith.cmpi eq, %jit3A_745, %eq3A_746 : i32
    %jit3A_748 = arith.constant 1 : i32
    %select_n3A_749 = arith.select %eq3A_747, %jit3A_748, %jit3A_745 : i32
    %rem3A_750 = arith.remsi %add3A_720, %select_n3A_749 : i32
    %ne3A_751 = arith.constant 0 : i32
    %ne3A_752 = arith.cmpi ne, %rem3A_750, %ne3A_751 : i32
    %lt3A_753 = arith.constant 0 : i32
    %lt3A_754 = arith.cmpi slt, %rem3A_750, %lt3A_753 : i32
    %lt3A_755 = arith.constant 0 : i32
    %lt3A_756 = arith.cmpi slt, %select_n3A_749, %lt3A_755 : i32
    %ne3A_757 = arith.xori %lt3A_754, %lt3A_756 : i1
    %and3A_758 = arith.andi %ne3A_757, %ne3A_752 : i1
    %add3A_759 = arith.addi %rem3A_750, %select_n3A_749 : i32
    %select_n3A_760 = arith.select %and3A_758, %add3A_759, %rem3A_750 : i32
    %mul3A_761 = arith.constant 16 : i32
    %mul3A_762 = arith.muli %select_n3A_760, %mul3A_761 : i32
    %dma_wait3A_763 = arith.constant 0 : i32
    %dma_wait3A_764 = arith.constant 0 : i32
    %dma_wait3A_765 = tpu.memref_slice %arg3[%select_n3A_744, %mul3A_762, %dma_wait3A_763, %dma_wait3A_764] : memref<4x1248x4x384xf32, #tpu.memory_space<hbm>> -> memref<1x16x1x384xf32, #tpu.memory_space<hbm>>
    %dma_wait3A_766 = tpu.memref_squeeze %dma_wait3A_765 : memref<1x16x1x384xf32, #tpu.memory_space<hbm>> -> memref<16x384xf32, #tpu.memory_space<hbm>>
    %dma_wait3A_767 = arith.constant 0 : i32
    %dma_wait3A_768 = tpu.memref_slice %arg3[%select_n3A_744, %mul3A_762, %dma_wait3A_763, %dma_wait3A_767] : memref<4x1248x4x384xf32, #tpu.memory_space<hbm>> -> memref<1x16x1x384xf32, #tpu.memory_space<hbm>>
    %dma_wait3A_769 = tpu.memref_squeeze %dma_wait3A_768 : memref<1x16x1x384xf32, #tpu.memory_space<hbm>> -> memref<16x384xf32, #tpu.memory_space<hbm>>
    tpu.wait_dma2 semaphore(%arg17 : memref<!tpu.dma_semaphore, #tpu.memory_space<semaphore_mem>>) src(%arg10 : memref<16x384xf32, #tpu.memory_space<vmem>>) dst(%dma_wait3A_769 : memref<16x384xf32, #tpu.memory_space<hbm>>)
    %dma_wait3A_770 = arith.constant 1 : i32
    %dma_wait3A_771 = arith.constant 0 : i32
    %dma_wait3A_772 = tpu.memref_slice %arg3[%select_n3A_744, %mul3A_762, %dma_wait3A_770, %dma_wait3A_771] : memref<4x1248x4x384xf32, #tpu.memory_space<hbm>> -> memref<1x16x1x384xf32, #tpu.memory_space<hbm>>
    %dma_wait3A_773 = tpu.memref_squeeze %dma_wait3A_772 : memref<1x16x1x384xf32, #tpu.memory_space<hbm>> -> memref<16x384xf32, #tpu.memory_space<hbm>>
    %dma_wait3A_774 = arith.constant 0 : i32
    %dma_wait3A_775 = tpu.memref_slice %arg3[%select_n3A_744, %mul3A_762, %dma_wait3A_770, %dma_wait3A_774] : memref<4x1248x4x384xf32, #tpu.memory_space<hbm>> -> memref<1x16x1x384xf32, #tpu.memory_space<hbm>>
    %dma_wait3A_776 = tpu.memref_squeeze %dma_wait3A_775 : memref<1x16x1x384xf32, #tpu.memory_space<hbm>> -> memref<16x384xf32, #tpu.memory_space<hbm>>
    tpu.wait_dma2 semaphore(%arg17 : memref<!tpu.dma_semaphore, #tpu.memory_space<semaphore_mem>>) src(%arg8 : memref<16x384xf32, #tpu.memory_space<vmem>>) dst(%dma_wait3A_776 : memref<16x384xf32, #tpu.memory_space<hbm>>)
    %dma_wait3A_777 = arith.constant 2 : i32
    %dma_wait3A_778 = arith.constant 0 : i32
    %dma_wait3A_779 = tpu.memref_slice %arg3[%select_n3A_744, %mul3A_762, %dma_wait3A_777, %dma_wait3A_778] : memref<4x1248x4x384xf32, #tpu.memory_space<hbm>> -> memref<1x16x1x384xf32, #tpu.memory_space<hbm>>
    %dma_wait3A_780 = tpu.memref_squeeze %dma_wait3A_779 : memref<1x16x1x384xf32, #tpu.memory_space<hbm>> -> memref<16x384xf32, #tpu.memory_space<hbm>>
    %dma_wait3A_781 = arith.constant 0 : i32
    %dma_wait3A_782 = tpu.memref_slice %arg3[%select_n3A_744, %mul3A_762, %dma_wait3A_777, %dma_wait3A_781] : memref<4x1248x4x384xf32, #tpu.memory_space<hbm>> -> memref<1x16x1x384xf32, #tpu.memory_space<hbm>>
    %dma_wait3A_783 = tpu.memref_squeeze %dma_wait3A_782 : memref<1x16x1x384xf32, #tpu.memory_space<hbm>> -> memref<16x384xf32, #tpu.memory_space<hbm>>
    tpu.wait_dma2 semaphore(%arg17 : memref<!tpu.dma_semaphore, #tpu.memory_space<semaphore_mem>>) src(%arg9 : memref<16x384xf32, #tpu.memory_space<vmem>>) dst(%dma_wait3A_783 : memref<16x384xf32, #tpu.memory_space<hbm>>)
    %dma_wait3A_784 = arith.constant 3 : i32
    %dma_wait3A_785 = arith.constant 0 : i32
    %dma_wait3A_786 = tpu.memref_slice %arg3[%select_n3A_744, %mul3A_762, %dma_wait3A_784, %dma_wait3A_785] : memref<4x1248x4x384xf32, #tpu.memory_space<hbm>> -> memref<1x16x1x384xf32, #tpu.memory_space<hbm>>
    %dma_wait3A_787 = tpu.memref_squeeze %dma_wait3A_786 : memref<1x16x1x384xf32, #tpu.memory_space<hbm>> -> memref<16x384xf32, #tpu.memory_space<hbm>>
    %dma_wait3A_788 = arith.constant 0 : i32
    %dma_wait3A_789 = tpu.memref_slice %arg3[%select_n3A_744, %mul3A_762, %dma_wait3A_784, %dma_wait3A_788] : memref<4x1248x4x384xf32, #tpu.memory_space<hbm>> -> memref<1x16x1x384xf32, #tpu.memory_space<hbm>>
    %dma_wait3A_790 = tpu.memref_squeeze %dma_wait3A_789 : memref<1x16x1x384xf32, #tpu.memory_space<hbm>> -> memref<16x384xf32, #tpu.memory_space<hbm>>
    tpu.wait_dma2 semaphore(%arg17 : memref<!tpu.dma_semaphore, #tpu.memory_space<semaphore_mem>>) src(%arg11 : memref<16x384xf32, #tpu.memory_space<vmem>>) dst(%dma_wait3A_790 : memref<16x384xf32, #tpu.memory_space<hbm>>)
    %lt3A_791 = arith.constant 24 : i32
    %lt3A_792 = arith.cmpi slt, %add3A, %lt3A_791 : i32
    %convert_element_type3A_793 = arith.extui %lt3A_792 : i1 to i32
    %cond3A_794 = arith.constant 0 : i32
    %cond3A_795 = arith.cmpi ne, %convert_element_type3A_793, %cond3A_794 : i32
    scf.if %cond3A_795 {
      %add3A_796 = arith.constant 288 : i32
      %add3A_797 = arith.addi %add3A_796, %add3A : i32
      %jit3A_798 = arith.constant 78 : i32
      %div3A_799 = arith.divsi %add3A_797, %jit3A_798 : i32
      %sign3A_800 = arith.constant 0 : i32
      %sign3A_801 = arith.cmpi sgt, %add3A_797, %sign3A_800 : i32
      %sign3A_802 = arith.extui %sign3A_801 : i1 to i32
      %sign3A_803 = arith.constant 0 : i32
      %sign3A_804 = arith.cmpi slt, %add3A_797, %sign3A_803 : i32
      %sign3A_805 = arith.extui %sign3A_804 : i1 to i32
      %sign3A_806 = arith.subi %sign3A_802, %sign3A_805 : i32
      %sign3A_807 = arith.constant 0 : i32
      %sign3A_808 = arith.cmpi sgt, %jit3A_798, %sign3A_807 : i32
      %sign3A_809 = arith.extui %sign3A_808 : i1 to i32
      %sign3A_810 = arith.constant 0 : i32
      %sign3A_811 = arith.cmpi slt, %jit3A_798, %sign3A_810 : i32
      %sign3A_812 = arith.extui %sign3A_811 : i1 to i32
      %sign3A_813 = arith.subi %sign3A_809, %sign3A_812 : i32
      %ne3A_814 = arith.cmpi ne, %sign3A_806, %sign3A_813 : i32
      %rem3A_815 = arith.remsi %add3A_797, %jit3A_798 : i32
      %ne3A_816 = arith.constant 0 : i32
      %ne3A_817 = arith.cmpi ne, %rem3A_815, %ne3A_816 : i32
      %and3A_818 = arith.andi %ne3A_814, %ne3A_817 : i1
      %sub3A_819 = arith.constant 1 : i32
      %sub3A_820 = arith.subi %div3A_799, %sub3A_819 : i32
      %select_n3A_821 = arith.select %and3A_818, %sub3A_820, %div3A_799 : i32
      %jit3A_822 = arith.constant 78 : i32
      %eq3A_823 = arith.constant 0 : i32
      %eq3A_824 = arith.cmpi eq, %jit3A_822, %eq3A_823 : i32
      %jit3A_825 = arith.constant 1 : i32
      %select_n3A_826 = arith.select %eq3A_824, %jit3A_825, %jit3A_822 : i32
      %rem3A_827 = arith.remsi %add3A_797, %select_n3A_826 : i32
      %ne3A_828 = arith.constant 0 : i32
      %ne3A_829 = arith.cmpi ne, %rem3A_827, %ne3A_828 : i32
      %lt3A_830 = arith.constant 0 : i32
      %lt3A_831 = arith.cmpi slt, %rem3A_827, %lt3A_830 : i32
      %lt3A_832 = arith.constant 0 : i32
      %lt3A_833 = arith.cmpi slt, %select_n3A_826, %lt3A_832 : i32
      %ne3A_834 = arith.xori %lt3A_831, %lt3A_833 : i1
      %and3A_835 = arith.andi %ne3A_834, %ne3A_829 : i1
      %add3A_836 = arith.addi %rem3A_827, %select_n3A_826 : i32
      %select_n3A_837 = arith.select %and3A_835, %add3A_836, %rem3A_827 : i32
      %mul3A_838 = arith.constant 16 : i32
      %mul3A_839 = arith.muli %select_n3A_837, %mul3A_838 : i32
      %dma_wait3A_840 = arith.constant 0 : i32
      %dma_wait3A_841 = arith.constant 0 : i32
      %dma_wait3A_842 = tpu.memref_slice %arg3[%select_n3A_821, %mul3A_839, %dma_wait3A_840, %dma_wait3A_841] : memref<4x1248x4x384xf32, #tpu.memory_space<hbm>> -> memref<1x16x1x384xf32, #tpu.memory_space<hbm>>
      %dma_wait3A_843 = tpu.memref_squeeze %dma_wait3A_842 : memref<1x16x1x384xf32, #tpu.memory_space<hbm>> -> memref<16x384xf32, #tpu.memory_space<hbm>>
      %dma_wait3A_844 = arith.constant 0 : i32
      %dma_wait3A_845 = tpu.memref_slice %arg3[%select_n3A_821, %mul3A_839, %dma_wait3A_840, %dma_wait3A_844] : memref<4x1248x4x384xf32, #tpu.memory_space<hbm>> -> memref<1x16x1x384xf32, #tpu.memory_space<hbm>>
      %dma_wait3A_846 = tpu.memref_squeeze %dma_wait3A_845 : memref<1x16x1x384xf32, #tpu.memory_space<hbm>> -> memref<16x384xf32, #tpu.memory_space<hbm>>
      tpu.wait_dma2 semaphore(%arg15 : memref<!tpu.dma_semaphore, #tpu.memory_space<semaphore_mem>>) src(%arg10 : memref<16x384xf32, #tpu.memory_space<vmem>>) dst(%dma_wait3A_846 : memref<16x384xf32, #tpu.memory_space<hbm>>)
      %dma_wait3A_847 = arith.constant 1 : i32
      %dma_wait3A_848 = arith.constant 0 : i32
      %dma_wait3A_849 = tpu.memref_slice %arg3[%select_n3A_821, %mul3A_839, %dma_wait3A_847, %dma_wait3A_848] : memref<4x1248x4x384xf32, #tpu.memory_space<hbm>> -> memref<1x16x1x384xf32, #tpu.memory_space<hbm>>
      %dma_wait3A_850 = tpu.memref_squeeze %dma_wait3A_849 : memref<1x16x1x384xf32, #tpu.memory_space<hbm>> -> memref<16x384xf32, #tpu.memory_space<hbm>>
      %dma_wait3A_851 = arith.constant 0 : i32
      %dma_wait3A_852 = tpu.memref_slice %arg3[%select_n3A_821, %mul3A_839, %dma_wait3A_847, %dma_wait3A_851] : memref<4x1248x4x384xf32, #tpu.memory_space<hbm>> -> memref<1x16x1x384xf32, #tpu.memory_space<hbm>>
      %dma_wait3A_853 = tpu.memref_squeeze %dma_wait3A_852 : memref<1x16x1x384xf32, #tpu.memory_space<hbm>> -> memref<16x384xf32, #tpu.memory_space<hbm>>
      tpu.wait_dma2 semaphore(%arg15 : memref<!tpu.dma_semaphore, #tpu.memory_space<semaphore_mem>>) src(%arg4 : memref<16x384xf32, #tpu.memory_space<vmem>>) dst(%dma_wait3A_853 : memref<16x384xf32, #tpu.memory_space<hbm>>)
      %dma_wait3A_854 = arith.constant 2 : i32
      %dma_wait3A_855 = arith.constant 0 : i32
      %dma_wait3A_856 = tpu.memref_slice %arg3[%select_n3A_821, %mul3A_839, %dma_wait3A_854, %dma_wait3A_855] : memref<4x1248x4x384xf32, #tpu.memory_space<hbm>> -> memref<1x16x1x384xf32, #tpu.memory_space<hbm>>
      %dma_wait3A_857 = tpu.memref_squeeze %dma_wait3A_856 : memref<1x16x1x384xf32, #tpu.memory_space<hbm>> -> memref<16x384xf32, #tpu.memory_space<hbm>>
      %dma_wait3A_858 = arith.constant 0 : i32
      %dma_wait3A_859 = tpu.memref_slice %arg3[%select_n3A_821, %mul3A_839, %dma_wait3A_854, %dma_wait3A_858] : memref<4x1248x4x384xf32, #tpu.memory_space<hbm>> -> memref<1x16x1x384xf32, #tpu.memory_space<hbm>>
      %dma_wait3A_860 = tpu.memref_squeeze %dma_wait3A_859 : memref<1x16x1x384xf32, #tpu.memory_space<hbm>> -> memref<16x384xf32, #tpu.memory_space<hbm>>
      tpu.wait_dma2 semaphore(%arg15 : memref<!tpu.dma_semaphore, #tpu.memory_space<semaphore_mem>>) src(%arg5 : memref<16x384xf32, #tpu.memory_space<vmem>>) dst(%dma_wait3A_860 : memref<16x384xf32, #tpu.memory_space<hbm>>)
      %dma_wait3A_861 = arith.constant 3 : i32
      %dma_wait3A_862 = arith.constant 0 : i32
      %dma_wait3A_863 = tpu.memref_slice %arg3[%select_n3A_821, %mul3A_839, %dma_wait3A_861, %dma_wait3A_862] : memref<4x1248x4x384xf32, #tpu.memory_space<hbm>> -> memref<1x16x1x384xf32, #tpu.memory_space<hbm>>
      %dma_wait3A_864 = tpu.memref_squeeze %dma_wait3A_863 : memref<1x16x1x384xf32, #tpu.memory_space<hbm>> -> memref<16x384xf32, #tpu.memory_space<hbm>>
      %dma_wait3A_865 = arith.constant 0 : i32
      %dma_wait3A_866 = tpu.memref_slice %arg3[%select_n3A_821, %mul3A_839, %dma_wait3A_861, %dma_wait3A_865] : memref<4x1248x4x384xf32, #tpu.memory_space<hbm>> -> memref<1x16x1x384xf32, #tpu.memory_space<hbm>>
      %dma_wait3A_867 = tpu.memref_squeeze %dma_wait3A_866 : memref<1x16x1x384xf32, #tpu.memory_space<hbm>> -> memref<16x384xf32, #tpu.memory_space<hbm>>
      tpu.wait_dma2 semaphore(%arg15 : memref<!tpu.dma_semaphore, #tpu.memory_space<semaphore_mem>>) src(%arg11 : memref<16x384xf32, #tpu.memory_space<vmem>>) dst(%dma_wait3A_867 : memref<16x384xf32, #tpu.memory_space<hbm>>)
    } else {
    }
    return
  }
}

module attributes {stable_mosaic.version = 14 : i64} {
  func.func @body(%arg0: i32, %arg1: i32, %arg2: memref<1x3x624x384xf32, #tpu.memory_space<vmem>>, %arg3: memref<1x624x4x384xf32, #tpu.memory_space<vmem>>) attributes {dimension_semantics = [#tpu.dimension_semantics<arbitrary>, #tpu.dimension_semantics<arbitrary>], iteration_bounds = array<i64: 4, 2>, scalar_prefetch = 0 : i64, scratch_operands = 0 : i64, tpu.core_type = #tpu.core_type<tc>, window_params = [{transform_indices = @transform_0, window_bounds = array<i64: 1, 3, 624, 384>}, {transform_indices = @transform_1, window_bounds = array<i64: 1, 624, 4, 384>}]} {
    %get3A = arith.constant 0 : index
    %get3A_0 = arith.constant 0 : index
    %get3A_1 = arith.constant 0 : index
    %get3A_2 = arith.constant 0 : index
    %get3A_3 = vector.load %arg2[%get3A, %get3A_0, %get3A_1, %get3A_2] : memref<1x3x624x384xf32, #tpu.memory_space<vmem>>, vector<1x1x624x384xf32>
    %get3A_4 = vector.shape_cast %get3A_3 : vector<1x1x624x384xf32> to vector<624x384xf32>
    %get3A_5 = arith.constant 0 : index
    %get3A_6 = arith.constant 1 : index
    %get3A_7 = arith.constant 0 : index
    %get3A_8 = arith.constant 0 : index
    %get3A_9 = vector.load %arg2[%get3A_5, %get3A_6, %get3A_7, %get3A_8] : memref<1x3x624x384xf32, #tpu.memory_space<vmem>>, vector<1x1x624x384xf32>
    %get3A_10 = vector.shape_cast %get3A_9 : vector<1x1x624x384xf32> to vector<624x384xf32>
    %get3A_11 = arith.constant 0 : index
    %get3A_12 = arith.constant 2 : index
    %get3A_13 = arith.constant 0 : index
    %get3A_14 = arith.constant 0 : index
    %get3A_15 = vector.load %arg2[%get3A_11, %get3A_12, %get3A_13, %get3A_14] : memref<1x3x624x384xf32, #tpu.memory_space<vmem>>, vector<1x1x624x384xf32>
    %get3A_16 = vector.shape_cast %get3A_15 : vector<1x1x624x384xf32> to vector<624x384xf32>
    %broadcast_in_dim3A = arith.constant 0.000000e+00 : f32
    %broadcast_in_dim3A_17 = vector.broadcast %broadcast_in_dim3A : f32 to vector<624x384xf32>
    %swap3A = arith.constant 0 : index
    %swap3A_18 = arith.constant 0 : index
    %swap3A_19 = arith.constant 0 : index
    %swap3A_20 = arith.constant 0 : index
    %swap3A_21 = vector.load %arg3[%swap3A, %swap3A_18, %swap3A_19, %swap3A_20] : memref<1x624x4x384xf32, #tpu.memory_space<vmem>>, vector<1x624x1x384xf32>
    %swap3A_22 = vector.shape_cast %swap3A_21 : vector<1x624x1x384xf32> to vector<624x384xf32>
    %swap3A_23 = vector.shape_cast %broadcast_in_dim3A_17 : vector<624x384xf32> to vector<1x624x1x384xf32>
    tpu.vector_store %arg3[%swap3A, %swap3A_18, %swap3A_19, %swap3A_20], %swap3A_23 {strides = array<i32>} : memref<1x624x4x384xf32, #tpu.memory_space<vmem>>, vector<1x624x1x384xf32>,
    %add3A = arith.addf %get3A_4, %get3A_16 : vector<624x384xf32>
    %swap3A_24 = arith.constant 0 : index
    %swap3A_25 = arith.constant 0 : index
    %swap3A_26 = arith.constant 1 : index
    %swap3A_27 = arith.constant 0 : index
    %swap3A_28 = vector.load %arg3[%swap3A_24, %swap3A_25, %swap3A_26, %swap3A_27] : memref<1x624x4x384xf32, #tpu.memory_space<vmem>>, vector<1x624x1x384xf32>
    %swap3A_29 = vector.shape_cast %swap3A_28 : vector<1x624x1x384xf32> to vector<624x384xf32>
    %swap3A_30 = vector.shape_cast %add3A : vector<624x384xf32> to vector<1x624x1x384xf32>
    tpu.vector_store %arg3[%swap3A_24, %swap3A_25, %swap3A_26, %swap3A_27], %swap3A_30 {strides = array<i32>} : memref<1x624x4x384xf32, #tpu.memory_space<vmem>>, vector<1x624x1x384xf32>,
    %add3A_31 = arith.addf %get3A_10, %get3A_16 : vector<624x384xf32>
    %swap3A_32 = arith.constant 0 : index
    %swap3A_33 = arith.constant 0 : index
    %swap3A_34 = arith.constant 2 : index
    %swap3A_35 = arith.constant 0 : index
    %swap3A_36 = vector.load %arg3[%swap3A_32, %swap3A_33, %swap3A_34, %swap3A_35] : memref<1x624x4x384xf32, #tpu.memory_space<vmem>>, vector<1x624x1x384xf32>
    %swap3A_37 = vector.shape_cast %swap3A_36 : vector<1x624x1x384xf32> to vector<624x384xf32>
    %swap3A_38 = vector.shape_cast %add3A_31 : vector<624x384xf32> to vector<1x624x1x384xf32>
    tpu.vector_store %arg3[%swap3A_32, %swap3A_33, %swap3A_34, %swap3A_35], %swap3A_38 {strides = array<i32>} : memref<1x624x4x384xf32, #tpu.memory_space<vmem>>, vector<1x624x1x384xf32>,
    %broadcast_in_dim3A_39 = arith.constant 1.000000e+00 : f32
    %broadcast_in_dim3A_40 = vector.broadcast %broadcast_in_dim3A_39 : f32 to vector<624x384xf32>
    %swap3A_41 = arith.constant 0 : index
    %swap3A_42 = arith.constant 0 : index
    %swap3A_43 = arith.constant 3 : index
    %swap3A_44 = arith.constant 0 : index
    %swap3A_45 = vector.load %arg3[%swap3A_41, %swap3A_42, %swap3A_43, %swap3A_44] : memref<1x624x4x384xf32, #tpu.memory_space<vmem>>, vector<1x624x1x384xf32>
    %swap3A_46 = vector.shape_cast %swap3A_45 : vector<1x624x1x384xf32> to vector<624x384xf32>
    %swap3A_47 = vector.shape_cast %broadcast_in_dim3A_40 : vector<624x384xf32> to vector<1x624x1x384xf32>
    tpu.vector_store %arg3[%swap3A_41, %swap3A_42, %swap3A_43, %swap3A_44], %swap3A_47 {strides = array<i32>} : memref<1x624x4x384xf32, #tpu.memory_space<vmem>>, vector<1x624x1x384xf32>,
    return
  }
  func.func @transform_0(%arg0: i32, %arg1: i32) -> (i32, i32, i32, i32) {
    %c0_i32 = arith.constant 0 : i32
    %c0_i32_0 = arith.constant 0 : i32
    %c0_i32_1 = arith.constant 0 : i32
    return %arg0, %c0_i32, %arg1, %c0_i32_0 : i32, i32, i32, i32
  }
  func.func @transform_1(%arg0: i32, %arg1: i32) -> (i32, i32, i32, i32) {
    %c0_i32 = arith.constant 0 : i32
    %c0_i32_0 = arith.constant 0 : i32
    %c0_i32_1 = arith.constant 0 : i32
    return %arg0, %arg1, %c0_i32, %c0_i32_0 : i32, i32, i32, i32
  }
}

</mosaic_0001>

<sc_bundles>
// kernel: kernel.4.cloned.1.call-start
scs
__scs_entry_jumppad:
0x0: {  	(pc) =	sbr.rel $0x88, $3  }
0x1: {  	(tag) =	ssettag $0x0;
	lr =	simm.s32 $0x1  }
0x2: {  	[smem:$0x3FA0] =	sst lr;
	_ =	strace $0xD0000000  }
0x3: {  	_ = 	snop  }
0x4: {  	_ = 	snop  }
0x5: {  	_ = 	snop  }
0x6: {  	_ = 	snop  }
0x7: {  	_ = 	snop  }
__scs_overlays_trampoline_lowered:
0x8: {  	[smem:$0x3FAF] =	sst s0  }
0x9: {  	[smem:$0x3FB0] =	sst s1  }
0xa: {  	[smem:$0x3FB1] =	sst s2  }
0xb: {  	[smem:$0x3FB2] =	sst s3  }
0xc: {  	[smem:$0x3FB3] =	sst s4  }
0xd: {  	[smem:$0x3FB4] =	sst s5  }
0xe: {  	[smem:$0x3FB5] =	sst s6  }
0xf: {  	[smem:$0x3FB6] =	sst s7  }
0x10: {  	[smem:$0x3FB7] =	sst s8  }
0x11: {  	[smem:$0x3FB8] =	sst s9;
	s0 =	simm.s32 @!p0 $0x0  }
0x12: {  	s1 =	sld [smem:$0x3F9E];
	s0 =	simm.s32 @p0 $0x1  }
0x13: {  	[smem:$0x3FB9] =	sst s0;
	s0 =	simm.s32 @!p1 $0x0  }
0x14: {  	s2 =	sld [smem:$0x3F9D];
	s0 =	simm.s32 @p1 $0x1  }
0x15: {  	[smem:$0x3FBA] =	sst s0;
	s0 =	simm.s32 @!p2 $0x0  }
0x16: {  	s3 =	sld [smem:$0x3FDB];
	s0 =	simm.s32 @p2 $0x1  }
0x17: {  	s4 =	simm.s32 $0x1BF5;
	[smem:$0x3FBC] =	sst s0  }
0x18: {  	s0 =	sld [smem:$0x3F9F];
	_ =	swait.ge [sflag:s4], $0x0  }
0x19: {  	s7 =	sld [smem:$0x3FA0]  }
0x1a: {  	s8 =	sadd.s32 $0xFFFFE003, lr  }
0x1b: {  	s9 =	sadd.s32 $0xFFFFFEF7, lr;
	s5 =	simm.s32 $0xFFFFFFFF;
	p2 =	slt.u32 s8, $0xFFFFF086  }
0x1c: {  	p1 =	slt.u32 s9, $0xF7A;
	s5 =	simm.s32 @!p2 $0x0  }
0x1d: {  	s5 =	simm.s32 @p1 $0x1;
	p0 =	seq.s32 s7, s2  }
0x1e: {  	s7 =	smul.u32 @!p0 $0xF7A, s2;
	p2 =	seq.s32 @!p0 s5, $0x0  }
0x1f: {  	s9 =	smul.u32 $0xF7A, s1;
	s8 =	simm.s32 @!p0 $0x1BF5;
	p2 =	por !p2, p0  }
0x20: {  	[sflag:s8] =	ssyncset.s32 @!p0 $0xFFFFF086;
	s6 =	sadd.s32 @!p0 s3, s7;
	s7 =	simm.s32 @!p0 $0x108  }
0x21: {  	s3 =	sadd.s32 s3, s9;
	s6 =	sadd.s32 @!p0 $0x88, s6;
	s7 =	simm.s32 @p2 $0x1082  }
0x22: {  	[simem:s7], [sflag:s8] =	dma.local @!p0 [hbm:s6], $0xF7A  }
0x23: {  	s9 =	sor.u32 $0xD0000000, s2;
	s6 =	simm.s32 $0x108;
	_ =	swait.ge @!p0 [sflag:s8], $0x0  }
0x24: {  	s3 =	sadd.s32 $0x88, s3;
	s6 =	simm.s32 @!p1 $0x1082;
	[sflag:s4] =	ssyncset.s32 $0xFFFFF086  }
0x25: {  	[simem:s6], [sflag:s4] =	dma.local [hbm:s3], $0xF7A  }
0x26: {  	[smem:$0x3FA0] =	sst s1;
	(tag) =	ssettag s2;
	_ =	strace s9  }
0x27: {  	s1 =	sld [smem:$0x3FB0]  }
0x28: {  	s2 =	sld [smem:$0x3FB1]  }
0x29: {  	s4 =	sld [smem:$0x3FB3]  }
0x2a: {  	p0 =	seq.s32 s5, $0x0;
	s5 =	sld [smem:$0x3FB4]  }
0x2b: {  	s6 =	sld [smem:$0x3FB5]  }
0x2c: {  	s7 =	sld [smem:$0x3FB6]  }
0x2d: {  	s3 =	simm.s32 $0x108;
	s8 =	sld [smem:$0x3FB7]  }
0x2e: {  	s3 =	simm.s32 @!p0 $0x1082;
	s9 =	sld [smem:$0x3FB8]  }
0x2f: {  	lr =	sadd.s32 s0, s3;
	s0 =	sld [smem:$0x3FAF]  }
0x30: {  	s3 =	sld [smem:$0x3FB2]  }
0x31: {  	[smem:$0x3FBB] =	sst s10  }
0x32: {  	s10 =	sld [smem:$0x3FB9];
	_ =	sdelay $0x3  }
0x33: {  	p0 =	seq.s32 s10, $0x1;
	s10 =	sld [smem:$0x3FBB];
	_ =	sdelay $0x3  }
0x34: {  	[smem:$0x3FBB] =	sst s10  }
0x35: {  	s10 =	sld [smem:$0x3FBA];
	_ =	sdelay $0x3  }
0x36: {  	p1 =	seq.s32 s10, $0x1;
	s10 =	sld [smem:$0x3FBB];
	_ =	sdelay $0x3  }
0x37: {  	[smem:$0x3FBB] =	sst s10  }
0x38: {  	s10 =	sld [smem:$0x3FBC]  }
0x39: {  	_ = 	snop;
	(pc) =	sbr.ind lr, $3  }
0x3a: {  	_ = 	snop  }
0x3b: {  	_ = 	snop  }
0x3c: {  	p2 =	seq.s32 s10, $0x1;
	s10 =	sld [smem:$0x3FBB]  }
0x3d: {  	_ =	shalt  }
0x3e: {  	_ =	shalt  }
0x3f: {  	_ =	shalt  }
0x40: {  	_ =	shalt  }
0x41: {  	_ =	shalt  }
0x42: {  	_ =	shalt  }
0x43: {  	_ =	shalt  }
0x44: {  	_ =	shalt  }
0x45: {  	_ =	shalt  }
0x46: {  	_ =	shalt  }
0x47: {  	_ =	shalt  }
0x48: {  	_ =	shalt  }
0x49: {  	_ =	shalt  }
0x4a: {  	_ =	shalt  }
0x4b: {  	_ =	shalt  }
0x4c: {  	_ =	shalt  }
0x4d: {  	_ =	shalt  }
0x4e: {  	_ =	shalt  }
0x4f: {  	_ =	shalt  }
0x50: {  	_ =	shalt  }
0x51: {  	_ =	shalt  }
0x52: {  	_ =	shalt  }
0x53: {  	_ =	shalt  }
0x54: {  	_ =	shalt  }
0x55: {  	_ =	shalt  }
0x56: {  	_ =	shalt  }
0x57: {  	_ =	shalt  }
0x58: {  	_ =	shalt  }
0x59: {  	_ =	shalt  }
0x5a: {  	_ =	shalt  }
0x5b: {  	_ =	shalt  }
0x5c: {  	_ =	shalt  }
0x5d: {  	_ =	shalt  }
0x5e: {  	_ =	shalt  }
0x5f: {  	_ =	shalt  }
0x60: {  	_ =	shalt  }
0x61: {  	_ =	shalt  }
0x62: {  	_ =	shalt  }
0x63: {  	_ =	shalt  }
0x64: {  	_ =	shalt  }
0x65: {  	_ =	shalt  }
0x66: {  	_ =	shalt  }
0x67: {  	_ =	shalt  }
0x68: {  	_ =	shalt  }
0x69: {  	_ =	shalt  }
0x6a: {  	_ =	shalt  }
0x6b: {  	_ =	shalt  }
0x6c: {  	_ =	shalt  }
0x6d: {  	_ =	shalt  }
0x6e: {  	_ =	shalt  }
0x6f: {  	_ =	shalt  }
0x70: {  	_ =	shalt  }
0x71: {  	_ =	shalt  }
0x72: {  	_ =	shalt  }
0x73: {  	_ =	shalt  }
0x74: {  	_ =	shalt  }
0x75: {  	_ =	shalt  }
0x76: {  	_ =	shalt  }
0x77: {  	_ =	shalt  }
0x78: {  	_ =	shalt  }
0x79: {  	_ =	shalt  }
0x7a: {  	_ =	shalt  }
0x7b: {  	_ =	shalt  }
0x7c: {  	_ =	shalt  }
0x7d: {  	_ =	shalt  }
0x7e: {  	_ =	shalt  }
0x7f: {  	_ =	shalt  }
0x80: {  	_ =	shalt  }
0x81: {  	_ =	shalt  }
0x82: {  	_ =	shalt  }
0x83: {  	_ =	shalt  }
0x84: {  	_ =	shalt  }
0x85: {  	_ =	shalt  }
0x86: {  	_ =	shalt  }
0x87: {  	_ =	shalt  }
.Lfunc_end0:
.L_simem_size_0:
called_computation_lowered:
.L_overlay_start_0:
0x88: {  	s2 =	sld [smem:$0x3FD9]  }
0x89: {  	s3 =	sld [smem:$0x3FFE];
	_ =	sdelay $0x1  }
0x8a: {  	s1 =	srdreg.scid  }
0x8b: {  	s0 =	sand.u32 $0x1, s1  }
0x8c: {  	s15 =	sshll.u32 s0, $0xA;
	s2 =	sadd.s32 s3, s2  }
0x8d: {  	s2 =	sadd.s32 s2, s15  }
0x8e: {  	[smem:$0x3FC7] =	sst s2  }
0x8f: {  	_ = 	snop  }
0x90: {  	s2 =	sld [smem:$0x3FD0];
	_ =	sdelay $0x2  }
0x91: {  	s4 =	simm.s32 $0xA;
	s5 =	simm.s32 $0x10;
	s16 =	sld [smem:$0x3FC9]  }
0x92: {  	[smem:s5], [sflag:s4] =	dma.local [hbm:s2], $0x1  }
0x93: {  	_ =	swait.eq [sflag:s4], $0x1  }
0x94: {  	[sflag:s4] =	ssyncset.done $0x0  }
0x95: {  	[sflag:s4] =	ssyncadd.s32 $0xFFFFFFFF  }
0x96: {  	s17 =	sld [smem:$0x10];
	(tm) =	ssettm $0x1  }
0x97: {  	s18 =	sld [smem:$0x3FFB];
	_ =	sdelay $0x3  }
0x98: {  	_ =	strace s18  }
0x99: {  	s4 =	sld [smem:$0x3FFC];
	_ =	sdelay $0x3  }
0x9a: {  	_ =	strace s4  }
0x9b: {  	s4 =	sld [smem:$0x3FFD];
	_ =	sdelay $0x3  }
0x9c: {  	_ =	strace s4  }
0x9d: {  	_ =	strace $0x8FFFFFFF  }
0x9e: {  	s19 =	sld [smem:$0x3FDB];
	_ =	sdelay $0x1  }
0x9f: {  	s20 =	simm.s32 $_scs_section_size  }
0xa0: {  	s6 =	simm.s32 $_size__tile_overlayer_lowered;
	s7 =	simm.s32 $_tile_overlayer_lowered  }
0xa1: {  	s23 =	simm.s32 $0x1BFF;
	s22 =	sshll.u32 s7, $0x1;
	s4 =	sadd.s32 s20, s19  }
0xa2: {  	s8 =	simm.s32 $0x0;
	s21 =	sshll.u32 s6, $0x1;
	s6 =	sadd.s32 s22, s4  }
0xa3: {  	[timem:s8], [sflag:s23] =	dma.local [hbm:s6], s21  }
0xa4: {  	_ =	swait.ge [sflag:s23], s21  }
0xa5: {  	s5 =	ssub.s32 $0x0, s21;
	[sflag:s23] =	ssyncset.done $0x0  }
0xa6: {  	[sflag:s23] =	ssyncadd.s32 s5;
	_ =	sdelay $0x1  }
0xa7: {  	s24 =	simm.s32 $0x1B8B  }
0xa8: {  	_ =	swait.ge [sflag:s24], $0x1  }
0xa9: {  	[sflag:s24] =	ssyncset.done $0x0  }
0xaa: {  	s25 =	simm.s32 $0x1B8E;
	[sflag:s24] =	ssyncadd.s32 $0xFFFFFFFF  }
0xab: {  	s26 =	simm.s32 $execute0_lowered;
	[smem:$0x3FD2] =	sst s25  }
0xac: {  	s5 =	sshll.u32 s26, $0x1;
	_ =	strace $0x80000046;
	[dreg:$0x1] =	wrdreg $0xFFFFFFFF  }
0xad: {  	s28 =	simm.s32 $_size_execute0_lowered;
	s4 =	sadd.s32 s4, s5;
	[dreg:$0x0] =	wrdreg $0x0  }
0xae: {  	s5 =	sshll.u32 s28, $0x1;
	[dreg:$0x2] =	wrdreg s4  }
0xaf: {  	[dreg:$0x3] =	wrdreg s5  }
0xb0: {  	[dreg:$0x4] =	wrdreg $0xC0  }
0xb1: {  	_ =	task [dreg:s8], $0x5FFFF  }
0xb2: {  	[dreg:$0x1] =	wrdreg $0xFFFFFFFF  }
0xb3: {  	[dreg:$0x0] =	wrdreg $0x60  }
0xb4: {  	[dreg:$0x2] =	wrdreg s16  }
0xb5: {  	[dreg:$0x3] =	wrdreg s17  }
0xb6: {  	[dreg:$0x4] =	wrdreg $0x9  }
0xb7: {  	_ =	task.clear_ibuf [dreg:s8], $0x5FFFF;
	_ =	strace $0x90000046  }
0xb8: {  	s29 =	simm.s32 $0x9;
	_ =	strace $0x80000048  }
0xb9: {  	_ =	swait.ge [sflag:s29], $0x1  }
0xba: {  	[sflag:s29] =	ssyncadd.s32 $0xFFFFFFFF  }
0xbb: {  	_ =	strace $0x90000048  }
0xbc: {  	_ =	sfence  }
0xbd: {  	s30 =	sld [smem:$0x0];
	_ =	sdelay $0x2  }
0xbe: {  	s31 =	sshll.u32 s1, $0xD;
	s1 =	sshrl.u32 s1, $0x2  }
0xbf: {  	s3 =	sand.u32 $0x4000, s31;
	s1 =	sadd.s32 s1, s30  }
0xc0: {  	s0 =	sor.u32 s3, s0;
	s1 =	sshll.u32 s1, $0x11  }
0xc1: {  	s0 =	sor.u32 s1, s0  }
0xc2: {  	s0 =	sadd.s32 $0x8F2B, s0  }
0xc3: {  	[sflag:s0] =	ssyncadd.remote.s32 $0x1  }
0xc4: {  	_ =	sfence.sel $0xFFFF  }
0xc5: {  	[dreg:$0x0] =	wrdreg $0xFFFFFFFF;
	(pc) =	sbr.abs _section_cstart, $3  }
0xc6: {  	[dreg:$0x1] =	wrdreg $0xFFFFFFFF  }
0xc7: {  	_ =	task.clear_ibuf [dreg:s8], $0x2FFFF;
	_ =	strace $0x9FFFFFFF  }
0xc8: {  	(tm) =	ssettm $0x7FFFFFFF  }
0xc9: {  	_ =	shalt  }
tec
execute0_lowered:
.L_overlay_start_1:
0x0: {  	(tag) =	ssettag $0x1  }
0x1: {  	s16 =	rddreg [dreg:$0x0]  }
0x2: {  	s0 =	srdreg.scid;
	s2 =	stileid.u32  }
0x3: {  	s18 =	rddreg [dreg:$0x1];
	s3 =	simm.s32 $0x0;
	s30 =	simm.s32 $0x9400  }
0x4: {  	s29 =	simm.s32 $0x0;
	s1 =	sand.u32 $0x1, s0;
	s26 =	sshll.u32 s2, $0x1  }
0x5: {  	[smem:$0x7FF] =	sst s3;
	s10 =	sadd.s32 $0x30, s18;
	s0 =	sor.u32 s1, s26  }
0x6: {  	s1 =	ssub.s32 $0x2, s1;
	_ =	strace $0x80000047;
	[smem:$0x7FD] =	sst s10  }
0x7: {  	s5 =	smul.u32 $0x1800, s0;
	s6 =	sor.u32 $0x20, s0;
	s7 =	sshrl.u32 s1, $0x1  }
0x8: {  	s31 =	smul.u32 $0xC00, s0;
	s19 =	sor.u32 $0x120, s0;
	s11 =	sor.u32 $0x100, s0  }
0x9: {  	s4 =	sor.u32 $0x40, s0;
	s8 =	smul.u32 $0x1800, s6;
	s1 =	ssub.s32 s1, s7  }
0xa: {  	s7 =	sadd.s32 $0x20, s18;
	s9 =	sand.u32 $0xFFFE, s19;
	s12 =	sand.u32 $0xFFFE, s11  }
0xb: {  	s13 =	sadd.s32 $0xFFFFFFB2, s4;
	p0 =	sgt.u32 s4, $0x4D;
	s6 =	smul.u32 $0xC00, s6  }
0xc: {  	s5 =	sshrl.u32 s5, $0x3;
	s14 =	sadd.s32 s18, s31;
	[smem:$0x7FB] =	sst s7  }
0xd: {  	s9 =	sshrl.u32 s9, $0x1;
	s1 =	smax.u32 s1, $0x1;
	[dreg:$0x5] =	wrdreg s14  }
0xe: {  	s12 =	sshrl.u32 s12, $0x1;
	s14 =	sadd.s32 s31, s7;
	[dreg:$0x18] =	wrdreg s1  }
0xf: {  	s28 =	sshrl.u32 s8, $0x3;
	s8 =	sadd.s32 s31, s10;
	[dreg:$0x7] =	wrdreg s14  }
0x10: {  	s13 =	smin.u32 s4, s13;
	s24 =	sadd.s32 s18, s6;
	[dreg:$0x8] =	wrdreg s8  }
0x11: {  	s17 =	sadd.s32 s16, s5;
	s9 =	smul.u32 $0x6907, s9;
	[dreg:$0xa] =	wrdreg s24  }
0x12: {  	s14 =	smov.u32 s4;
	s4 =	sadd.s32 s6, s7;
	[dreg:$0x3] =	wrdreg s17  }
0x13: {  	s12 =	smul.u32 $0x6907, s12;
	s3 =	sadd.s32 s16, s28;
	[dreg:$0xc] =	wrdreg s4  }
0x14: {  	s20 =	smul.u32 $0x1800, s13;
	s1 =	simm.s32 $0xA400;
	[dreg:$0x4] =	wrdreg s3  }
0x15: {  	s28 =	sadd.s32 $0x10, s18;
	s24 =	sor.u32 $0xA0, s0;
	[dreg:$0x1d] =	wrdreg s14  }
0x16: {  	s15 =	sadd.s32 s31, s28;
	s9 =	sshrl.u32 s9, $0x14;
	[dreg:$0x1f] =	wrdreg s24  }
0x17: {  	s12 =	sshrl.u32 s12, $0x14;
	s26 =	sadd.s32 s6, s28;
	[smem:$0x7FC] =	sst s28  }
0x18: {  	s6 =	sadd.s32 s6, s10;
	s4 =	simm.s32 $0xA000;
	[dreg:$0x6] =	wrdreg s15  }
0x19: {  	s15 =	simm.s32 $0x15F000;
	s9 =	smul.u32 $0x4E, s9;
	[dreg:$0xb] =	wrdreg s26  }
0x1a: {  	s12 =	smul.u32 $0x4E, s12;
	[dreg:$0xd] =	wrdreg s6;
	s26 =	sadd.s32 $0xEA00, s3  }
0x1b: {  	s15 =	simm.s32 @!p0 $0x0;
	p0 =	sgt.u32 s2, $0xB;
	s5 =	ssub.s32 s19, s9  }
0x1c: {  	s21 =	sadd.s32 s20, s15;
	s22 =	ssub.s32 s11, s12;
	s5 =	sand.u32 $0xFFFF, s5  }
0x1d: {  	s8 =	sshrl.u32 s21, $0x3;
	s9 =	sand.u32 $0xFFFF, s22;
	s23 =	smul.u32 $0x1800, s5  }
0x1e: {  	[dreg:$0x1b] =	wrdreg s26;
	s12 =	sadd.s32 s16, s8;
	s25 =	smul.u32 $0x6000, s9  }
0x1f: {  	[dreg:$0x9] =	wrdreg s12;
	s31 =	sshrl.u32 s23, $0x3;
	s23 =	sor.u32 $0x60, s0  }
0x20: {  	s8 =	sshrl.u32 s25, $0x3;
	s25 =	sadd.s32 $0xEA00, s17;
	[dreg:$0x19] =	wrdreg s23  }
0x21: {  	s13 =	sadd.s32 s16, s31;
	[dreg:$0x1a] =	wrdreg s25;
	s31 =	sadd.s32 $0xEA00, s12  }
0x22: {  	s5 =	smul.u32 $0x6000, s5;
	s9 =	sadd.s32 $0x83A00, s13;
	[dreg:$0x1c] =	wrdreg s31  }
0x23: {  	s15 =	sadd.s32 $0xAF800, s8;
	s6 =	sadd.s32 $0x92400, s13;
	[dreg:$0xe] =	wrdreg s9  }
0x24: {  	s26 =	simm.s32 $0x600;
	s8 =	sadd.s32 s18, s15;
	[dreg:$0xf] =	wrdreg s6  }
0x25: {  	s5 =	sshrl.u32 s5, $0x3;
	s16 =	sadd.s32 s15, s28;
	[dreg:$0x10] =	wrdreg s8  }
0x26: {  	s5 =	sadd.s32 $0xAF800, s5;
	s19 =	sadd.s32 s15, s7;
	[dreg:$0x11] =	wrdreg s16  }
0x27: {  	s11 =	simm.s32 $0x9800;
	s20 =	sadd.s32 s18, s5;
	[dreg:$0x12] =	wrdreg s19  }
0x28: {  	s17 =	simm.s32 $0x9000;
	s21 =	sadd.s32 s5, s28;
	[dreg:$0x14] =	wrdreg s20  }
0x29: {  	s23 =	simm.s32 $0x4800;
	s22 =	sadd.s32 s5, s7;
	[dreg:$0x15] =	wrdreg s21  }
.Ltmp0:
0x2a: {  	s5 =	sadd.s32 s5, s10;
	[dreg:$0x16] =	wrdreg s22;
	(pc) =	sbr.rel .LBB2_1-.Ltmp0, $4  }
0x2b: {  	s6 =	sadd.s32 s15, s10;
	[dreg:$0x17] =	wrdreg s5;
	s19 =	sor.u32 $0x80, s0  }
0x2c: {  	s9 =	simm.s32 $0x1800;
	s22 =	simm.s32 $0x3000;
	s20 =	simm.s32 $0x1  }
0x2d: {  	s21 =	simm.s32 $0x80;
	s5 =	simm.s32 $0x9C00;
	[dreg:$0x13] =	wrdreg s6  }
0x2e: {  	v0 =	vimm.f32 $0.0e+00;
	v1 =	vimm.f32 $1.000000000e+00;
	s16 =	simm.s32 $0x2;
	s10 =	simm.s32 $0x6;
	[dreg:$0x1e] =	wrdreg s19  }
.LBB2_9:
0x2f: {  	s0 =	simm.s32 $0x6  }
0x30: {  	_ =	swait.ge [sflag:s0], $0x1800  }
0x31: {  	[sflag:s0] =	ssyncset.done $0x0  }
0x32: {  	[sflag:s0] =	ssyncadd.s32 $0xFFFFE800  }
0x33: {  	_ =	swait.ge [sflag:s0], $0x1800  }
0x34: {  	[sflag:s0] =	ssyncset.done $0x0  }
0x35: {  	[sflag:s0] =	ssyncadd.s32 $0xFFFFE800  }
0x36: {  	_ =	swait.ge [sflag:s0], $0x1800  }
0x37: {  	[sflag:s0] =	ssyncset.done $0x0  }
0x38: {  	[sflag:s0] =	ssyncadd.s32 $0xFFFFE800  }
0x39: {  	_ =	swait.ge [sflag:s0], $0x1800  }
0x3a: {  	[sflag:s0] =	ssyncset.done $0x0  }
0x3b: {  	s2 =	simm.s32 @!p0 $0x4;
	[sflag:s0] =	ssyncadd.s32 $0xFFFFE800  }
0x3c: {  	_ =	swait.ge @!p0 [sflag:s2], $0x1800  }
0x3d: {  	[sflag:s2] =	ssyncset.done @!p0 $0x0  }
0x3e: {  	[sflag:s2] =	ssyncadd.s32 @!p0 $0xFFFFE800  }
0x3f: {  	_ =	swait.ge @!p0 [sflag:s2], $0x1800  }
0x40: {  	[sflag:s2] =	ssyncset.done @!p0 $0x0  }
0x41: {  	[sflag:s2] =	ssyncadd.s32 @!p0 $0xFFFFE800  }
0x42: {  	_ =	swait.ge @!p0 [sflag:s2], $0x1800  }
0x43: {  	[sflag:s2] =	ssyncset.done @!p0 $0x0  }
0x44: {  	[sflag:s2] =	ssyncadd.s32 @!p0 $0xFFFFE800  }
0x45: {  	_ =	swait.ge @!p0 [sflag:s2], $0x1800  }
0x46: {  	s29 =	sadd.s32 $0x1, s29;
	s6 =	rddreg [dreg:$0x18]  }
0x47: {  	p1 =	sne.s32 s29, s6  }
.Ltmp1:
0x48: {  	_ = 	snop;
	(pc) =	sbr.rel @!p1 .LBB2_10-.Ltmp1, $3  }
0x49: {  	_ =	sdelay $0x1  }
0x4a: {  	s22 =	simm.s32 $0x3000;
	[sflag:s2] =	ssyncset.done @!p0 $0x0  }
0x4b: {  	s23 =	simm.s32 $0x4800;
	s16 =	simm.s32 $0x2;
	[sflag:s2] =	ssyncadd.s32 @!p0 $0xFFFFE800  }
.LBB2_1:
0x4c: {  	s6 =	simm.s32 $0x0  }
.LBB2_2:
0x4d: {  	s15 =	sshrl.u32 s6, $0x3  }
0x4e: {  	s19 =	sshll.u32 s6, $0x7;
	s24 =	smul.u32 $0xC00, s15  }
0x4f: {  	s25 =	sand.u32 $0x380, s19;
	s15 =	simm.s32 $0x0  }
0x50: {  	s31 =	sor.u32 s25, s24;
	s25 =	sand.u32 $0xC00, s15  }
0x51: {  	s28 =	sand.u32 $0x70, s15;
	s2 =	sadd.s32 s31, s25  }
0x52: {  	s24 =	simm.s32 $0x10;
	s25 =	sor.u32 s28, s2  }
.LBB2_3:
0x53: {  	p1 =	sne.s32 s24, $0x170  }
0x54: {  	[tilespmem:s25+$0x9000] =	vst v0;
	s15 =	sadd.s32 $0x80, s15;
	s2 =	smov.u32 s24;
	s24 =	sadd.s32 $0x10, s24  }
.Ltmp2:
0x55: {  	[tilespmem:s25+$0xA800] =	vst v1;
	(pc) =	sbr.rel @p1 .LBB2_3-.Ltmp2, $4  }
0x56: {  	_ = 	snop  }
0x57: {  	s25 =	sand.u32 $0xC00, s15  }
0x58: {  	s2 =	sand.u32 $0x70, s2;
	s25 =	sadd.s32 s31, s25  }
0x59: {  	s25 =	sor.u32 s2, s25  }
0x5a: {  	s6 =	sadd.s32 $0x1, s6  }
0x5b: {  	p1 =	sne.s32 s6, $0x10  }
.Ltmp3:
0x5c: {  	_ = 	snop;
	(pc) =	sbr.rel @p1 .LBB2_2-.Ltmp3, $3  }
0x5d: {  	_ =	sdelay $0x1  }
0x5e: {  	[tilespmem:s25+$0x9000] =	vst v0  }
0x5f: {  	[tilespmem:s25+$0xA800] =	vst v1  }
0x60: {  	[smem:$0x7FA] =	sst s29  }
0x61: {  	s31 =	simm.s32 $0x0;
	s2 =	rddreg [dreg:$0x3]  }
0x62: {  	[tilespmem:s31], [sflag:$0x1] =	stream.linear.gather [hbm4b:s2+s31], $0x1800, $0x38;
	[tilespmem:$0xC000] =	vst v63  }
0x63: {  	s0 =	rddreg [dreg:$0x1a]  }
0x64: {  	[tilespmem:s9], [sflag:$0x1] =	stream.linear.gather [hbm4b:s0+s31], $0x1800, $0x38;
	[tilespmem:$0xC000] =	vst v63  }
0x65: {  	s3 =	rddreg [dreg:$0x4]  }
0x66: {  	[tilespmem:s22], [sflag:$0x2] =	stream.linear.gather [hbm4b:s3+s31], $0x1800, $0x38;
	[tilespmem:$0xC000] =	vst v63  }
0x67: {  	s6 =	rddreg [dreg:$0x1b]  }
0x68: {  	[tilespmem:s23], [sflag:$0x2] =	stream.linear.gather [hbm4b:s6+s31], $0x1800, $0x38;
	[tilespmem:$0xC000] =	vst v63  }
0x69: {  	_ =	swait.ge [sflag:s20], $0x1800  }
0x6a: {  	[sflag:s20] =	ssyncset.done $0x0  }
0x6b: {  	[sflag:s20] =	ssyncadd.s32 $0xFFFFE800  }
0x6c: {  	_ =	swait.ge [sflag:s20], $0x1800  }
0x6d: {  	[sflag:s20] =	ssyncset.done $0x0  }
0x6e: {  	s6 =	rddreg [dreg:$0x5];
	[sflag:s20] =	ssyncadd.s32 $0xFFFFE800  }
0x6f: {  	[hbm4b:s6+s21] =	stream.strided.scatter [tilespmem:s17], [sflag:$0x4], $0x400, s26, s21, $0x38;
	[tilespmem:$0xC000] =	vst v63  }
0x70: {  	s7 =	sadd.s32 $0x40, s6  }
0x71: {  	[hbm4b:s7+s21] =	stream.strided.scatter [tilespmem:s30], [sflag:$0x4], $0x400, s26, s21, $0x38;
	[tilespmem:$0xC000] =	vst v63  }
0x72: {  	s8 =	sadd.s32 $0x80, s6  }
0x73: {  	[hbm4b:s8+s21] =	stream.strided.scatter [tilespmem:s11], [sflag:$0x4], $0x400, s26, s21, $0x38;
	[tilespmem:$0xC000] =	vst v63  }
0x74: {  	s12 =	sadd.s32 $0x600, s6  }
0x75: {  	[hbm4b:s12+s21] =	stream.strided.scatter [tilespmem:s5], [sflag:$0x4], $0x400, s26, s21, $0x38;
	[tilespmem:$0xC000] =	vst v63  }
0x76: {  	s13 =	sadd.s32 $0x640, s6  }
0x77: {  	[hbm4b:s13+s21] =	stream.strided.scatter [tilespmem:s4], [sflag:$0x4], $0x400, s26, s21, $0x38;
	[tilespmem:$0xC000] =	vst v63  }
0x78: {  	s14 =	sadd.s32 $0x680, s6  }
0x79: {  	[hbm4b:s14+s21] =	stream.strided.scatter [tilespmem:s1], [sflag:$0x4], $0x400, s26, s21, $0x38;
	[tilespmem:$0xC000] =	vst v63  }
0x7a: {  	s15 =	rddreg [dreg:$0x6]  }
0x7b: {  	[hbm4b:s15+s21] =	stream.strided.scatter [tilespmem:s31], [sflag:$0x4], $0x400, s26, s21, $0x38;
	[tilespmem:$0xC000] =	vst v63  }
0x7c: {  	s3 =	simm.s32 $0x400;
	s18 =	sadd.s32 $0x40, s15  }
0x7d: {  	[hbm4b:s18+s21] =	stream.strided.scatter [tilespmem:s3], [sflag:$0x4], $0x400, s26, s21, $0x38;
	[tilespmem:$0xC000] =	vst v63  }
0x7e: {  	s19 =	sadd.s32 $0x80, s15;
	s20 =	simm.s32 $0x800  }
0x7f: {  	[hbm4b:s19+s21] =	stream.strided.scatter [tilespmem:s20], [sflag:$0x4], $0x400, s26, s21, $0x38;
	[tilespmem:$0xC000] =	vst v63  }
0x80: {  	s25 =	simm.s32 $0xC00;
	s24 =	sadd.s32 $0x600, s15  }
0x81: {  	[hbm4b:s24+s21] =	stream.strided.scatter [tilespmem:s25], [sflag:$0x4], $0x400, s26, s21, $0x38;
	[tilespmem:$0xC000] =	vst v63  }
0x82: {  	s0 =	simm.s32 $0x1000;
	s29 =	sadd.s32 $0x640, s15  }
0x83: {  	[hbm4b:s29+s21] =	stream.strided.scatter [tilespmem:s0], [sflag:$0x4], $0x400, s26, s21, $0x38;
	[tilespmem:$0xC000] =	vst v63  }
0x84: {  	s6 =	sadd.s32 $0x680, s15;
	s7 =	simm.s32 $0x1400  }
0x85: {  	[hbm4b:s6+s21] =	stream.strided.scatter [tilespmem:s7], [sflag:$0x4], $0x400, s26, s21, $0x38;
	[tilespmem:$0xC000] =	vst v63  }
0x86: {  	s8 =	rddreg [dreg:$0x7]  }
0x87: {  	[hbm4b:s8+s21] =	stream.strided.scatter [tilespmem:s9], [sflag:$0x4], $0x400, s26, s21, $0x38;
	[tilespmem:$0xC000] =	vst v63  }
0x88: {  	s12 =	simm.s32 $0x1C00;
	s9 =	sadd.s32 $0x40, s8  }
0x89: {  	[hbm4b:s9+s21] =	stream.strided.scatter [tilespmem:s12], [sflag:$0x4], $0x400, s26, s21, $0x38;
	[tilespmem:$0xC000] =	vst v63  }
0x8a: {  	s13 =	sadd.s32 $0x80, s8;
	s14 =	simm.s32 $0x2000  }
0x8b: {  	[hbm4b:s13+s21] =	stream.strided.scatter [tilespmem:s14], [sflag:$0x4], $0x400, s26, s21, $0x38;
	[tilespmem:$0xC000] =	vst v63  }
0x8c: {  	s15 =	sadd.s32 $0x600, s8;
	s18 =	simm.s32 $0x2400  }
0x8d: {  	[hbm4b:s15+s21] =	stream.strided.scatter [tilespmem:s18], [sflag:$0x4], $0x400, s26, s21, $0x38;
	[tilespmem:$0xC000] =	vst v63  }
0x8e: {  	s19 =	sadd.s32 $0x640, s8;
	s20 =	simm.s32 $0x2800  }
0x8f: {  	[hbm4b:s19+s21] =	stream.strided.scatter [tilespmem:s20], [sflag:$0x4], $0x400, s26, s21, $0x38;
	[tilespmem:$0xC000] =	vst v63  }
0x90: {  	s24 =	sadd.s32 $0x680, s8;
	s25 =	simm.s32 $0x2C00  }
0x91: {  	[hbm4b:s24+s21] =	stream.strided.scatter [tilespmem:s25], [sflag:$0x4], $0x400, s26, s21, $0x38;
	[tilespmem:$0xC000] =	vst v63  }
0x92: {  	s29 =	rddreg [dreg:$0x8];
	s7 =	simm.s32 $0xA800  }
0x93: {  	[hbm4b:s29+s21] =	stream.strided.scatter [tilespmem:s7], [sflag:$0x4], $0x400, s26, s21, $0x38;
	[tilespmem:$0xC000] =	vst v63  }
0x94: {  	s3 =	simm.s32 $0xAC00;
	s0 =	sadd.s32 $0x40, s29  }
0x95: {  	[hbm4b:s0+s21] =	stream.strided.scatter [tilespmem:s3], [sflag:$0x4], $0x400, s26, s21, $0x38;
	[tilespmem:$0xC000] =	vst v63  }
0x96: {  	s8 =	sadd.s32 $0x80, s29;
	s9 =	simm.s32 $0xB000  }
0x97: {  	[hbm4b:s8+s21] =	stream.strided.scatter [tilespmem:s9], [sflag:$0x4], $0x400, s26, s21, $0x38;
	[tilespmem:$0xC000] =	vst v63  }
0x98: {  	s12 =	sadd.s32 $0x600, s29;
	s14 =	simm.s32 $0xB400  }
0x99: {  	[hbm4b:s12+s21] =	stream.strided.scatter [tilespmem:s14], [sflag:$0x4], $0x400, s26, s21, $0x38;
	[tilespmem:$0xC000] =	vst v63  }
0x9a: {  	s13 =	sadd.s32 $0x640, s29;
	s8 =	simm.s32 $0xB800  }
0x9b: {  	[hbm4b:s13+s21] =	stream.strided.scatter [tilespmem:s8], [sflag:$0x4], $0x400, s26, s21, $0x38;
	[tilespmem:$0xC000] =	vst v63  }
0x9c: {  	s15 =	sadd.s32 $0x680, s29;
	s12 =	simm.s32 $0xBC00  }
0x9d: {  	[hbm4b:s15+s21] =	stream.strided.scatter [tilespmem:s12], [sflag:$0x4], $0x400, s26, s21, $0x38;
	[tilespmem:$0xC000] =	vst v63  }
0x9e: {  	s18 =	rddreg [dreg:$0x9];
	s19 =	simm.s32 $0x6000  }
0x9f: {  	[tilespmem:s19], [sflag:$0x3] =	stream.linear.gather [hbm4b:s18+s31], $0x1800, $0x38;
	[tilespmem:$0xC000] =	vst v63  }
0xa0: {  	s20 =	rddreg [dreg:$0x1c];
	s24 =	simm.s32 $0x7800  }
0xa1: {  	[tilespmem:s24], [sflag:$0x3] =	stream.linear.gather [hbm4b:s20+s31], $0x1800, $0x38;
	[tilespmem:$0xC000] =	vst v63  }
0xa2: {  	_ =	swait.ge [sflag:s16], $0x1800  }
0xa3: {  	[sflag:s16] =	ssyncset.done $0x0  }
0xa4: {  	[sflag:s16] =	ssyncadd.s32 $0xFFFFE800  }
0xa5: {  	_ =	swait.ge [sflag:s16], $0x1800  }
0xa6: {  	[sflag:s16] =	ssyncset.done $0x0  }
0xa7: {  	s25 =	rddreg [dreg:$0xa];
	[sflag:s16] =	ssyncadd.s32 $0xFFFFE800  }
0xa8: {  	[hbm4b:s25+s21] =	stream.strided.scatter [tilespmem:s17], [sflag:$0x5], $0x400, s26, s21, $0x38;
	[tilespmem:$0xC000] =	vst v63  }
0xa9: {  	s29 =	sadd.s32 $0x40, s25  }
0xaa: {  	[hbm4b:s29+s21] =	stream.strided.scatter [tilespmem:s30], [sflag:$0x5], $0x400, s26, s21, $0x38;
	[tilespmem:$0xC000] =	vst v63  }
0xab: {  	s0 =	sadd.s32 $0x80, s25  }
0xac: {  	[hbm4b:s0+s21] =	stream.strided.scatter [tilespmem:s11], [sflag:$0x5], $0x400, s26, s21, $0x38;
	[tilespmem:$0xC000] =	vst v63  }
0xad: {  	s13 =	sadd.s32 $0x600, s25  }
0xae: {  	[hbm4b:s13+s21] =	stream.strided.scatter [tilespmem:s5], [sflag:$0x5], $0x400, s26, s21, $0x38;
	[tilespmem:$0xC000] =	vst v63  }
0xaf: {  	s15 =	sadd.s32 $0x640, s25  }
0xb0: {  	[hbm4b:s15+s21] =	stream.strided.scatter [tilespmem:s4], [sflag:$0x5], $0x400, s26, s21, $0x38;
	[tilespmem:$0xC000] =	vst v63  }
0xb1: {  	s16 =	sadd.s32 $0x680, s25  }
0xb2: {  	[hbm4b:s16+s21] =	stream.strided.scatter [tilespmem:s1], [sflag:$0x5], $0x400, s26, s21, $0x38;
	[tilespmem:$0xC000] =	vst v63  }
0xb3: {  	s17 =	rddreg [dreg:$0xb]  }
0xb4: {  	[hbm4b:s17+s21] =	stream.strided.scatter [tilespmem:s22], [sflag:$0x5], $0x400, s26, s21, $0x38;
	[tilespmem:$0xC000] =	vst v63  }
0xb5: {  	s18 =	sadd.s32 $0x40, s17;
	s15 =	simm.s32 $0x3400  }
0xb6: {  	[hbm4b:s18+s21] =	stream.strided.scatter [tilespmem:s15], [sflag:$0x5], $0x400, s26, s21, $0x38;
	[tilespmem:$0xC000] =	vst v63  }
0xb7: {  	s20 =	simm.s32 $0x3800;
	s19 =	sadd.s32 $0x80, s17  }
0xb8: {  	[hbm4b:s19+s21] =	stream.strided.scatter [tilespmem:s20], [sflag:$0x5], $0x400, s26, s21, $0x38;
	[tilespmem:$0xC000] =	vst v63  }
0xb9: {  	s24 =	simm.s32 $0x3C00;
	s22 =	sadd.s32 $0x600, s17  }
0xba: {  	[hbm4b:s22+s21] =	stream.strided.scatter [tilespmem:s24], [sflag:$0x5], $0x400, s26, s21, $0x38;
	[tilespmem:$0xC000] =	vst v63  }
0xbb: {  	s25 =	sadd.s32 $0x640, s17;
	s29 =	simm.s32 $0x4000  }
0xbc: {  	[hbm4b:s25+s21] =	stream.strided.scatter [tilespmem:s29], [sflag:$0x5], $0x400, s26, s21, $0x38;
	[tilespmem:$0xC000] =	vst v63  }
0xbd: {  	s30 =	sadd.s32 $0x680, s17;
	s0 =	simm.s32 $0x4400  }
0xbe: {  	[hbm4b:s30+s21] =	stream.strided.scatter [tilespmem:s0], [sflag:$0x5], $0x400, s26, s21, $0x38;
	[tilespmem:$0xC000] =	vst v63  }
0xbf: {  	s4 =	rddreg [dreg:$0xc]  }
0xc0: {  	[hbm4b:s4+s21] =	stream.strided.scatter [tilespmem:s23], [sflag:$0x5], $0x400, s26, s21, $0x38;
	[tilespmem:$0xC000] =	vst v63  }
0xc1: {  	s11 =	simm.s32 $0x4C00;
	s5 =	sadd.s32 $0x40, s4  }
0xc2: {  	[hbm4b:s5+s21] =	stream.strided.scatter [tilespmem:s11], [sflag:$0x5], $0x400, s26, s21, $0x38;
	[tilespmem:$0xC000] =	vst v63  }
0xc3: {  	s13 =	sadd.s32 $0x80, s4;
	s0 =	simm.s32 $0x5000  }
0xc4: {  	[hbm4b:s13+s21] =	stream.strided.scatter [tilespmem:s0], [sflag:$0x5], $0x400, s26, s21, $0x38;
	[tilespmem:$0xC000] =	vst v63  }
0xc5: {  	s16 =	simm.s32 $0x5400;
	s15 =	sadd.s32 $0x600, s4  }
0xc6: {  	[hbm4b:s15+s21] =	stream.strided.scatter [tilespmem:s16], [sflag:$0x5], $0x400, s26, s21, $0x38;
	[tilespmem:$0xC000] =	vst v63  }
0xc7: {  	s17 =	sadd.s32 $0x640, s4;
	s18 =	simm.s32 $0x5800  }
0xc8: {  	[hbm4b:s17+s21] =	stream.strided.scatter [tilespmem:s18], [sflag:$0x5], $0x400, s26, s21, $0x38;
	[tilespmem:$0xC000] =	vst v63  }
0xc9: {  	s19 =	sadd.s32 $0x680, s4;
	s20 =	simm.s32 $0x5C00  }
0xca: {  	[hbm4b:s19+s21] =	stream.strided.scatter [tilespmem:s20], [sflag:$0x5], $0x400, s26, s21, $0x38;
	[tilespmem:$0xC000] =	vst v63  }
0xcb: {  	s22 =	rddreg [dreg:$0xd]  }
0xcc: {  	[hbm4b:s22+s21] =	stream.strided.scatter [tilespmem:s7], [sflag:$0x5], $0x400, s26, s21, $0x38;
	[tilespmem:$0xC000] =	vst v63  }
0xcd: {  	s23 =	sadd.s32 $0x40, s22  }
0xce: {  	[hbm4b:s23+s21] =	stream.strided.scatter [tilespmem:s3], [sflag:$0x5], $0x400, s26, s21, $0x38;
	[tilespmem:$0xC000] =	vst v63  }
0xcf: {  	s24 =	sadd.s32 $0x80, s22  }
0xd0: {  	[hbm4b:s24+s21] =	stream.strided.scatter [tilespmem:s9], [sflag:$0x5], $0x400, s26, s21, $0x38;
	[tilespmem:$0xC000] =	vst v63  }
0xd1: {  	p1 =	por $0x1, $0x1;
	s25 =	sadd.s32 $0x600, s22  }
0xd2: {  	[hbm4b:s25+s21] =	stream.strided.scatter [tilespmem:s14], [sflag:$0x5], $0x400, s26, s21, $0x38;
	[tilespmem:$0xC000] =	vst v63  }
0xd3: {  	s28 =	simm.s32 $0x1;
	s29 =	sadd.s32 $0x640, s22;
	s30 =	sadd.s32 $0x680, s22  }
0xd4: {  	[hbm4b:s29+s21] =	stream.strided.scatter [tilespmem:s8], [sflag:$0x5], $0x400, s26, s21, $0x38;
	[tilespmem:$0xC000] =	vst v63  }
0xd5: {  	s5 =	simm.s32 $0x5;
	s0 =	simm.s32 $0x4;
	s20 =	simm.s32 $0x0  }
0xd6: {  	[hbm4b:s30+s21] =	stream.strided.scatter [tilespmem:s12], [sflag:$0x5], $0x400, s26, s21, $0x38;
	[tilespmem:$0xC000] =	vst v63  }
0xd7: {  	s24 =	rddreg [dreg:$0x1];
	s9 =	simm.s32 $0x2;
	s12 =	simm.s32 $0x3  }
.LBB2_6:
0xd8: {  	_ =	swait.ge [sflag:s0], $0x1800  }
0xd9: {  	[sflag:s0] =	ssyncset.done $0x0  }
0xda: {  	[sflag:s0] =	ssyncadd.s32 $0xFFFFE800  }
0xdb: {  	s1 =	rddreg [dreg:$0x19];
	_ =	swait.ge [sflag:s0], $0x1800  }
0xdc: {  	s6 =	sadd.s32 s1, s31;
	[sflag:s0] =	ssyncset.done $0x0  }
0xdd: {  	s2 =	sshrl.u32 s6, $0x1;
	[sflag:s0] =	ssyncadd.s32 $0xFFFFE800  }
0xde: {  	s2 =	smulhi.u32 $0xD20D20D3, s2;
	_ =	swait.ge [sflag:s0], $0x1800  }
0xdf: {  	[sflag:s0] =	ssyncset.done $0x0  }
0xe0: {  	s15 =	smul.u32 $0x1800, s6;
	s2 =	sshrl.u32 s2, $0x5;
	[sflag:s0] =	ssyncadd.s32 $0xFFFFE800  }
0xe1: {  	s2 =	smul.u32 $0xEA000, s2;
	_ =	swait.ge [sflag:s0], $0x1800  }
0xe2: {  	[sflag:s0] =	ssyncset.done $0x0  }
0xe3: {  	s2 =	sadd.s32 s15, s2;
	[sflag:s0] =	ssyncadd.s32 $0xFFFFE800  }
0xe4: {  	s2 =	sshrl.u32 s2, $0x3;
	s14 =	rddreg [dreg:$0x0]  }
0xe5: {  	s2 =	sadd.s32 s14, s2  }
0xe6: {  	[tilespmem:s20], [sflag:$0x1] =	stream.linear.gather [hbm4b:s2+s20], $0x1800, $0x38;
	[tilespmem:$0xC000] =	vst v63  }
0xe7: {  	s23 =	simm.s32 $0x1800;
	s2 =	sadd.s32 $0xEA00, s2  }
0xe8: {  	[tilespmem:s23], [sflag:$0x1] =	stream.linear.gather [hbm4b:s2+s20], $0x1800, $0x38;
	[tilespmem:$0xC000] =	vst v63  }
0xe9: {  	_ =	swait.ge [sflag:s12], $0x1800  }
0xea: {  	s7 =	rddreg [dreg:$0x1d]  }
0xeb: {  	[sflag:s12] =	ssyncset.done $0x0;
	s2 =	sadd.s32 s7, s31  }
0xec: {  	[sflag:s12] =	ssyncadd.s32 $0xFFFFE800;
	s2 =	smul.u32 $0x6000, s2  }
0xed: {  	_ =	swait.ge [sflag:s12], $0x1800  }
0xee: {  	[sflag:s12] =	ssyncset.done $0x0;
	s2 =	sshrl.u32 s2, $0x3  }
0xef: {  	s4 =	simm.s32 $0x9000;
	[sflag:s12] =	ssyncadd.s32 $0xFFFFE800;
	s8 =	sadd.s32 s24, s2  }
0xf0: {  	[hbm4b:s8+s21] =	stream.strided.scatter [tilespmem:s4], [sflag:$0x6], $0x400, s26, s21, $0x38;
	[tilespmem:$0xC000] =	vst v63  }
0xf1: {  	s11 =	simm.s32 $0x9400;
	s24 =	sadd.s32 $0x40, s8  }
0xf2: {  	[hbm4b:s24+s21] =	stream.strided.scatter [tilespmem:s11], [sflag:$0x6], $0x400, s26, s21, $0x38;
	[tilespmem:$0xC000] =	vst v63  }
0xf3: {  	s17 =	simm.s32 $0x9800;
	s13 =	sadd.s32 $0x80, s8  }
0xf4: {  	[hbm4b:s13+s21] =	stream.strided.scatter [tilespmem:s17], [sflag:$0x6], $0x400, s26, s21, $0x38;
	[tilespmem:$0xC000] =	vst v63  }
0xf5: {  	s18 =	simm.s32 $0x9C00;
	s16 =	sadd.s32 $0x600, s8  }
0xf6: {  	[hbm4b:s16+s21] =	stream.strided.scatter [tilespmem:s18], [sflag:$0x6], $0x400, s26, s21, $0x38;
	[tilespmem:$0xC000] =	vst v63  }
0xf7: {  	s1 =	simm.s32 $0xA000;
	s7 =	sld [smem:$0x7FC];
	s19 =	sadd.s32 $0x640, s8  }
0xf8: {  	[hbm4b:s19+s21] =	stream.strided.scatter [tilespmem:s1], [sflag:$0x6], $0x400, s26, s21, $0x38;
	[tilespmem:$0xC000] =	vst v63  }
0xf9: {  	s30 =	simm.s32 $0xA400;
	s15 =	sadd.s32 $0x680, s8  }
0xfa: {  	[hbm4b:s15+s21] =	stream.strided.scatter [tilespmem:s30], [sflag:$0x6], $0x400, s26, s21, $0x38;
	[tilespmem:$0xC000] =	vst v63  }
0xfb: {  	s3 =	simm.s32 $0x6000;
	s15 =	sadd.s32 s2, s7  }
0xfc: {  	[hbm4b:s15+s21] =	stream.strided.scatter [tilespmem:s3], [sflag:$0x6], $0x400, s26, s21, $0x38;
	[tilespmem:$0xC000] =	vst v63  }
0xfd: {  	s25 =	simm.s32 $0x6400;
	s22 =	sadd.s32 $0x40, s15  }
0xfe: {  	[hbm4b:s22+s21] =	stream.strided.scatter [tilespmem:s25], [sflag:$0x6], $0x400, s26, s21, $0x38;
	[tilespmem:$0xC000] =	vst v63  }
0xff: {  	s8 =	simm.s32 $0x6800;
	s3 =	sadd.s32 $0x80, s15  }
0x100: {  	[hbm4b:s3+s21] =	stream.strided.scatter [tilespmem:s8], [sflag:$0x6], $0x400, s26, s21, $0x38;
	[tilespmem:$0xC000] =	vst v63  }
0x101: {  	s16 =	simm.s32 $0x6C00;
	s13 =	sadd.s32 $0x600, s15  }
0x102: {  	[hbm4b:s13+s21] =	stream.strided.scatter [tilespmem:s16], [sflag:$0x6], $0x400, s26, s21, $0x38;
	[tilespmem:$0xC000] =	vst v63  }
0x103: {  	s19 =	sadd.s32 $0x640, s15;
	s22 =	simm.s32 $0x7000;
	s13 =	sld [smem:$0x7FB]  }
0x104: {  	[hbm4b:s19+s21] =	stream.strided.scatter [tilespmem:s22], [sflag:$0x6], $0x400, s26, s21, $0x38;
	[tilespmem:$0xC000] =	vst v63  }
0x105: {  	s24 =	simm.s32 $0x7400;
	s15 =	sadd.s32 $0x680, s15  }
0x106: {  	[hbm4b:s15+s21] =	stream.strided.scatter [tilespmem:s24], [sflag:$0x6], $0x400, s26, s21, $0x38;
	[tilespmem:$0xC000] =	vst v63  }
0x107: {  	s25 =	simm.s32 $0x7800;
	s15 =	sadd.s32 s2, s13  }
0x108: {  	[hbm4b:s15+s21] =	stream.strided.scatter [tilespmem:s25], [sflag:$0x6], $0x400, s26, s21, $0x38;
	[tilespmem:$0xC000] =	vst v63  }
0x109: {  	s8 =	simm.s32 $0x7C00;
	s3 =	sadd.s32 $0x40, s15  }
0x10a: {  	[hbm4b:s3+s21] =	stream.strided.scatter [tilespmem:s8], [sflag:$0x6], $0x400, s26, s21, $0x38;
	[tilespmem:$0xC000] =	vst v63  }
0x10b: {  	s19 =	simm.s32 $0x8000;
	s16 =	sadd.s32 $0x80, s15  }
0x10c: {  	[hbm4b:s16+s21] =	stream.strided.scatter [tilespmem:s19], [sflag:$0x6], $0x400, s26, s21, $0x38;
	[tilespmem:$0xC000] =	vst v63  }
0x10d: {  	s22 =	sadd.s32 $0x600, s15;
	s25 =	simm.s32 $0x8400  }
0x10e: {  	[hbm4b:s22+s21] =	stream.strided.scatter [tilespmem:s25], [sflag:$0x6], $0x400, s26, s21, $0x38;
	[tilespmem:$0xC000] =	vst v63  }
0x10f: {  	s8 =	sadd.s32 $0x640, s15;
	s16 =	simm.s32 $0x8800  }
0x110: {  	[hbm4b:s8+s21] =	stream.strided.scatter [tilespmem:s16], [sflag:$0x6], $0x400, s26, s21, $0x38;
	[tilespmem:$0xC000] =	vst v63  }
0x111: {  	s15 =	sadd.s32 $0x680, s15;
	s19 =	simm.s32 $0x8C00  }
0x112: {  	[hbm4b:s15+s21] =	stream.strided.scatter [tilespmem:s19], [sflag:$0x6], $0x400, s26, s21, $0x38;
	[tilespmem:$0xC000] =	vst v63  }
0x113: {  	s19 =	sld [smem:$0x7FD];
	_ =	sdelay $0x2  }
0x114: {  	s8 =	simm.s32 $0xA800;
	s2 =	sadd.s32 s2, s19  }
0x115: {  	[hbm4b:s2+s21] =	stream.strided.scatter [tilespmem:s8], [sflag:$0x6], $0x400, s26, s21, $0x38;
	[tilespmem:$0xC000] =	vst v63  }
0x116: {  	s24 =	simm.s32 $0xAC00;
	s22 =	sadd.s32 $0x40, s2  }
0x117: {  	[hbm4b:s22+s21] =	stream.strided.scatter [tilespmem:s24], [sflag:$0x6], $0x400, s26, s21, $0x38;
	[tilespmem:$0xC000] =	vst v63  }
0x118: {  	s29 =	simm.s32 $0xB000;
	s25 =	sadd.s32 $0x80, s2  }
0x119: {  	[hbm4b:s25+s21] =	stream.strided.scatter [tilespmem:s29], [sflag:$0x6], $0x400, s26, s21, $0x38;
	[tilespmem:$0xC000] =	vst v63  }
0x11a: {  	s16 =	simm.s32 $0xB400;
	s3 =	sadd.s32 $0x600, s2  }
0x11b: {  	[hbm4b:s3+s21] =	stream.strided.scatter [tilespmem:s16], [sflag:$0x6], $0x400, s26, s21, $0x38;
	[tilespmem:$0xC000] =	vst v63  }
0x11c: {  	s22 =	sadd.s32 $0x640, s2;
	s16 =	simm.s32 $0xB800  }
0x11d: {  	[hbm4b:s22+s21] =	stream.strided.scatter [tilespmem:s16], [sflag:$0x6], $0x400, s26, s21, $0x38;
	[tilespmem:$0xC000] =	vst v63  }
0x11e: {  	s2 =	sadd.s32 $0x680, s2;
	s25 =	simm.s32 $0xBC00  }
0x11f: {  	[hbm4b:s2+s21] =	stream.strided.scatter [tilespmem:s25], [sflag:$0x6], $0x400, s26, s21, $0x38;
	[tilespmem:$0xC000] =	vst v63  }
0x120: {  	_ =	swait.ge [sflag:s5], $0x1800  }
0x121: {  	[sflag:s5] =	ssyncset.done $0x0;
	s24 =	rddreg [dreg:$0x1e]  }
0x122: {  	[sflag:s5] =	ssyncadd.s32 $0xFFFFE800;
	s15 =	sor.u32 s24, s31  }
0x123: {  	_ =	swait.ge [sflag:s5], $0x1800;
	s2 =	sshrl.u32 s15, $0x1  }
0x124: {  	[sflag:s5] =	ssyncset.done $0x0;
	s2 =	smulhi.u32 $0xD20D20D3, s2  }
0x125: {  	[sflag:s5] =	ssyncadd.s32 $0xFFFFE800  }
0x126: {  	s3 =	smul.u32 $0x1800, s15;
	_ =	swait.ge [sflag:s5], $0x1800;
	s2 =	sshrl.u32 s2, $0x5  }
0x127: {  	[sflag:s5] =	ssyncset.done $0x0;
	s2 =	smul.u32 $0xEA000, s2  }
0x128: {  	[sflag:s5] =	ssyncadd.s32 $0xFFFFE800  }
0x129: {  	_ =	swait.ge [sflag:s5], $0x1800;
	s2 =	sadd.s32 s3, s2  }
0x12a: {  	[sflag:s5] =	ssyncset.done $0x0;
	s2 =	sshrl.u32 s2, $0x3  }
0x12b: {  	s3 =	simm.s32 $0x3000;
	[sflag:s5] =	ssyncadd.s32 $0xFFFFE800;
	s2 =	sadd.s32 s14, s2  }
0x12c: {  	[tilespmem:s3], [sflag:$0x2] =	stream.linear.gather [hbm4b:s2+s20], $0x1800, $0x38;
	[tilespmem:$0xC000] =	vst v63  }
0x12d: {  	s22 =	simm.s32 $0x4800;
	s2 =	sadd.s32 $0xEA00, s2  }
0x12e: {  	[tilespmem:s22], [sflag:$0x2] =	stream.linear.gather [hbm4b:s2+s20], $0x1800, $0x38;
	[tilespmem:$0xC000] =	vst v63  }
0x12f: {  	_ =	swait.ge [sflag:s28], $0x1800  }
0x130: {  	[sflag:s28] =	ssyncset.done $0x0  }
0x131: {  	[sflag:s28] =	ssyncadd.s32 $0xFFFFE800  }
0x132: {  	_ =	swait.ge [sflag:s28], $0x1800  }
0x133: {  	s22 =	smul.u32 $0x6000, s6;
	[sflag:s28] =	ssyncset.done $0x0  }
0x134: {  	[sflag:s28] =	ssyncadd.s32 $0xFFFFE800  }
0x135: {  	s2 =	sshrl.u32 s22, $0x3;
	s24 =	rddreg [dreg:$0x1]  }
0x136: {  	s6 =	sadd.s32 s24, s2  }
0x137: {  	[hbm4b:s6+s21] =	stream.strided.scatter [tilespmem:s4], [sflag:$0x4], $0x400, s26, s21, $0x38;
	[tilespmem:$0xC000] =	vst v63  }
0x138: {  	s22 =	sadd.s32 $0x40, s6  }
0x139: {  	[hbm4b:s22+s21] =	stream.strided.scatter [tilespmem:s11], [sflag:$0x4], $0x400, s26, s21, $0x38;
	[tilespmem:$0xC000] =	vst v63  }
0x13a: {  	s22 =	sadd.s32 $0x80, s6  }
0x13b: {  	[hbm4b:s22+s21] =	stream.strided.scatter [tilespmem:s17], [sflag:$0x4], $0x400, s26, s21, $0x38;
	[tilespmem:$0xC000] =	vst v63  }
0x13c: {  	s22 =	sadd.s32 $0x600, s6  }
0x13d: {  	[hbm4b:s22+s21] =	stream.strided.scatter [tilespmem:s18], [sflag:$0x4], $0x400, s26, s21, $0x38;
	[tilespmem:$0xC000] =	vst v63  }
0x13e: {  	s22 =	sadd.s32 $0x640, s6  }
0x13f: {  	[hbm4b:s22+s21] =	stream.strided.scatter [tilespmem:s1], [sflag:$0x4], $0x400, s26, s21, $0x38;
	[tilespmem:$0xC000] =	vst v63  }
0x140: {  	s6 =	sadd.s32 $0x680, s6  }
0x141: {  	[hbm4b:s6+s21] =	stream.strided.scatter [tilespmem:s30], [sflag:$0x4], $0x400, s26, s21, $0x38;
	[tilespmem:$0xC000] =	vst v63  }
0x142: {  	s6 =	sadd.s32 s2, s7  }
0x143: {  	[hbm4b:s6+s21] =	stream.strided.scatter [tilespmem:s20], [sflag:$0x4], $0x400, s26, s21, $0x38;
	[tilespmem:$0xC000] =	vst v63  }
0x144: {  	s22 =	simm.s32 $0x400;
	s24 =	sadd.s32 $0x40, s6  }
0x145: {  	[hbm4b:s24+s21] =	stream.strided.scatter [tilespmem:s22], [sflag:$0x4], $0x400, s26, s21, $0x38;
	[tilespmem:$0xC000] =	vst v63  }
0x146: {  	s24 =	sadd.s32 $0x80, s6;
	s22 =	simm.s32 $0x800  }
0x147: {  	[hbm4b:s24+s21] =	stream.strided.scatter [tilespmem:s22], [sflag:$0x4], $0x400, s26, s21, $0x38;
	[tilespmem:$0xC000] =	vst v63  }
0x148: {  	s24 =	sadd.s32 $0x600, s6;
	s22 =	simm.s32 $0xC00  }
0x149: {  	[hbm4b:s24+s21] =	stream.strided.scatter [tilespmem:s22], [sflag:$0x4], $0x400, s26, s21, $0x38;
	[tilespmem:$0xC000] =	vst v63  }
0x14a: {  	s24 =	sadd.s32 $0x640, s6;
	s22 =	simm.s32 $0x1000  }
0x14b: {  	[hbm4b:s24+s21] =	stream.strided.scatter [tilespmem:s22], [sflag:$0x4], $0x400, s26, s21, $0x38;
	[tilespmem:$0xC000] =	vst v63  }
0x14c: {  	s6 =	sadd.s32 $0x680, s6;
	s24 =	simm.s32 $0x1400  }
0x14d: {  	[hbm4b:s6+s21] =	stream.strided.scatter [tilespmem:s24], [sflag:$0x4], $0x400, s26, s21, $0x38;
	[tilespmem:$0xC000] =	vst v63  }
0x14e: {  	s6 =	sadd.s32 s2, s13  }
0x14f: {  	[hbm4b:s6+s21] =	stream.strided.scatter [tilespmem:s23], [sflag:$0x4], $0x400, s26, s21, $0x38;
	[tilespmem:$0xC000] =	vst v63  }
0x150: {  	s22 =	sadd.s32 $0x40, s6;
	s23 =	simm.s32 $0x1C00  }
0x151: {  	[hbm4b:s22+s21] =	stream.strided.scatter [tilespmem:s23], [sflag:$0x4], $0x400, s26, s21, $0x38;
	[tilespmem:$0xC000] =	vst v63  }
0x152: {  	s22 =	sadd.s32 $0x80, s6;
	s23 =	simm.s32 $0x2000  }
0x153: {  	[hbm4b:s22+s21] =	stream.strided.scatter [tilespmem:s23], [sflag:$0x4], $0x400, s26, s21, $0x38;
	[tilespmem:$0xC000] =	vst v63  }
0x154: {  	s22 =	sadd.s32 $0x600, s6;
	s23 =	simm.s32 $0x2400  }
0x155: {  	[hbm4b:s22+s21] =	stream.strided.scatter [tilespmem:s23], [sflag:$0x4], $0x400, s26, s21, $0x38;
	[tilespmem:$0xC000] =	vst v63  }
0x156: {  	s22 =	sadd.s32 $0x640, s6;
	s23 =	simm.s32 $0x2800  }
0x157: {  	[hbm4b:s22+s21] =	stream.strided.scatter [tilespmem:s23], [sflag:$0x4], $0x400, s26, s21, $0x38;
	[tilespmem:$0xC000] =	vst v63  }
0x158: {  	s6 =	sadd.s32 $0x680, s6;
	s23 =	simm.s32 $0x2C00  }
0x159: {  	[hbm4b:s6+s21] =	stream.strided.scatter [tilespmem:s23], [sflag:$0x4], $0x400, s26, s21, $0x38;
	[tilespmem:$0xC000] =	vst v63  }
0x15a: {  	s2 =	sadd.s32 s2, s19  }
0x15b: {  	[hbm4b:s2+s21] =	stream.strided.scatter [tilespmem:s8], [sflag:$0x4], $0x400, s26, s21, $0x38;
	[tilespmem:$0xC000] =	vst v63  }
0x15c: {  	s22 =	sadd.s32 $0x40, s2;
	s23 =	simm.s32 $0xAC00  }
0x15d: {  	[hbm4b:s22+s21] =	stream.strided.scatter [tilespmem:s23], [sflag:$0x4], $0x400, s26, s21, $0x38;
	[tilespmem:$0xC000] =	vst v63  }
0x15e: {  	s23 =	sadd.s32 $0x80, s2  }
0x15f: {  	[hbm4b:s23+s21] =	stream.strided.scatter [tilespmem:s29], [sflag:$0x4], $0x400, s26, s21, $0x38;
	[tilespmem:$0xC000] =	vst v63  }
0x160: {  	s22 =	sadd.s32 $0x600, s2;
	s23 =	simm.s32 $0xB400  }
0x161: {  	[hbm4b:s22+s21] =	stream.strided.scatter [tilespmem:s23], [sflag:$0x4], $0x400, s26, s21, $0x38;
	[tilespmem:$0xC000] =	vst v63  }
0x162: {  	s23 =	sadd.s32 $0x640, s2  }
0x163: {  	[hbm4b:s23+s21] =	stream.strided.scatter [tilespmem:s16], [sflag:$0x4], $0x400, s26, s21, $0x38;
	[tilespmem:$0xC000] =	vst v63  }
0x164: {  	s2 =	sadd.s32 $0x680, s2  }
0x165: {  	[hbm4b:s2+s21] =	stream.strided.scatter [tilespmem:s25], [sflag:$0x4], $0x400, s26, s21, $0x38;
	[tilespmem:$0xC000] =	vst v63  }
0x166: {  	s24 =	rddreg [dreg:$0x1];
	_ =	swait.ge [sflag:s10], $0x1800  }
0x167: {  	[sflag:s10] =	ssyncset.done $0x0;
	s6 =	rddreg [dreg:$0x1f]  }
0x168: {  	[sflag:s10] =	ssyncadd.s32 $0xFFFFE800;
	s2 =	sadd.s32 s6, s31  }
0x169: {  	_ =	swait.ge [sflag:s10], $0x1800;
	s22 =	sshrl.u32 s2, $0x1  }
0x16a: {  	[sflag:s10] =	ssyncset.done $0x0;
	s6 =	smulhi.u32 $0xD20D20D3, s22  }
0x16b: {  	[sflag:s10] =	ssyncadd.s32 $0xFFFFE800  }
0x16c: {  	s2 =	smul.u32 $0x1800, s2;
	_ =	swait.ge [sflag:s10], $0x1800;
	s6 =	sshrl.u32 s6, $0x5  }
0x16d: {  	[sflag:s10] =	ssyncset.done $0x0;
	s6 =	smul.u32 $0xEA000, s6  }
0x16e: {  	[sflag:s10] =	ssyncadd.s32 $0xFFFFE800  }
0x16f: {  	_ =	swait.ge [sflag:s10], $0x1800;
	s2 =	sadd.s32 s2, s6  }
0x170: {  	[sflag:s10] =	ssyncset.done $0x0;
	s2 =	sshrl.u32 s2, $0x3  }
0x171: {  	s23 =	simm.s32 $0x6000;
	[sflag:s10] =	ssyncadd.s32 $0xFFFFE800;
	s2 =	sadd.s32 s14, s2  }
0x172: {  	[tilespmem:s23], [sflag:$0x3] =	stream.linear.gather [hbm4b:s2+s20], $0x1800, $0x38;
	[tilespmem:$0xC000] =	vst v63  }
0x173: {  	s14 =	simm.s32 $0x7800;
	s2 =	sadd.s32 $0xEA00, s2  }
0x174: {  	[tilespmem:s14], [sflag:$0x3] =	stream.linear.gather [hbm4b:s2+s20], $0x1800, $0x38;
	[tilespmem:$0xC000] =	vst v63  }
0x175: {  	_ =	swait.ge [sflag:s9], $0x1800  }
0x176: {  	[sflag:s9] =	ssyncset.done $0x0  }
0x177: {  	s6 =	smul.u32 $0x6000, s15;
	[sflag:s9] =	ssyncadd.s32 $0xFFFFE800  }
0x178: {  	_ =	swait.ge [sflag:s9], $0x1800  }
0x179: {  	s2 =	sshrl.u32 s6, $0x3;
	[sflag:s9] =	ssyncset.done $0x0  }
0x17a: {  	s6 =	sadd.s32 s24, s2;
	[sflag:s9] =	ssyncadd.s32 $0xFFFFE800  }
0x17b: {  	[hbm4b:s6+s21] =	stream.strided.scatter [tilespmem:s4], [sflag:$0x5], $0x400, s26, s21, $0x38;
	[tilespmem:$0xC000] =	vst v63  }
0x17c: {  	s15 =	sadd.s32 $0x40, s6  }
0x17d: {  	[hbm4b:s15+s21] =	stream.strided.scatter [tilespmem:s11], [sflag:$0x5], $0x400, s26, s21, $0x38;
	[tilespmem:$0xC000] =	vst v63  }
0x17e: {  	s15 =	sadd.s32 $0x80, s6  }
0x17f: {  	[hbm4b:s15+s21] =	stream.strided.scatter [tilespmem:s17], [sflag:$0x5], $0x400, s26, s21, $0x38;
	[tilespmem:$0xC000] =	vst v63  }
0x180: {  	s15 =	sadd.s32 $0x600, s6  }
0x181: {  	[hbm4b:s15+s21] =	stream.strided.scatter [tilespmem:s18], [sflag:$0x5], $0x400, s26, s21, $0x38;
	[tilespmem:$0xC000] =	vst v63  }
0x182: {  	s15 =	sadd.s32 $0x640, s6  }
0x183: {  	[hbm4b:s15+s21] =	stream.strided.scatter [tilespmem:s1], [sflag:$0x5], $0x400, s26, s21, $0x38;
	[tilespmem:$0xC000] =	vst v63  }
0x184: {  	s6 =	sadd.s32 $0x680, s6  }
0x185: {  	[hbm4b:s6+s21] =	stream.strided.scatter [tilespmem:s30], [sflag:$0x5], $0x400, s26, s21, $0x38;
	[tilespmem:$0xC000] =	vst v63  }
0x186: {  	s6 =	sadd.s32 s2, s7  }
0x187: {  	[hbm4b:s6+s21] =	stream.strided.scatter [tilespmem:s3], [sflag:$0x5], $0x400, s26, s21, $0x38;
	[tilespmem:$0xC000] =	vst v63  }
0x188: {  	s7 =	sadd.s32 $0x40, s6;
	s3 =	simm.s32 $0x3400  }
0x189: {  	[hbm4b:s7+s21] =	stream.strided.scatter [tilespmem:s3], [sflag:$0x5], $0x400, s26, s21, $0x38;
	[tilespmem:$0xC000] =	vst v63  }
0x18a: {  	s7 =	sadd.s32 $0x80, s6;
	s3 =	simm.s32 $0x3800  }
0x18b: {  	[hbm4b:s7+s21] =	stream.strided.scatter [tilespmem:s3], [sflag:$0x5], $0x400, s26, s21, $0x38;
	[tilespmem:$0xC000] =	vst v63  }
0x18c: {  	s7 =	sadd.s32 $0x600, s6;
	s3 =	simm.s32 $0x3C00  }
0x18d: {  	[hbm4b:s7+s21] =	stream.strided.scatter [tilespmem:s3], [sflag:$0x5], $0x400, s26, s21, $0x38;
	[tilespmem:$0xC000] =	vst v63  }
0x18e: {  	s7 =	sadd.s32 $0x640, s6;
	s3 =	simm.s32 $0x4000  }
0x18f: {  	[hbm4b:s7+s21] =	stream.strided.scatter [tilespmem:s3], [sflag:$0x5], $0x400, s26, s21, $0x38;
	[tilespmem:$0xC000] =	vst v63  }
0x190: {  	s6 =	sadd.s32 $0x680, s6;
	s3 =	simm.s32 $0x4400  }
0x191: {  	[hbm4b:s6+s21] =	stream.strided.scatter [tilespmem:s3], [sflag:$0x5], $0x400, s26, s21, $0x38;
	[tilespmem:$0xC000] =	vst v63  }
0x192: {  	s7 =	simm.s32 $0x4800;
	s6 =	sadd.s32 s2, s13  }
0x193: {  	[hbm4b:s6+s21] =	stream.strided.scatter [tilespmem:s7], [sflag:$0x5], $0x400, s26, s21, $0x38;
	[tilespmem:$0xC000] =	vst v63  }
0x194: {  	p2 =	por p1, p1;
	s3 =	simm.s32 $0x4C00;
	s13 =	sadd.s32 $0x40, s6  }
0x195: {  	[hbm4b:s13+s21] =	stream.strided.scatter [tilespmem:s3], [sflag:$0x5], $0x400, s26, s21, $0x38;
	[tilespmem:$0xC000] =	vst v63  }
0x196: {  	p1 =	por $0x0, $0x0;
	s13 =	sadd.s32 $0x80, s6;
	s3 =	simm.s32 $0x5000  }
0x197: {  	[hbm4b:s13+s21] =	stream.strided.scatter [tilespmem:s3], [sflag:$0x5], $0x400, s26, s21, $0x38;
	[tilespmem:$0xC000] =	vst v63  }
0x198: {  	s31 =	simm.s32 $0x60;
	s13 =	sadd.s32 $0x600, s6;
	s3 =	simm.s32 $0x5400  }
0x199: {  	[hbm4b:s13+s21] =	stream.strided.scatter [tilespmem:s3], [sflag:$0x5], $0x400, s26, s21, $0x38;
	[tilespmem:$0xC000] =	vst v63  }
0x19a: {  	s22 =	simm.s32 $0x6000;
	s13 =	sadd.s32 $0x640, s6;
	s3 =	simm.s32 $0x5800  }
0x19b: {  	[hbm4b:s13+s21] =	stream.strided.scatter [tilespmem:s3], [sflag:$0x5], $0x400, s26, s21, $0x38;
	[tilespmem:$0xC000] =	vst v63  }
0x19c: {  	s23 =	simm.s32 $0x7800;
	s6 =	sadd.s32 $0x680, s6;
	s13 =	simm.s32 $0x5C00  }
0x19d: {  	[hbm4b:s6+s21] =	stream.strided.scatter [tilespmem:s13], [sflag:$0x5], $0x400, s26, s21, $0x38;
	[tilespmem:$0xC000] =	vst v63  }
0x19e: {  	s14 =	simm.s32 $0x9000;
	s4 =	simm.s32 $0x9400;
	s2 =	sadd.s32 s2, s19  }
0x19f: {  	[hbm4b:s2+s21] =	stream.strided.scatter [tilespmem:s8], [sflag:$0x5], $0x400, s26, s21, $0x38;
	[tilespmem:$0xC000] =	vst v63  }
0x1a0: {  	s11 =	simm.s32 $0x9800;
	s19 =	simm.s32 $0xAC00;
	s15 =	sadd.s32 $0x40, s2  }
0x1a1: {  	[hbm4b:s15+s21] =	stream.strided.scatter [tilespmem:s19], [sflag:$0x5], $0x400, s26, s21, $0x38;
	[tilespmem:$0xC000] =	vst v63  }
0x1a2: {  	s17 =	simm.s32 $0x9C00;
	s18 =	simm.s32 $0xA000;
	s3 =	sadd.s32 $0x80, s2  }
0x1a3: {  	[hbm4b:s3+s21] =	stream.strided.scatter [tilespmem:s29], [sflag:$0x5], $0x400, s26, s21, $0x38;
	[tilespmem:$0xC000] =	vst v63  }
0x1a4: {  	s1 =	simm.s32 $0xA400;
	s13 =	sadd.s32 $0x600, s2;
	s15 =	simm.s32 $0xB400  }
0x1a5: {  	[hbm4b:s13+s21] =	stream.strided.scatter [tilespmem:s15], [sflag:$0x5], $0x400, s26, s21, $0x38;
	[tilespmem:$0xC000] =	vst v63  }
.Ltmp4:
0x1a6: {  	s30 =	simm.s32 $0xB000;
	s7 =	simm.s32 $0xA800;
	(pc) =	sbr.rel @p2 .LBB2_6-.Ltmp4, $4  }
0x1a7: {  	s8 =	simm.s32 $0xAC00;
	s19 =	sadd.s32 $0x640, s2;
	s2 =	sadd.s32 $0x680, s2  }
0x1a8: {  	[hbm4b:s19+s21] =	stream.strided.scatter [tilespmem:s16], [sflag:$0x5], $0x400, s26, s21, $0x38;
	[tilespmem:$0xC000] =	vst v63  }
0x1a9: {  	s29 =	simm.s32 $0xB400;
	s3 =	simm.s32 $0xB800;
	s16 =	simm.s32 $0xBC00  }
0x1aa: {  	[hbm4b:s2+s21] =	stream.strided.scatter [tilespmem:s25], [sflag:$0x5], $0x400, s26, s21, $0x38;
	[tilespmem:$0xC000] =	vst v63  }
0x1ab: {  	_ =	swait.ge [sflag:s0], $0x1800  }
0x1ac: {  	[sflag:s0] =	ssyncset.done $0x0  }
0x1ad: {  	[sflag:s0] =	ssyncadd.s32 $0xFFFFE800  }
0x1ae: {  	_ =	swait.ge [sflag:s0], $0x1800  }
0x1af: {  	[sflag:s0] =	ssyncset.done $0x0  }
0x1b0: {  	[sflag:s0] =	ssyncadd.s32 $0xFFFFE800  }
0x1b1: {  	_ =	swait.ge [sflag:s0], $0x1800  }
0x1b2: {  	[sflag:s0] =	ssyncset.done $0x0  }
0x1b3: {  	[sflag:s0] =	ssyncadd.s32 $0xFFFFE800  }
0x1b4: {  	_ =	swait.ge [sflag:s0], $0x1800  }
0x1b5: {  	[sflag:s0] =	ssyncset.done $0x0  }
0x1b6: {  	s2 =	simm.s32 @!p0 $0x0;
	s6 =	rddreg [dreg:$0xe];
	[sflag:s0] =	ssyncadd.s32 $0xFFFFE800  }
0x1b7: {  	[tilespmem:s2], [sflag:$0x1] =	stream.linear.gather @!p0 [hbm4b:s6+s2], $0x1800, $0x38;
	[tilespmem:$0xC000] =	vst v63  }
0x1b8: {  	s15 =	rddreg [dreg:$0xf];
	s6 =	simm.s32 @!p0 $0x1800  }
0x1b9: {  	[tilespmem:s6], [sflag:$0x1] =	stream.linear.gather @!p0 [hbm4b:s15+s2], $0x1800, $0x38;
	[tilespmem:$0xC000] =	vst v63  }
0x1ba: {  	_ =	swait.ge [sflag:s12], $0x1800  }
0x1bb: {  	[sflag:s12] =	ssyncset.done $0x0  }
0x1bc: {  	[sflag:s12] =	ssyncadd.s32 $0xFFFFE800  }
0x1bd: {  	_ =	swait.ge [sflag:s12], $0x1800  }
0x1be: {  	[sflag:s12] =	ssyncset.done $0x0  }
0x1bf: {  	s20 =	rddreg [dreg:$0x10];
	[sflag:s12] =	ssyncadd.s32 $0xFFFFE800  }
0x1c0: {  	[hbm4b:s20+s21] =	stream.strided.scatter [tilespmem:s14], [sflag:$0x6], $0x400, s26, s21, $0x38;
	[tilespmem:$0xC000] =	vst v63  }
0x1c1: {  	s24 =	sadd.s32 $0x40, s20  }
0x1c2: {  	[hbm4b:s24+s21] =	stream.strided.scatter [tilespmem:s4], [sflag:$0x6], $0x400, s26, s21, $0x38;
	[tilespmem:$0xC000] =	vst v63  }
0x1c3: {  	s25 =	sadd.s32 $0x80, s20  }
0x1c4: {  	[hbm4b:s25+s21] =	stream.strided.scatter [tilespmem:s11], [sflag:$0x6], $0x400, s26, s21, $0x38;
	[tilespmem:$0xC000] =	vst v63  }
0x1c5: {  	s0 =	sadd.s32 $0x600, s20  }
0x1c6: {  	[hbm4b:s0+s21] =	stream.strided.scatter [tilespmem:s17], [sflag:$0x6], $0x400, s26, s21, $0x38;
	[tilespmem:$0xC000] =	vst v63  }
0x1c7: {  	s4 =	sadd.s32 $0x640, s20  }
0x1c8: {  	[hbm4b:s4+s21] =	stream.strided.scatter [tilespmem:s18], [sflag:$0x6], $0x400, s26, s21, $0x38;
	[tilespmem:$0xC000] =	vst v63  }
0x1c9: {  	s9 =	sadd.s32 $0x680, s20  }
0x1ca: {  	[hbm4b:s9+s21] =	stream.strided.scatter [tilespmem:s1], [sflag:$0x6], $0x400, s26, s21, $0x38;
	[tilespmem:$0xC000] =	vst v63  }
0x1cb: {  	s11 =	rddreg [dreg:$0x11]  }
0x1cc: {  	[hbm4b:s11+s21] =	stream.strided.scatter [tilespmem:s22], [sflag:$0x6], $0x400, s26, s21, $0x38;
	[tilespmem:$0xC000] =	vst v63  }
0x1cd: {  	s12 =	sadd.s32 $0x40, s11;
	s9 =	simm.s32 $0x6400  }
0x1ce: {  	[hbm4b:s12+s21] =	stream.strided.scatter [tilespmem:s9], [sflag:$0x6], $0x400, s26, s21, $0x38;
	[tilespmem:$0xC000] =	vst v63  }
0x1cf: {  	s14 =	simm.s32 $0x6800;
	s13 =	sadd.s32 $0x80, s11  }
0x1d0: {  	[hbm4b:s13+s21] =	stream.strided.scatter [tilespmem:s14], [sflag:$0x6], $0x400, s26, s21, $0x38;
	[tilespmem:$0xC000] =	vst v63  }
0x1d1: {  	s15 =	sadd.s32 $0x600, s11;
	s17 =	simm.s32 $0x6C00  }
0x1d2: {  	[hbm4b:s15+s21] =	stream.strided.scatter [tilespmem:s17], [sflag:$0x6], $0x400, s26, s21, $0x38;
	[tilespmem:$0xC000] =	vst v63  }
0x1d3: {  	s19 =	simm.s32 $0x7000;
	s18 =	sadd.s32 $0x640, s11  }
0x1d4: {  	[hbm4b:s18+s21] =	stream.strided.scatter [tilespmem:s19], [sflag:$0x6], $0x400, s26, s21, $0x38;
	[tilespmem:$0xC000] =	vst v63  }
0x1d5: {  	s20 =	sadd.s32 $0x680, s11;
	s22 =	simm.s32 $0x7400  }
0x1d6: {  	[hbm4b:s20+s21] =	stream.strided.scatter [tilespmem:s22], [sflag:$0x6], $0x400, s26, s21, $0x38;
	[tilespmem:$0xC000] =	vst v63  }
0x1d7: {  	s24 =	rddreg [dreg:$0x12]  }
0x1d8: {  	[hbm4b:s24+s21] =	stream.strided.scatter [tilespmem:s23], [sflag:$0x6], $0x400, s26, s21, $0x38;
	[tilespmem:$0xC000] =	vst v63  }
0x1d9: {  	s25 =	sadd.s32 $0x40, s24;
	s0 =	simm.s32 $0x7C00  }
0x1da: {  	[hbm4b:s25+s21] =	stream.strided.scatter [tilespmem:s0], [sflag:$0x6], $0x400, s26, s21, $0x38;
	[tilespmem:$0xC000] =	vst v63  }
0x1db: {  	s4 =	simm.s32 $0x8000;
	s1 =	sadd.s32 $0x80, s24  }
0x1dc: {  	[hbm4b:s1+s21] =	stream.strided.scatter [tilespmem:s4], [sflag:$0x6], $0x400, s26, s21, $0x38;
	[tilespmem:$0xC000] =	vst v63  }
0x1dd: {  	s11 =	sadd.s32 $0x600, s24;
	s12 =	simm.s32 $0x8400  }
0x1de: {  	[hbm4b:s11+s21] =	stream.strided.scatter [tilespmem:s12], [sflag:$0x6], $0x400, s26, s21, $0x38;
	[tilespmem:$0xC000] =	vst v63  }
0x1df: {  	s13 =	sadd.s32 $0x640, s24;
	s14 =	simm.s32 $0x8800  }
0x1e0: {  	[hbm4b:s13+s21] =	stream.strided.scatter [tilespmem:s14], [sflag:$0x6], $0x400, s26, s21, $0x38;
	[tilespmem:$0xC000] =	vst v63  }
0x1e1: {  	s15 =	sadd.s32 $0x680, s24;
	s17 =	simm.s32 $0x8C00  }
0x1e2: {  	[hbm4b:s15+s21] =	stream.strided.scatter [tilespmem:s17], [sflag:$0x6], $0x400, s26, s21, $0x38;
	[tilespmem:$0xC000] =	vst v63  }
0x1e3: {  	s18 =	rddreg [dreg:$0x13]  }
0x1e4: {  	[hbm4b:s18+s21] =	stream.strided.scatter [tilespmem:s7], [sflag:$0x6], $0x400, s26, s21, $0x38;
	[tilespmem:$0xC000] =	vst v63  }
0x1e5: {  	s19 =	sadd.s32 $0x40, s18  }
0x1e6: {  	[hbm4b:s19+s21] =	stream.strided.scatter [tilespmem:s8], [sflag:$0x6], $0x400, s26, s21, $0x38;
	[tilespmem:$0xC000] =	vst v63  }
0x1e7: {  	s20 =	sadd.s32 $0x80, s18  }
0x1e8: {  	[hbm4b:s20+s21] =	stream.strided.scatter [tilespmem:s30], [sflag:$0x6], $0x400, s26, s21, $0x38;
	[tilespmem:$0xC000] =	vst v63  }
0x1e9: {  	s23 =	sadd.s32 $0x600, s18  }
0x1ea: {  	[hbm4b:s23+s21] =	stream.strided.scatter [tilespmem:s29], [sflag:$0x6], $0x400, s26, s21, $0x38;
	[tilespmem:$0xC000] =	vst v63  }
0x1eb: {  	s24 =	sadd.s32 $0x640, s18  }
0x1ec: {  	[hbm4b:s24+s21] =	stream.strided.scatter [tilespmem:s3], [sflag:$0x6], $0x400, s26, s21, $0x38;
	[tilespmem:$0xC000] =	vst v63  }
0x1ed: {  	s25 =	sadd.s32 $0x680, s18  }
0x1ee: {  	[hbm4b:s25+s21] =	stream.strided.scatter [tilespmem:s16], [sflag:$0x6], $0x400, s26, s21, $0x38;
	[tilespmem:$0xC000] =	vst v63  }
0x1ef: {  	_ =	swait.ge [sflag:s5], $0x1800  }
0x1f0: {  	s28 =	simm.s32 $0x1400;
	[sflag:s5] =	ssyncset.done $0x0  }
0x1f1: {  	s31 =	simm.s32 $0x1C00;
	s9 =	simm.s32 $0x1800;
	[sflag:s5] =	ssyncadd.s32 $0xFFFFE800  }
0x1f2: {  	s22 =	simm.s32 $0xA800;
	s4 =	simm.s32 $0xA000;
	_ =	swait.ge [sflag:s5], $0x1800  }
0x1f3: {  	s1 =	simm.s32 $0xA400;
	s11 =	simm.s32 $0x9800;
	[sflag:s5] =	ssyncset.done $0x0  }
0x1f4: {  	s12 =	simm.s32 $0x400;
	s17 =	simm.s32 $0x9000;
	[sflag:s5] =	ssyncadd.s32 $0xFFFFE800  }
0x1f5: {  	s15 =	simm.s32 $0x800;
	s18 =	simm.s32 $0xBC00;
	_ =	swait.ge [sflag:s5], $0x1800  }
.Ltmp5:
0x1f6: {  	s8 =	simm.s32 $0xB800;
	[sflag:s5] =	ssyncset.done $0x0;
	(pc) =	sbr.rel @p0 .LBB2_9-.Ltmp5, $4  }
0x1f7: {  	s30 =	simm.s32 $0x9400;
	s20 =	simm.s32 $0x1;
	[sflag:s5] =	ssyncadd.s32 $0xFFFFE800  }
0x1f8: {  	s23 =	simm.s32 $0xB400;
	s3 =	simm.s32 $0x0;
	_ =	swait.ge [sflag:s5], $0x1800  }
0x1f9: {  	s16 =	simm.s32 $0xC00;
	s25 =	simm.s32 $0x1000;
	[sflag:s5] =	ssyncset.done $0x0  }
0x1fa: {  	s29 =	sld [smem:$0x7FA];
	[sflag:s5] =	ssyncadd.s32 $0xFFFFE800;
	s5 =	simm.s32 $0x9C00  }
0x1fb: {  	_ =	swait.ge [sflag:s20], $0x1800  }
0x1fc: {  	[sflag:s20] =	ssyncset.done $0x0  }
0x1fd: {  	[sflag:s20] =	ssyncadd.s32 $0xFFFFE800  }
0x1fe: {  	_ =	swait.ge [sflag:s20], $0x1800  }
0x1ff: {  	[sflag:s20] =	ssyncset.done $0x0  }
0x200: {  	s6 =	rddreg [dreg:$0x14];
	[sflag:s20] =	ssyncadd.s32 $0xFFFFE800  }
0x201: {  	[hbm4b:s6+s21] =	stream.strided.scatter [tilespmem:s17], [sflag:$0x4], $0x400, s26, s21, $0x38;
	[tilespmem:$0xC000] =	vst v63  }
0x202: {  	s2 =	sadd.s32 $0x40, s6  }
0x203: {  	[hbm4b:s2+s21] =	stream.strided.scatter [tilespmem:s30], [sflag:$0x4], $0x400, s26, s21, $0x38;
	[tilespmem:$0xC000] =	vst v63  }
0x204: {  	s13 =	sadd.s32 $0x80, s6  }
0x205: {  	[hbm4b:s13+s21] =	stream.strided.scatter [tilespmem:s11], [sflag:$0x4], $0x400, s26, s21, $0x38;
	[tilespmem:$0xC000] =	vst v63  }
0x206: {  	s14 =	sadd.s32 $0x600, s6  }
0x207: {  	[hbm4b:s14+s21] =	stream.strided.scatter [tilespmem:s5], [sflag:$0x4], $0x400, s26, s21, $0x38;
	[tilespmem:$0xC000] =	vst v63  }
0x208: {  	s19 =	sadd.s32 $0x640, s6  }
0x209: {  	[hbm4b:s19+s21] =	stream.strided.scatter [tilespmem:s4], [sflag:$0x4], $0x400, s26, s21, $0x38;
	[tilespmem:$0xC000] =	vst v63  }
0x20a: {  	s24 =	sadd.s32 $0x680, s6  }
0x20b: {  	[hbm4b:s24+s21] =	stream.strided.scatter [tilespmem:s1], [sflag:$0x4], $0x400, s26, s21, $0x38;
	[tilespmem:$0xC000] =	vst v63  }
0x20c: {  	s0 =	rddreg [dreg:$0x15]  }
0x20d: {  	[hbm4b:s0+s21] =	stream.strided.scatter [tilespmem:s3], [sflag:$0x4], $0x400, s26, s21, $0x38;
	[tilespmem:$0xC000] =	vst v63  }
0x20e: {  	s7 =	sadd.s32 $0x40, s0  }
0x20f: {  	[hbm4b:s7+s21] =	stream.strided.scatter [tilespmem:s12], [sflag:$0x4], $0x400, s26, s21, $0x38;
	[tilespmem:$0xC000] =	vst v63  }
0x210: {  	s13 =	sadd.s32 $0x80, s0  }
0x211: {  	[hbm4b:s13+s21] =	stream.strided.scatter [tilespmem:s15], [sflag:$0x4], $0x400, s26, s21, $0x38;
	[tilespmem:$0xC000] =	vst v63  }
0x212: {  	s14 =	sadd.s32 $0x600, s0  }
0x213: {  	[hbm4b:s14+s21] =	stream.strided.scatter [tilespmem:s16], [sflag:$0x4], $0x400, s26, s21, $0x38;
	[tilespmem:$0xC000] =	vst v63  }
0x214: {  	s15 =	sadd.s32 $0x640, s0  }
0x215: {  	[hbm4b:s15+s21] =	stream.strided.scatter [tilespmem:s25], [sflag:$0x4], $0x400, s26, s21, $0x38;
	[tilespmem:$0xC000] =	vst v63  }
0x216: {  	s16 =	sadd.s32 $0x680, s0  }
0x217: {  	[hbm4b:s16+s21] =	stream.strided.scatter [tilespmem:s28], [sflag:$0x4], $0x400, s26, s21, $0x38;
	[tilespmem:$0xC000] =	vst v63  }
0x218: {  	s19 =	rddreg [dreg:$0x16]  }
0x219: {  	[hbm4b:s19+s21] =	stream.strided.scatter [tilespmem:s9], [sflag:$0x4], $0x400, s26, s21, $0x38;
	[tilespmem:$0xC000] =	vst v63  }
0x21a: {  	s24 =	sadd.s32 $0x40, s19  }
0x21b: {  	[hbm4b:s24+s21] =	stream.strided.scatter [tilespmem:s31], [sflag:$0x4], $0x400, s26, s21, $0x38;
	[tilespmem:$0xC000] =	vst v63  }
0x21c: {  	s25 =	sadd.s32 $0x80, s19;
	s28 =	simm.s32 $0x2000  }
0x21d: {  	[hbm4b:s25+s21] =	stream.strided.scatter [tilespmem:s28], [sflag:$0x4], $0x400, s26, s21, $0x38;
	[tilespmem:$0xC000] =	vst v63  }
0x21e: {  	s0 =	simm.s32 $0x2400;
	s31 =	sadd.s32 $0x600, s19  }
0x21f: {  	[hbm4b:s31+s21] =	stream.strided.scatter [tilespmem:s0], [sflag:$0x4], $0x400, s26, s21, $0x38;
	[tilespmem:$0xC000] =	vst v63  }
0x220: {  	s3 =	sadd.s32 $0x640, s19;
	s7 =	simm.s32 $0x2800  }
0x221: {  	[hbm4b:s3+s21] =	stream.strided.scatter [tilespmem:s7], [sflag:$0x4], $0x400, s26, s21, $0x38;
	[tilespmem:$0xC000] =	vst v63  }
0x222: {  	s13 =	sadd.s32 $0x680, s19;
	s14 =	simm.s32 $0x2C00  }
0x223: {  	[hbm4b:s13+s21] =	stream.strided.scatter [tilespmem:s14], [sflag:$0x4], $0x400, s26, s21, $0x38;
	[tilespmem:$0xC000] =	vst v63  }
0x224: {  	s15 =	rddreg [dreg:$0x17]  }
0x225: {  	[hbm4b:s15+s21] =	stream.strided.scatter [tilespmem:s22], [sflag:$0x4], $0x400, s26, s21, $0x38;
	[tilespmem:$0xC000] =	vst v63  }
0x226: {  	s16 =	sadd.s32 $0x40, s15;
	s19 =	simm.s32 $0xAC00  }
0x227: {  	[hbm4b:s16+s21] =	stream.strided.scatter [tilespmem:s19], [sflag:$0x4], $0x400, s26, s21, $0x38;
	[tilespmem:$0xC000] =	vst v63  }
0x228: {  	s24 =	sadd.s32 $0x80, s15;
	s22 =	simm.s32 $0xB000  }
0x229: {  	[hbm4b:s24+s21] =	stream.strided.scatter [tilespmem:s22], [sflag:$0x4], $0x400, s26, s21, $0x38;
	[tilespmem:$0xC000] =	vst v63  }
0x22a: {  	s25 =	sadd.s32 $0x600, s15  }
0x22b: {  	[hbm4b:s25+s21] =	stream.strided.scatter [tilespmem:s23], [sflag:$0x4], $0x400, s26, s21, $0x38;
	[tilespmem:$0xC000] =	vst v63  }
.Ltmp6:
0x22c: {  	_ = 	snop;
	(pc) =	sbr.rel .LBB2_9-.Ltmp6, $4  }
0x22d: {  	s28 =	sadd.s32 $0x640, s15  }
0x22e: {  	[hbm4b:s28+s21] =	stream.strided.scatter [tilespmem:s8], [sflag:$0x4], $0x400, s26, s21, $0x38;
	[tilespmem:$0xC000] =	vst v63  }
0x22f: {  	s31 =	sadd.s32 $0x680, s15  }
0x230: {  	[hbm4b:s31+s21] =	stream.strided.scatter [tilespmem:s18], [sflag:$0x4], $0x400, s26, s21, $0x38;
	[tilespmem:$0xC000] =	vst v63  }
.LBB2_10:
0x231: {  	_ =	sfence.sel $0x180000  }
0x232: {  	[bflag:$0x0] =	sbarrier.arrive $0xFFFF  }
0x233: {  	_ =	strace $0x90000047  }
0x234: {  	s0 =	stileid.u32;
	[bflag:$0x2] =	sbarrier.arrive $0xFFFF  }
0x235: {  	p0 =	sne.s32 s0, $0x0;
	s0 =	rddreg [dreg:$0x2]  }
0x236: {  	s0 =	sadd.s32 @!p0 $0x100000, s0  }
0x237: {  	[sflag:s0] =	ssyncadd.tile.s32 @!p0 $0x1;
	_ =	shalt  }
.Lfunc_end2:
_tile_overlayer_lowered:
.L_overlay_start_2:
0x238: {  	(tag) =	ssettag $0x2  }
0x239: {  	s0 =	rddreg [dreg:$0x0];
	s2 =	stileid.u32  }
0x23a: {  	s1 =	rddreg [dreg:$0x1];
	p0 =	sne.s32 s2, $0x0  }
0x23b: {  	s3 =	rddreg [dreg:$0x2];
	[bflag:$0x3] =	sbarrier.arrive $0xFFFF;
	s2 =	simm.s32 @!p0 $0x1C07  }
0x23c: {  	[timem:s3], [sflag:s2] =	dma.local @!p0 [hbm:s0], s1  }
0x23d: {  	s0 =	simm.s32 @!p0 $0x7  }
0x23e: {  	_ =	swait.ge @!p0 [sflag:s0], s1  }
0x23f: {  	s1 =	ssub.s32 @!p0 $0x0, s1;
	[sflag:s0] =	ssyncset.done @!p0 $0x0  }
0x240: {  	[sflag:s0] =	ssyncadd.s32 @!p0 s1  }
0x241: {  	[bflag:$0x3] =	sbarrier.arrive $0xFFFF  }
0x242: {  	_ =	shalt  }

</sc_bundles>
